<compile_context>
chip_gen: v7x
topology: tpu7x:2x2x1
jax: 0.10.2.dev20260603
libtpu: 0.0.44.dev20260713+nightly
codegen_flags: <defaults>
</compile_context>

<pallas_src>
import functools

import jax
import jax.numpy as jnp
from jax import lax
from jax.experimental import pallas as pl
from jax.experimental.pallas import tpu as pltpu
from jax.experimental.pallas import tpu_sc as plsc

N = 10000
E = 320000
D = 128
H = 64
NC = 2
NS = 16
NW = NC * NS
K = 80
NCH = 125
NBUF = 5
GAHEAD = 4
NPAD = 10240
RPT = NPAD // NS
RZ = 128
DPAD = NPAD
DZT = DPAD // NS
BR = 1024



def _proj2_body(x_ref, wa_ref, wb_ref, a_ref, b_ref):
    x = x_ref[...]
    a_ref[...] = jnp.dot(x, wa_ref[...], preferred_element_type=jnp.float32)
    b_ref[...] = jnp.dot(x, wb_ref[...], preferred_element_type=jnp.float32)


def _proj2(x, wa, wb):
    d = x.shape[1]
    return pl.pallas_call(
        _proj2_body,
        grid=((N + BR - 1) // BR,),
        in_specs=[
            pl.BlockSpec((BR, d), lambda i: (i, 0)),
            pl.BlockSpec((d, H), lambda i: (0, 0)),
            pl.BlockSpec((d, H), lambda i: (0, 0)),
        ],
        out_specs=[pl.BlockSpec((BR, H), lambda i: (i, 0))] * 2,
        out_shape=[jax.ShapeDtypeStruct((N, H), jnp.float32)] * 2,
    )(x, wa, wb)


def _combine2_body(s_ref, sp_ref, degp_ref, b_ref, wa_ref, wb_ref,
                   a_ref, b2_ref):
    deg = degp_ref[0] + degp_ref[1]
    rinv = 1.0 / jnp.maximum(deg, 1.0)
    s = sp_ref[0] + sp_ref[1]
    h = jnp.maximum(s_ref[...] + s * rinv[:, None] + b_ref[...], 0.0)
    a_ref[...] = jnp.dot(h, wa_ref[...], preferred_element_type=jnp.float32)
    b2_ref[...] = jnp.dot(h, wb_ref[...], preferred_element_type=jnp.float32)


def _combine2(hself, spart, degpart, bias, wa, wb):
    return pl.pallas_call(
        _combine2_body,
        grid=((N + BR - 1) // BR,),
        in_specs=[
            pl.BlockSpec((BR, H), lambda i: (i, 0)),
            pl.BlockSpec((NC, BR, H), lambda i: (0, i, 0)),
            pl.BlockSpec((NC, BR), lambda i: (0, i)),
            pl.BlockSpec((1, H), lambda i: (0, 0)),
            pl.BlockSpec((H, H), lambda i: (0, 0)),
            pl.BlockSpec((H, H), lambda i: (0, 0)),
        ],
        out_specs=[pl.BlockSpec((BR, H), lambda i: (i, 0))] * 2,
        out_shape=[jax.ShapeDtypeStruct((N, H), jnp.float32)] * 2,
    )(hself, spart, degpart, bias, wa, wb)


def _final_body(s_ref, sp_ref, degp_ref, b_ref, o_ref):
    deg = degp_ref[0] + degp_ref[1]
    rinv = 1.0 / jnp.maximum(deg, 1.0)
    s = sp_ref[0] + sp_ref[1]
    o_ref[...] = jnp.maximum(s_ref[...] + s * rinv[:, None] + b_ref[...], 0.0)


def _final(hself, spart, degpart, bias):
    return pl.pallas_call(
        _final_body,
        grid=((N + BR - 1) // BR,),
        in_specs=[
            pl.BlockSpec((BR, H), lambda i: (i, 0)),
            pl.BlockSpec((NC, BR, H), lambda i: (0, i, 0)),
            pl.BlockSpec((NC, BR), lambda i: (0, i)),
            pl.BlockSpec((1, H), lambda i: (0, 0)),
        ],
        out_specs=pl.BlockSpec((BR, H), lambda i: (i, 0)),
        out_shape=jax.ShapeDtypeStruct((N, H), jnp.float32),
    )(hself, spart, degpart, bias)



def _seg_sum_body(with_deg, *refs):
    if with_deg:
        (p_hbm, src_hbm, dst_hbm, out_hbm, deg_hbm,
         src_v, dst_v, rows_v, zbuf, zdeg,
         acc_sh, deg_sh, *sems) = refs
    else:
        (p_hbm, src_hbm, dst_hbm, out_hbm,
         src_v, dst_v, rows_v, zbuf, zdeg,
         acc_sh, deg_sh, *sems) = refs
    gsem = sems[:NBUF]
    ssem = sems[NBUF:2 * NBUF]
    dsem = sems[2 * NBUF]

    cid = lax.axis_index("c")
    sid = lax.axis_index("s")
    wid = cid * NS + sid

    def _zrow(r, c):
        for j in range(H // 16):
            zbuf[r, pl.ds(j * 16, 16)] = jnp.zeros((16,), jnp.float32)
        return c
    lax.fori_loop(0, RZ, _zrow, 0)
    for kk in range(RPT // RZ):
        pltpu.sync_copy(zbuf, acc_sh.at[pl.ds(sid * RPT + kk * RZ, RZ)])

    if with_deg:
        def _zd(r, c):
            zdeg[pl.ds(r * 16, 16)] = jnp.zeros((16,), jnp.float32)
            return c
        lax.fori_loop(0, DZT // 16, _zd, 0)
        pltpu.sync_copy(zdeg, deg_sh.at[pl.ds(sid * DZT, DZT)])
        for j in range(K // 16):
            zdeg[pl.ds(j * 16, 16)] = jnp.ones((16,), jnp.float32)

    pltpu.sync_copy(src_hbm.at[wid], src_v)
    pltpu.sync_copy(dst_hbm.at[wid], dst_v)

    for b in range(GAHEAD):
        pltpu.async_copy(p_hbm.at[src_v.at[b]], rows_v.at[b], gsem[b])

    plsc.subcore_barrier()

    def _group(gi, c):
        for u in range(NBUF):
            j = gi * NBUF + u
            pltpu.make_async_copy(p_hbm.at[pl.ds(0, K)], rows_v.at[u],
                                  gsem[u]).wait()
            u2 = (u + GAHEAD) % NBUF

            @pl.when(j >= 1)
            def _():
                pltpu.make_async_copy(rows_v.at[u2], acc_sh.at[pl.ds(0, K)],
                                      ssem[u2]).wait()
                if with_deg:
                    pltpu.make_async_copy(zdeg.at[pl.ds(0, K)],
                                          deg_sh.at[pl.ds(0, K)],
                                          dsem).wait()

            @pl.when(j + GAHEAD < NCH)
            def _():
                pltpu.async_copy(p_hbm.at[src_v.at[j + GAHEAD]],
                                 rows_v.at[u2], gsem[u2])
            pltpu.async_copy(rows_v.at[u], acc_sh.at[dst_v.at[j]],
                             ssem[u], add=True)
            if with_deg:
                pltpu.async_copy(zdeg.at[pl.ds(0, K)],
                                 deg_sh.at[dst_v.at[j]], dsem, add=True)
        return c
    lax.fori_loop(0, NCH // NBUF, _group, 0)

    pltpu.make_async_copy(rows_v.at[(NCH - 1) % NBUF],
                          acc_sh.at[pl.ds(0, K)],
                          ssem[(NCH - 1) % NBUF]).wait()
    if with_deg:
        pltpu.make_async_copy(zdeg.at[pl.ds(0, K)],
                              deg_sh.at[pl.ds(0, K)], dsem).wait()

    plsc.subcore_barrier()

    pltpu.sync_copy(acc_sh.at[pl.ds(sid * RPT, RPT)],
                    out_hbm.at[pl.ds(cid * NPAD + sid * RPT, RPT)])
    if with_deg:
        pltpu.sync_copy(deg_sh.at[pl.ds(sid * DZT, DZT)],
                        deg_hbm.at[pl.ds(cid * DPAD + sid * DZT, DZT)])


def _make_seg_sum(with_deg):
    out_type = [jax.ShapeDtypeStruct((NC * NPAD, H), jnp.float32)]
    if with_deg:
        out_type.append(jax.ShapeDtypeStruct((NC * DPAD,), jnp.float32))
    else:
        out_type = out_type[0]
    return pl.kernel(
        functools.partial(_seg_sum_body, with_deg),
        out_type=out_type,
        mesh=plsc.VectorSubcoreMesh(core_axis_name="c", subcore_axis_name="s"),
        compiler_params=pltpu.CompilerParams(use_tc_tiling_on_sc=False),
        scratch_types=[
            pltpu.VMEM((NCH, K), jnp.int32),
            pltpu.VMEM((NCH, K), jnp.int32),
            pltpu.VMEM((NBUF, K, H), jnp.float32),
            pltpu.VMEM((RZ, H), jnp.float32),
            pltpu.VMEM((DZT,), jnp.float32),
            pltpu.VMEM_SHARED((NPAD, H), jnp.float32),
            pltpu.VMEM_SHARED((DPAD,), jnp.float32),
        ] + [pltpu.SemaphoreType.DMA] * (2 * NBUF + 1),
    )


_seg_sum_deg = _make_seg_sum(True)
_seg_sum = _make_seg_sum(False)



def kernel(feats, edge_index, W_self1, W_neigh1, b1, W_self2, W_neigh2, b2):
    src = edge_index[0].reshape(NW, NCH, K)
    dst = edge_index[1].reshape(NW, NCH, K)
    b1r = b1.reshape(1, H)
    b2r = b2.reshape(1, H)

    p1, self1 = _proj2(feats, W_neigh1, W_self1)
    s1_flat, deg_flat = _seg_sum_deg(p1, src, dst)
    s1 = s1_flat.reshape(NC, NPAD, H)
    degp = deg_flat.reshape(NC, DPAD)

    p2, self2 = _combine2(self1, s1, degp, b1r, W_neigh2, W_self2)
    s2_flat = _seg_sum(p2, src, dst)
    s2 = s2_flat.reshape(NC, NPAD, H)

    return _final(self2, s2, degp, b2r)

# --- scband reference (transcript-rebuilt; emitter-appended) ---
"""Pipeline reference for scband-graph-sage-69346541962022 (READ-ONLY COPY).

The authoritative reference and input builder live on the scoring server;
editing this copy changes nothing except your own understanding.
"""

import jax, jax.numpy as jnp
import numpy as np

N_NODES = 10000
N_EDGES = 320000
D_IN = 128
H = 64


def setup_inputs(seed: int = 0) -> dict:
    key = jax.random.key(seed)
    ks = jax.random.split(key, 9)
    feats = jax.random.normal(ks[0], (N_NODES, D_IN), dtype=jnp.float32)
    edge_index = jax.random.randint(ks[1], (2, N_EDGES), 0, N_NODES, dtype=jnp.int32)
    s1 = 1.0 / np.sqrt(D_IN)
    s2 = 1.0 / np.sqrt(H)
    W_self1 = jax.random.normal(ks[2], (D_IN, H), dtype=jnp.float32) * s1
    W_neigh1 = jax.random.normal(ks[3], (D_IN, H), dtype=jnp.float32) * s1
    b1 = jnp.zeros((H,), dtype=jnp.float32)
    W_self2 = jax.random.normal(ks[4], (H, H), dtype=jnp.float32) * s2
    W_neigh2 = jax.random.normal(ks[5], (H, H), dtype=jnp.float32) * s2
    b2 = jnp.zeros((H,), dtype=jnp.float32)
    return {
        "feats": feats,
        "edge_index": edge_index,
        "W_self1": W_self1,
        "W_neigh1": W_neigh1,
        "b1": b1,
        "W_self2": W_self2,
        "W_neigh2": W_neigh2,
        "b2": b2,
    }


def _sage_layer(h, src, dst, n_nodes, W_self, W_neigh, b):
    # mean aggregator: gather src feats, segment-mean into dst nodes
    msgs = h[src]                                         # gather [E, d]
    summed = jax.ops.segment_sum(msgs, dst, num_segments=n_nodes)  # scatter-add
    deg = jax.ops.segment_sum(jnp.ones((src.shape[0],), dtype=h.dtype), dst, num_segments=n_nodes)
    h_neigh = summed / jnp.clip(deg, 1.0, None)[:, None]
    out = h @ W_self + h_neigh @ W_neigh + b
    return jax.nn.relu(out)


def reference(feats, edge_index, W_self1, W_neigh1, b1, W_self2, W_neigh2, b2):
    src = edge_index[0]
    dst = edge_index[1]
    n = feats.shape[0]
    h = _sage_layer(feats, src, dst, n, W_self1, W_neigh1, b1)
    h = _sage_layer(h, src, dst, n, W_self2, W_neigh2, b2)
    return h

if __name__ == "__main__":
    import jax
    _d = setup_inputs()
    print(jax.jit(kernel)(*tuple(_d.values())))

</pallas_src>

<mosaic_0001>
#map = affine_map<(d0, d1) -> (0, 0)>
#map1 = affine_map<(d0, d1) -> (0, 0, 0)>
module attributes {stable_mosaic.version = 14 : i64} {
  func.func @_seg_sum_body(%arg0: i32, %arg1: i32, %arg2: memref<10000x64xf32, #tpu.memory_space<hbm>>, %arg3: memref<32x125x80xi32, #tpu.memory_space<hbm>>, %arg4: memref<32x125x80xi32, #tpu.memory_space<hbm>>, %arg5: memref<20480x64xf32, #tpu.memory_space<hbm>>, %arg6: memref<125x80xi32, #tpu.memory_space<vmem>>, %arg7: memref<125x80xi32, #tpu.memory_space<vmem>>, %arg8: memref<5x80x64xf32, #tpu.memory_space<vmem>>, %arg9: memref<128x64xf32, #tpu.memory_space<vmem>>, %arg10: memref<640xf32, #tpu.memory_space<vmem>>, %arg11: memref<10240x64xf32, #tpu.memory_space<vmem_shared>>, %arg12: memref<10240xf32, #tpu.memory_space<vmem_shared>>, %arg13: memref<!tpu.dma_semaphore, #tpu.memory_space<semaphore_mem>>, %arg14: memref<!tpu.dma_semaphore, #tpu.memory_space<semaphore_mem>>, %arg15: memref<!tpu.dma_semaphore, #tpu.memory_space<semaphore_mem>>, %arg16: memref<!tpu.dma_semaphore, #tpu.memory_space<semaphore_mem>>, %arg17: memref<!tpu.dma_semaphore, #tpu.memory_space<semaphore_mem>>, %arg18: memref<!tpu.dma_semaphore, #tpu.memory_space<semaphore_mem>>, %arg19: memref<!tpu.dma_semaphore, #tpu.memory_space<semaphore_mem>>, %arg20: memref<!tpu.dma_semaphore, #tpu.memory_space<semaphore_mem>>, %arg21: memref<!tpu.dma_semaphore, #tpu.memory_space<semaphore_mem>>, %arg22: memref<!tpu.dma_semaphore, #tpu.memory_space<semaphore_mem>>, %arg23: memref<!tpu.dma_semaphore, #tpu.memory_space<semaphore_mem>>) attributes {dimension_semantics = [#tpu.dimension_semantics<core_parallel>, #tpu.dimension_semantics<subcore_parallel>], iteration_bounds = array<i64: 2, 16>, scalar_prefetch = 0 : i64, scratch_operands = 18 : i64, tpu.core_type = #tpu.core_type<sc_vector_subcore>, window_params = [{transform_indices = #map}, {transform_indices = #map1}, {transform_indices = #map1}, {transform_indices = #map}]} {
    %mul3A = arith.constant 16 : i32
    %mul3A_0 = arith.muli %arg0, %mul3A : i32
    %add3A = arith.addi %mul3A_0, %arg1 : i32
    %scan3A = arith.constant 0 : i32
    %scan3A_1 = arith.constant 0 : i32
    %scan3A_2 = arith.constant 128 : i32
    %scan3A_3 = arith.addi %scan3A_1, %scan3A_2 : i32
    %scan3A_4 = arith.constant 1 : i32
    scf.for %scan3A_101 = %scan3A_1 to %scan3A_3 step %scan3A_4  : i32 {
      %broadcast_in_dim3A = arith.constant 0.000000e+00 : f32
      %broadcast_in_dim3A_102 = vector.broadcast %broadcast_in_dim3A : f32 to vector<16xf32>
      %swap3A = arith.index_cast %scan3A_101 : i32 to index
      %swap3A_103 = arith.constant 0 : index
      %swap3A_104 = tpu.vector_load %arg9[%swap3A, %swap3A_103] {strides = array<i32>} : memref<128x64xf32, #tpu.memory_space<vmem>>, vector<1x16xf32>,
      %swap3A_105 = vector.shape_cast %swap3A_104 : vector<1x16xf32> to vector<16xf32>
      %swap3A_106 = vector.shape_cast %broadcast_in_dim3A_102 : vector<16xf32> to vector<1x16xf32>
      tpu.vector_store %arg9[%swap3A, %swap3A_103], %swap3A_106 {strides = array<i32>} : memref<128x64xf32, #tpu.memory_space<vmem>>, vector<1x16xf32>,
      %broadcast_in_dim3A_107 = arith.constant 0.000000e+00 : f32
      %broadcast_in_dim3A_108 = vector.broadcast %broadcast_in_dim3A_107 : f32 to vector<16xf32>
      %swap3A_109 = arith.index_cast %scan3A_101 : i32 to index
      %swap3A_110 = arith.constant 16 : index
      %swap3A_111 = tpu.vector_load %arg9[%swap3A_109, %swap3A_110] {strides = array<i32>} : memref<128x64xf32, #tpu.memory_space<vmem>>, vector<1x16xf32>,
      %swap3A_112 = vector.shape_cast %swap3A_111 : vector<1x16xf32> to vector<16xf32>
      %swap3A_113 = vector.shape_cast %broadcast_in_dim3A_108 : vector<16xf32> to vector<1x16xf32>
      tpu.vector_store %arg9[%swap3A_109, %swap3A_110], %swap3A_113 {strides = array<i32>} : memref<128x64xf32, #tpu.memory_space<vmem>>, vector<1x16xf32>,
      %broadcast_in_dim3A_114 = arith.constant 0.000000e+00 : f32
      %broadcast_in_dim3A_115 = vector.broadcast %broadcast_in_dim3A_114 : f32 to vector<16xf32>
      %swap3A_116 = arith.index_cast %scan3A_101 : i32 to index
      %swap3A_117 = arith.constant 32 : index
      %swap3A_118 = tpu.vector_load %arg9[%swap3A_116, %swap3A_117] {strides = array<i32>} : memref<128x64xf32, #tpu.memory_space<vmem>>, vector<1x16xf32>,
      %swap3A_119 = vector.shape_cast %swap3A_118 : vector<1x16xf32> to vector<16xf32>
      %swap3A_120 = vector.shape_cast %broadcast_in_dim3A_115 : vector<16xf32> to vector<1x16xf32>
      tpu.vector_store %arg9[%swap3A_116, %swap3A_117], %swap3A_120 {strides = array<i32>} : memref<128x64xf32, #tpu.memory_space<vmem>>, vector<1x16xf32>,
      %broadcast_in_dim3A_121 = arith.constant 0.000000e+00 : f32
      %broadcast_in_dim3A_122 = vector.broadcast %broadcast_in_dim3A_121 : f32 to vector<16xf32>
      %swap3A_123 = arith.index_cast %scan3A_101 : i32 to index
      %swap3A_124 = arith.constant 48 : index
      %swap3A_125 = tpu.vector_load %arg9[%swap3A_123, %swap3A_124] {strides = array<i32>} : memref<128x64xf32, #tpu.memory_space<vmem>>, vector<1x16xf32>,
      %swap3A_126 = vector.shape_cast %swap3A_125 : vector<1x16xf32> to vector<16xf32>
      %swap3A_127 = vector.shape_cast %broadcast_in_dim3A_122 : vector<16xf32> to vector<1x16xf32>
      tpu.vector_store %arg9[%swap3A_123, %swap3A_124], %swap3A_127 {strides = array<i32>} : memref<128x64xf32, #tpu.memory_space<vmem>>, vector<1x16xf32>,
    }
    %scan3A_5 = arith.constant 128 : i32
    %mul3A_6 = arith.constant 640 : i32
    %mul3A_7 = arith.muli %arg1, %mul3A_6 : i32
    %add3A_8 = arith.constant 0 : i32
    %add3A_9 = arith.addi %mul3A_7, %add3A_8 : i32
    "tpu.region"() ({
      %run_scoped3A = tpu.sem_alloc : memref<!tpu.dma_semaphore, #tpu.memory_space<semaphore_mem>>
      %dma_start3A_101 = arith.constant 0 : i32
      %dma_start3A_102 = tpu.memref_slice %arg11[%add3A_9, %dma_start3A_101] : memref<10240x64xf32, #tpu.memory_space<vmem_shared>> -> memref<128x64xf32, #tpu.memory_space<vmem_shared>>
      %dma_start3A_103 = arith.constant 0 : i32
      %dma_start3A_104 = tpu.memref_slice %arg11[%add3A_9, %dma_start3A_103] : memref<10240x64xf32, #tpu.memory_space<vmem_shared>> -> memref<128x64xf32, #tpu.memory_space<vmem_shared>>
      tpu.enqueue_dma source(%arg9 : memref<128x64xf32, #tpu.memory_space<vmem>>) target(%dma_start3A_104 : memref<128x64xf32, #tpu.memory_space<vmem_shared>>) target_semaphore(%run_scoped3A : memref<!tpu.dma_semaphore, #tpu.memory_space<semaphore_mem>>)
      %dma_wait3A_105 = arith.constant 0 : i32
      %dma_wait3A_106 = tpu.memref_slice %arg11[%add3A_9, %dma_wait3A_105] : memref<10240x64xf32, #tpu.memory_space<vmem_shared>> -> memref<128x64xf32, #tpu.memory_space<vmem_shared>>
      %dma_wait3A_107 = arith.constant 0 : i32
      %dma_wait3A_108 = tpu.memref_slice %arg11[%add3A_9, %dma_wait3A_107] : memref<10240x64xf32, #tpu.memory_space<vmem_shared>> -> memref<128x64xf32, #tpu.memory_space<vmem_shared>>
      tpu.wait_dma2 semaphore(%run_scoped3A : memref<!tpu.dma_semaphore, #tpu.memory_space<semaphore_mem>>) src(%arg9 : memref<128x64xf32, #tpu.memory_space<vmem>>) dst(%dma_wait3A_108 : memref<128x64xf32, #tpu.memory_space<vmem_shared>>)
      tpu.yield
    }) : () -> ()
    %mul3A_10 = arith.constant 640 : i32
    %mul3A_11 = arith.muli %arg1, %mul3A_10 : i32
    %add3A_12 = arith.constant 128 : i32
    %add3A_13 = arith.addi %mul3A_11, %add3A_12 : i32
    "tpu.region"() ({
      %run_scoped3A = tpu.sem_alloc : memref<!tpu.dma_semaphore, #tpu.memory_space<semaphore_mem>>
      %dma_start3A_101 = arith.constant 0 : i32
      %dma_start3A_102 = tpu.memref_slice %arg11[%add3A_13, %dma_start3A_101] : memref<10240x64xf32, #tpu.memory_space<vmem_shared>> -> memref<128x64xf32, #tpu.memory_space<vmem_shared>>
      %dma_start3A_103 = arith.constant 0 : i32
      %dma_start3A_104 = tpu.memref_slice %arg11[%add3A_13, %dma_start3A_103] : memref<10240x64xf32, #tpu.memory_space<vmem_shared>> -> memref<128x64xf32, #tpu.memory_space<vmem_shared>>
      tpu.enqueue_dma source(%arg9 : memref<128x64xf32, #tpu.memory_space<vmem>>) target(%dma_start3A_104 : memref<128x64xf32, #tpu.memory_space<vmem_shared>>) target_semaphore(%run_scoped3A : memref<!tpu.dma_semaphore, #tpu.memory_space<semaphore_mem>>)
      %dma_wait3A_105 = arith.constant 0 : i32
      %dma_wait3A_106 = tpu.memref_slice %arg11[%add3A_13, %dma_wait3A_105] : memref<10240x64xf32, #tpu.memory_space<vmem_shared>> -> memref<128x64xf32, #tpu.memory_space<vmem_shared>>
      %dma_wait3A_107 = arith.constant 0 : i32
      %dma_wait3A_108 = tpu.memref_slice %arg11[%add3A_13, %dma_wait3A_107] : memref<10240x64xf32, #tpu.memory_space<vmem_shared>> -> memref<128x64xf32, #tpu.memory_space<vmem_shared>>
      tpu.wait_dma2 semaphore(%run_scoped3A : memref<!tpu.dma_semaphore, #tpu.memory_space<semaphore_mem>>) src(%arg9 : memref<128x64xf32, #tpu.memory_space<vmem>>) dst(%dma_wait3A_108 : memref<128x64xf32, #tpu.memory_space<vmem_shared>>)
      tpu.yield
    }) : () -> ()
    %mul3A_14 = arith.constant 640 : i32
    %mul3A_15 = arith.muli %arg1, %mul3A_14 : i32
    %add3A_16 = arith.constant 256 : i32
    %add3A_17 = arith.addi %mul3A_15, %add3A_16 : i32
    "tpu.region"() ({
      %run_scoped3A = tpu.sem_alloc : memref<!tpu.dma_semaphore, #tpu.memory_space<semaphore_mem>>
      %dma_start3A_101 = arith.constant 0 : i32
      %dma_start3A_102 = tpu.memref_slice %arg11[%add3A_17, %dma_start3A_101] : memref<10240x64xf32, #tpu.memory_space<vmem_shared>> -> memref<128x64xf32, #tpu.memory_space<vmem_shared>>
      %dma_start3A_103 = arith.constant 0 : i32
      %dma_start3A_104 = tpu.memref_slice %arg11[%add3A_17, %dma_start3A_103] : memref<10240x64xf32, #tpu.memory_space<vmem_shared>> -> memref<128x64xf32, #tpu.memory_space<vmem_shared>>
      tpu.enqueue_dma source(%arg9 : memref<128x64xf32, #tpu.memory_space<vmem>>) target(%dma_start3A_104 : memref<128x64xf32, #tpu.memory_space<vmem_shared>>) target_semaphore(%run_scoped3A : memref<!tpu.dma_semaphore, #tpu.memory_space<semaphore_mem>>)
      %dma_wait3A_105 = arith.constant 0 : i32
      %dma_wait3A_106 = tpu.memref_slice %arg11[%add3A_17, %dma_wait3A_105] : memref<10240x64xf32, #tpu.memory_space<vmem_shared>> -> memref<128x64xf32, #tpu.memory_space<vmem_shared>>
      %dma_wait3A_107 = arith.constant 0 : i32
      %dma_wait3A_108 = tpu.memref_slice %arg11[%add3A_17, %dma_wait3A_107] : memref<10240x64xf32, #tpu.memory_space<vmem_shared>> -> memref<128x64xf32, #tpu.memory_space<vmem_shared>>
      tpu.wait_dma2 semaphore(%run_scoped3A : memref<!tpu.dma_semaphore, #tpu.memory_space<semaphore_mem>>) src(%arg9 : memref<128x64xf32, #tpu.memory_space<vmem>>) dst(%dma_wait3A_108 : memref<128x64xf32, #tpu.memory_space<vmem_shared>>)
      tpu.yield
    }) : () -> ()
    %mul3A_18 = arith.constant 640 : i32
    %mul3A_19 = arith.muli %arg1, %mul3A_18 : i32
    %add3A_20 = arith.constant 384 : i32
    %add3A_21 = arith.addi %mul3A_19, %add3A_20 : i32
    "tpu.region"() ({
      %run_scoped3A = tpu.sem_alloc : memref<!tpu.dma_semaphore, #tpu.memory_space<semaphore_mem>>
      %dma_start3A_101 = arith.constant 0 : i32
      %dma_start3A_102 = tpu.memref_slice %arg11[%add3A_21, %dma_start3A_101] : memref<10240x64xf32, #tpu.memory_space<vmem_shared>> -> memref<128x64xf32, #tpu.memory_space<vmem_shared>>
      %dma_start3A_103 = arith.constant 0 : i32
      %dma_start3A_104 = tpu.memref_slice %arg11[%add3A_21, %dma_start3A_103] : memref<10240x64xf32, #tpu.memory_space<vmem_shared>> -> memref<128x64xf32, #tpu.memory_space<vmem_shared>>
      tpu.enqueue_dma source(%arg9 : memref<128x64xf32, #tpu.memory_space<vmem>>) target(%dma_start3A_104 : memref<128x64xf32, #tpu.memory_space<vmem_shared>>) target_semaphore(%run_scoped3A : memref<!tpu.dma_semaphore, #tpu.memory_space<semaphore_mem>>)
      %dma_wait3A_105 = arith.constant 0 : i32
      %dma_wait3A_106 = tpu.memref_slice %arg11[%add3A_21, %dma_wait3A_105] : memref<10240x64xf32, #tpu.memory_space<vmem_shared>> -> memref<128x64xf32, #tpu.memory_space<vmem_shared>>
      %dma_wait3A_107 = arith.constant 0 : i32
      %dma_wait3A_108 = tpu.memref_slice %arg11[%add3A_21, %dma_wait3A_107] : memref<10240x64xf32, #tpu.memory_space<vmem_shared>> -> memref<128x64xf32, #tpu.memory_space<vmem_shared>>
      tpu.wait_dma2 semaphore(%run_scoped3A : memref<!tpu.dma_semaphore, #tpu.memory_space<semaphore_mem>>) src(%arg9 : memref<128x64xf32, #tpu.memory_space<vmem>>) dst(%dma_wait3A_108 : memref<128x64xf32, #tpu.memory_space<vmem_shared>>)
      tpu.yield
    }) : () -> ()
    %mul3A_22 = arith.constant 640 : i32
    %mul3A_23 = arith.muli %arg1, %mul3A_22 : i32
    %add3A_24 = arith.constant 512 : i32
    %add3A_25 = arith.addi %mul3A_23, %add3A_24 : i32
    "tpu.region"() ({
      %run_scoped3A = tpu.sem_alloc : memref<!tpu.dma_semaphore, #tpu.memory_space<semaphore_mem>>
      %dma_start3A_101 = arith.constant 0 : i32
      %dma_start3A_102 = tpu.memref_slice %arg11[%add3A_25, %dma_start3A_101] : memref<10240x64xf32, #tpu.memory_space<vmem_shared>> -> memref<128x64xf32, #tpu.memory_space<vmem_shared>>
      %dma_start3A_103 = arith.constant 0 : i32
      %dma_start3A_104 = tpu.memref_slice %arg11[%add3A_25, %dma_start3A_103] : memref<10240x64xf32, #tpu.memory_space<vmem_shared>> -> memref<128x64xf32, #tpu.memory_space<vmem_shared>>
      tpu.enqueue_dma source(%arg9 : memref<128x64xf32, #tpu.memory_space<vmem>>) target(%dma_start3A_104 : memref<128x64xf32, #tpu.memory_space<vmem_shared>>) target_semaphore(%run_scoped3A : memref<!tpu.dma_semaphore, #tpu.memory_space<semaphore_mem>>)
      %dma_wait3A_105 = arith.constant 0 : i32
      %dma_wait3A_106 = tpu.memref_slice %arg11[%add3A_25, %dma_wait3A_105] : memref<10240x64xf32, #tpu.memory_space<vmem_shared>> -> memref<128x64xf32, #tpu.memory_space<vmem_shared>>
      %dma_wait3A_107 = arith.constant 0 : i32
      %dma_wait3A_108 = tpu.memref_slice %arg11[%add3A_25, %dma_wait3A_107] : memref<10240x64xf32, #tpu.memory_space<vmem_shared>> -> memref<128x64xf32, #tpu.memory_space<vmem_shared>>
      tpu.wait_dma2 semaphore(%run_scoped3A : memref<!tpu.dma_semaphore, #tpu.memory_space<semaphore_mem>>) src(%arg9 : memref<128x64xf32, #tpu.memory_space<vmem>>) dst(%dma_wait3A_108 : memref<128x64xf32, #tpu.memory_space<vmem_shared>>)
      tpu.yield
    }) : () -> ()
    "tpu.region"() ({
      %run_scoped3A = tpu.sem_alloc : memref<!tpu.dma_semaphore, #tpu.memory_space<semaphore_mem>>
      %dma_start3A_101 = arith.constant 0 : i32
      %dma_start3A_102 = arith.constant 0 : i32
      %dma_start3A_103 = tpu.memref_slice %arg3[%add3A, %dma_start3A_101, %dma_start3A_102] : memref<32x125x80xi32, #tpu.memory_space<hbm>> -> memref<1x125x80xi32, #tpu.memory_space<hbm>>
      %dma_start3A_104 = tpu.memref_squeeze %dma_start3A_103 : memref<1x125x80xi32, #tpu.memory_space<hbm>> -> memref<125x80xi32, #tpu.memory_space<hbm>>
      %dma_start3A_105 = arith.constant 0 : i32
      %dma_start3A_106 = arith.constant 0 : i32
      %dma_start3A_107 = tpu.memref_slice %arg3[%add3A, %dma_start3A_105, %dma_start3A_106] : memref<32x125x80xi32, #tpu.memory_space<hbm>> -> memref<1x125x80xi32, #tpu.memory_space<hbm>>
      %dma_start3A_108 = tpu.memref_squeeze %dma_start3A_107 : memref<1x125x80xi32, #tpu.memory_space<hbm>> -> memref<125x80xi32, #tpu.memory_space<hbm>>
      tpu.enqueue_dma source(%dma_start3A_108 : memref<125x80xi32, #tpu.memory_space<hbm>>) target(%arg6 : memref<125x80xi32, #tpu.memory_space<vmem>>) target_semaphore(%run_scoped3A : memref<!tpu.dma_semaphore, #tpu.memory_space<semaphore_mem>>)
      %dma_wait3A_109 = arith.constant 0 : i32
      %dma_wait3A_110 = arith.constant 0 : i32
      %dma_wait3A_111 = tpu.memref_slice %arg3[%add3A, %dma_wait3A_109, %dma_wait3A_110] : memref<32x125x80xi32, #tpu.memory_space<hbm>> -> memref<1x125x80xi32, #tpu.memory_space<hbm>>
      %dma_wait3A_112 = tpu.memref_squeeze %dma_wait3A_111 : memref<1x125x80xi32, #tpu.memory_space<hbm>> -> memref<125x80xi32, #tpu.memory_space<hbm>>
      %dma_wait3A_113 = arith.constant 0 : i32
      %dma_wait3A_114 = arith.constant 0 : i32
      %dma_wait3A_115 = tpu.memref_slice %arg3[%add3A, %dma_wait3A_113, %dma_wait3A_114] : memref<32x125x80xi32, #tpu.memory_space<hbm>> -> memref<1x125x80xi32, #tpu.memory_space<hbm>>
      %dma_wait3A_116 = tpu.memref_squeeze %dma_wait3A_115 : memref<1x125x80xi32, #tpu.memory_space<hbm>> -> memref<125x80xi32, #tpu.memory_space<hbm>>
      tpu.wait_dma2 semaphore(%run_scoped3A : memref<!tpu.dma_semaphore, #tpu.memory_space<semaphore_mem>>) src(%dma_wait3A_116 : memref<125x80xi32, #tpu.memory_space<hbm>>) dst(%arg6 : memref<125x80xi32, #tpu.memory_space<vmem>>)
      tpu.yield
    }) : () -> ()
    "tpu.region"() ({
      %run_scoped3A = tpu.sem_alloc : memref<!tpu.dma_semaphore, #tpu.memory_space<semaphore_mem>>
      %dma_start3A_101 = arith.constant 0 : i32
      %dma_start3A_102 = arith.constant 0 : i32
      %dma_start3A_103 = tpu.memref_slice %arg4[%add3A, %dma_start3A_101, %dma_start3A_102] : memref<32x125x80xi32, #tpu.memory_space<hbm>> -> memref<1x125x80xi32, #tpu.memory_space<hbm>>
      %dma_start3A_104 = tpu.memref_squeeze %dma_start3A_103 : memref<1x125x80xi32, #tpu.memory_space<hbm>> -> memref<125x80xi32, #tpu.memory_space<hbm>>
      %dma_start3A_105 = arith.constant 0 : i32
      %dma_start3A_106 = arith.constant 0 : i32
      %dma_start3A_107 = tpu.memref_slice %arg4[%add3A, %dma_start3A_105, %dma_start3A_106] : memref<32x125x80xi32, #tpu.memory_space<hbm>> -> memref<1x125x80xi32, #tpu.memory_space<hbm>>
      %dma_start3A_108 = tpu.memref_squeeze %dma_start3A_107 : memref<1x125x80xi32, #tpu.memory_space<hbm>> -> memref<125x80xi32, #tpu.memory_space<hbm>>
      tpu.enqueue_dma source(%dma_start3A_108 : memref<125x80xi32, #tpu.memory_space<hbm>>) target(%arg7 : memref<125x80xi32, #tpu.memory_space<vmem>>) target_semaphore(%run_scoped3A : memref<!tpu.dma_semaphore, #tpu.memory_space<semaphore_mem>>)
      %dma_wait3A_109 = arith.constant 0 : i32
      %dma_wait3A_110 = arith.constant 0 : i32
      %dma_wait3A_111 = tpu.memref_slice %arg4[%add3A, %dma_wait3A_109, %dma_wait3A_110] : memref<32x125x80xi32, #tpu.memory_space<hbm>> -> memref<1x125x80xi32, #tpu.memory_space<hbm>>
      %dma_wait3A_112 = tpu.memref_squeeze %dma_wait3A_111 : memref<1x125x80xi32, #tpu.memory_space<hbm>> -> memref<125x80xi32, #tpu.memory_space<hbm>>
      %dma_wait3A_113 = arith.constant 0 : i32
      %dma_wait3A_114 = arith.constant 0 : i32
      %dma_wait3A_115 = tpu.memref_slice %arg4[%add3A, %dma_wait3A_113, %dma_wait3A_114] : memref<32x125x80xi32, #tpu.memory_space<hbm>> -> memref<1x125x80xi32, #tpu.memory_space<hbm>>
      %dma_wait3A_116 = tpu.memref_squeeze %dma_wait3A_115 : memref<1x125x80xi32, #tpu.memory_space<hbm>> -> memref<125x80xi32, #tpu.memory_space<hbm>>
      tpu.wait_dma2 semaphore(%run_scoped3A : memref<!tpu.dma_semaphore, #tpu.memory_space<semaphore_mem>>) src(%dma_wait3A_116 : memref<125x80xi32, #tpu.memory_space<hbm>>) dst(%arg7 : memref<125x80xi32, #tpu.memory_space<vmem>>)
      tpu.yield
    }) : () -> ()
    %dma_start3A = arith.constant 0 : i32
    %dma_start3A_26 = arith.constant 0 : i32
    %dma_start3A_27 = arith.constant 0 : i32
    %dma_start3A_28 = arith.constant 0 : i32
    %dma_start3A_29 = tpu.memref_slice %arg8[%dma_start3A_26, %dma_start3A_27, %dma_start3A_28] : memref<5x80x64xf32, #tpu.memory_space<vmem>> -> memref<1x80x64xf32, #tpu.memory_space<vmem>>
    %dma_start3A_30 = tpu.memref_squeeze %dma_start3A_29 : memref<1x80x64xf32, #tpu.memory_space<vmem>> -> memref<80x64xf32, #tpu.memory_space<vmem>>
    %dma_start3A_31 = arith.constant 0 : i32
    %dma_start3A_32 = tpu.memref_slice %arg6[%dma_start3A, %dma_start3A_31] : memref<125x80xi32, #tpu.memory_space<vmem>> -> memref<1x80xi32, #tpu.memory_space<vmem>>
    %dma_start3A_33 = tpu.memref_squeeze %dma_start3A_32 : memref<1x80xi32, #tpu.memory_space<vmem>> -> memref<80xi32, #tpu.memory_space<vmem>>
    %dma_start3A_34 = arith.constant 0 : i32
    %dma_start3A_35 = arith.constant 0 : i32
    %dma_start3A_36 = tpu.memref_slice %arg2[%dma_start3A_34, %dma_start3A_35] : memref<10000x64xf32, #tpu.memory_space<hbm>> -> memref<10000x64xf32, #tpu.memory_space<hbm>>
    tpu.enqueue_indirect_dma source(%dma_start3A_36 : memref<10000x64xf32, #tpu.memory_space<hbm>>) target(%dma_start3A_30 : memref<80x64xf32, #tpu.memory_space<vmem>>) offsets(%dma_start3A_33 : memref<80xi32, #tpu.memory_space<vmem>>) semaphore(%arg13 : memref<!tpu.dma_semaphore, #tpu.memory_space<semaphore_mem>>)
    %dma_start3A_37 = arith.constant 1 : i32
    %dma_start3A_38 = arith.constant 1 : i32
    %dma_start3A_39 = arith.constant 0 : i32
    %dma_start3A_40 = arith.constant 0 : i32
    %dma_start3A_41 = tpu.memref_slice %arg8[%dma_start3A_38, %dma_start3A_39, %dma_start3A_40] : memref<5x80x64xf32, #tpu.memory_space<vmem>> -> memref<1x80x64xf32, #tpu.memory_space<vmem>>
    %dma_start3A_42 = tpu.memref_squeeze %dma_start3A_41 : memref<1x80x64xf32, #tpu.memory_space<vmem>> -> memref<80x64xf32, #tpu.memory_space<vmem>>
    %dma_start3A_43 = arith.constant 0 : i32
    %dma_start3A_44 = tpu.memref_slice %arg6[%dma_start3A_37, %dma_start3A_43] : memref<125x80xi32, #tpu.memory_space<vmem>> -> memref<1x80xi32, #tpu.memory_space<vmem>>
    %dma_start3A_45 = tpu.memref_squeeze %dma_start3A_44 : memref<1x80xi32, #tpu.memory_space<vmem>> -> memref<80xi32, #tpu.memory_space<vmem>>
    %dma_start3A_46 = arith.constant 0 : i32
    %dma_start3A_47 = arith.constant 0 : i32
    %dma_start3A_48 = tpu.memref_slice %arg2[%dma_start3A_46, %dma_start3A_47] : memref<10000x64xf32, #tpu.memory_space<hbm>> -> memref<10000x64xf32, #tpu.memory_space<hbm>>
    tpu.enqueue_indirect_dma source(%dma_start3A_48 : memref<10000x64xf32, #tpu.memory_space<hbm>>) target(%dma_start3A_42 : memref<80x64xf32, #tpu.memory_space<vmem>>) offsets(%dma_start3A_45 : memref<80xi32, #tpu.memory_space<vmem>>) semaphore(%arg14 : memref<!tpu.dma_semaphore, #tpu.memory_space<semaphore_mem>>)
    %dma_start3A_49 = arith.constant 2 : i32
    %dma_start3A_50 = arith.constant 2 : i32
    %dma_start3A_51 = arith.constant 0 : i32
    %dma_start3A_52 = arith.constant 0 : i32
    %dma_start3A_53 = tpu.memref_slice %arg8[%dma_start3A_50, %dma_start3A_51, %dma_start3A_52] : memref<5x80x64xf32, #tpu.memory_space<vmem>> -> memref<1x80x64xf32, #tpu.memory_space<vmem>>
    %dma_start3A_54 = tpu.memref_squeeze %dma_start3A_53 : memref<1x80x64xf32, #tpu.memory_space<vmem>> -> memref<80x64xf32, #tpu.memory_space<vmem>>
    %dma_start3A_55 = arith.constant 0 : i32
    %dma_start3A_56 = tpu.memref_slice %arg6[%dma_start3A_49, %dma_start3A_55] : memref<125x80xi32, #tpu.memory_space<vmem>> -> memref<1x80xi32, #tpu.memory_space<vmem>>
    %dma_start3A_57 = tpu.memref_squeeze %dma_start3A_56 : memref<1x80xi32, #tpu.memory_space<vmem>> -> memref<80xi32, #tpu.memory_space<vmem>>
    %dma_start3A_58 = arith.constant 0 : i32
    %dma_start3A_59 = arith.constant 0 : i32
    %dma_start3A_60 = tpu.memref_slice %arg2[%dma_start3A_58, %dma_start3A_59] : memref<10000x64xf32, #tpu.memory_space<hbm>> -> memref<10000x64xf32, #tpu.memory_space<hbm>>
    tpu.enqueue_indirect_dma source(%dma_start3A_60 : memref<10000x64xf32, #tpu.memory_space<hbm>>) target(%dma_start3A_54 : memref<80x64xf32, #tpu.memory_space<vmem>>) offsets(%dma_start3A_57 : memref<80xi32, #tpu.memory_space<vmem>>) semaphore(%arg15 : memref<!tpu.dma_semaphore, #tpu.memory_space<semaphore_mem>>)
    %dma_start3A_61 = arith.constant 3 : i32
    %dma_start3A_62 = arith.constant 3 : i32
    %dma_start3A_63 = arith.constant 0 : i32
    %dma_start3A_64 = arith.constant 0 : i32
    %dma_start3A_65 = tpu.memref_slice %arg8[%dma_start3A_62, %dma_start3A_63, %dma_start3A_64] : memref<5x80x64xf32, #tpu.memory_space<vmem>> -> memref<1x80x64xf32, #tpu.memory_space<vmem>>
    %dma_start3A_66 = tpu.memref_squeeze %dma_start3A_65 : memref<1x80x64xf32, #tpu.memory_space<vmem>> -> memref<80x64xf32, #tpu.memory_space<vmem>>
    %dma_start3A_67 = arith.constant 0 : i32
    %dma_start3A_68 = tpu.memref_slice %arg6[%dma_start3A_61, %dma_start3A_67] : memref<125x80xi32, #tpu.memory_space<vmem>> -> memref<1x80xi32, #tpu.memory_space<vmem>>
    %dma_start3A_69 = tpu.memref_squeeze %dma_start3A_68 : memref<1x80xi32, #tpu.memory_space<vmem>> -> memref<80xi32, #tpu.memory_space<vmem>>
    %dma_start3A_70 = arith.constant 0 : i32
    %dma_start3A_71 = arith.constant 0 : i32
    %dma_start3A_72 = tpu.memref_slice %arg2[%dma_start3A_70, %dma_start3A_71] : memref<10000x64xf32, #tpu.memory_space<hbm>> -> memref<10000x64xf32, #tpu.memory_space<hbm>>
    tpu.enqueue_indirect_dma source(%dma_start3A_72 : memref<10000x64xf32, #tpu.memory_space<hbm>>) target(%dma_start3A_66 : memref<80x64xf32, #tpu.memory_space<vmem>>) offsets(%dma_start3A_69 : memref<80xi32, #tpu.memory_space<vmem>>) semaphore(%arg16 : memref<!tpu.dma_semaphore, #tpu.memory_space<semaphore_mem>>)
    %barrier3A = arith.constant 0 : index
    tpu.barrier barrier_id(%barrier3A)
    %scan3A_73 = arith.constant 0 : i32
    %scan3A_74 = arith.constant 0 : i32
    %scan3A_75 = arith.constant 25 : i32
    %scan3A_76 = arith.addi %scan3A_74, %scan3A_75 : i32
    %scan3A_77 = arith.constant 1 : i32
    scf.for %scan3A_101 = %scan3A_74 to %scan3A_76 step %scan3A_77  : i32 {
      %mul3A_102 = arith.constant 5 : i32
      %mul3A_103 = arith.muli %scan3A_101, %mul3A_102 : i32
      %add3A_104 = arith.constant 0 : i32
      %add3A_105 = arith.addi %mul3A_103, %add3A_104 : i32
      %dma_wait3A_106 = arith.constant 0 : i32
      %dma_wait3A_107 = arith.constant 0 : i32
      %dma_wait3A_108 = arith.constant 0 : i32
      %dma_wait3A_109 = tpu.memref_slice %arg8[%dma_wait3A_106, %dma_wait3A_107, %dma_wait3A_108] : memref<5x80x64xf32, #tpu.memory_space<vmem>> -> memref<1x80x64xf32, #tpu.memory_space<vmem>>
      %dma_wait3A_110 = tpu.memref_squeeze %dma_wait3A_109 : memref<1x80x64xf32, #tpu.memory_space<vmem>> -> memref<80x64xf32, #tpu.memory_space<vmem>>
      %dma_wait3A_111 = arith.constant 0 : i32
      %dma_wait3A_112 = arith.constant 0 : i32
      %dma_wait3A_113 = tpu.memref_slice %arg2[%dma_wait3A_111, %dma_wait3A_112] : memref<10000x64xf32, #tpu.memory_space<hbm>> -> memref<80x64xf32, #tpu.memory_space<hbm>>
      %dma_wait3A_114 = arith.constant 0 : i32
      %dma_wait3A_115 = arith.constant 0 : i32
      %dma_wait3A_116 = tpu.memref_slice %arg8[%dma_wait3A_106, %dma_wait3A_114, %dma_wait3A_115] : memref<5x80x64xf32, #tpu.memory_space<vmem>> -> memref<1x80x64xf32, #tpu.memory_space<vmem>>
      %dma_wait3A_117 = tpu.memref_squeeze %dma_wait3A_116 : memref<1x80x64xf32, #tpu.memory_space<vmem>> -> memref<80x64xf32, #tpu.memory_space<vmem>>
      %dma_wait3A_118 = arith.constant 0 : i32
      %dma_wait3A_119 = arith.constant 0 : i32
      %dma_wait3A_120 = tpu.memref_slice %arg2[%dma_wait3A_118, %dma_wait3A_119] : memref<10000x64xf32, #tpu.memory_space<hbm>> -> memref<80x64xf32, #tpu.memory_space<hbm>>
      tpu.wait_dma2 semaphore(%arg13 : memref<!tpu.dma_semaphore, #tpu.memory_space<semaphore_mem>>) src(%dma_wait3A_120 : memref<80x64xf32, #tpu.memory_space<hbm>>) dst(%dma_wait3A_117 : memref<80x64xf32, #tpu.memory_space<vmem>>)
      %ge3A = arith.constant 1 : i32
      %ge3A_121 = arith.cmpi sge, %add3A_105, %ge3A : i32
      %convert_element_type3A = arith.extui %ge3A_121 : i1 to i32
      %cond3A = arith.constant 0 : i32
      %cond3A_122 = arith.cmpi ne, %convert_element_type3A, %cond3A : i32
      scf.if %cond3A_122 {
        %dma_wait3A_308 = arith.constant 4 : i32
        %dma_wait3A_309 = arith.constant 0 : i32
        %dma_wait3A_310 = arith.constant 0 : i32
        %dma_wait3A_311 = tpu.memref_slice %arg8[%dma_wait3A_308, %dma_wait3A_309, %dma_wait3A_310] : memref<5x80x64xf32, #tpu.memory_space<vmem>> -> memref<1x80x64xf32, #tpu.memory_space<vmem>>
        %dma_wait3A_312 = tpu.memref_squeeze %dma_wait3A_311 : memref<1x80x64xf32, #tpu.memory_space<vmem>> -> memref<80x64xf32, #tpu.memory_space<vmem>>
        %dma_wait3A_313 = arith.constant 0 : i32
        %dma_wait3A_314 = arith.constant 0 : i32
        %dma_wait3A_315 = tpu.memref_slice %arg11[%dma_wait3A_313, %dma_wait3A_314] : memref<10240x64xf32, #tpu.memory_space<vmem_shared>> -> memref<80x64xf32, #tpu.memory_space<vmem_shared>>
        %dma_wait3A_316 = arith.constant 0 : i32
        %dma_wait3A_317 = arith.constant 0 : i32
        %dma_wait3A_318 = tpu.memref_slice %arg11[%dma_wait3A_316, %dma_wait3A_317] : memref<10240x64xf32, #tpu.memory_space<vmem_shared>> -> memref<80x64xf32, #tpu.memory_space<vmem_shared>>
        %dma_wait3A_319 = arith.constant 0 : i32
        %dma_wait3A_320 = arith.constant 0 : i32
        %dma_wait3A_321 = tpu.memref_slice %arg8[%dma_wait3A_308, %dma_wait3A_319, %dma_wait3A_320] : memref<5x80x64xf32, #tpu.memory_space<vmem>> -> memref<1x80x64xf32, #tpu.memory_space<vmem>>
        %dma_wait3A_322 = tpu.memref_squeeze %dma_wait3A_321 : memref<1x80x64xf32, #tpu.memory_space<vmem>> -> memref<80x64xf32, #tpu.memory_space<vmem>>
        tpu.wait_dma2 semaphore(%arg22 : memref<!tpu.dma_semaphore, #tpu.memory_space<semaphore_mem>>) src(%dma_wait3A_322 : memref<80x64xf32, #tpu.memory_space<vmem>>) dst(%dma_wait3A_318 : memref<80x64xf32, #tpu.memory_space<vmem_shared>>)
      } else {
      }
      %add3A_123 = arith.constant 4 : i32
      %add3A_124 = arith.addi %add3A_105, %add3A_123 : i32
      %lt3A = arith.constant 125 : i32
      %lt3A_125 = arith.cmpi slt, %add3A_124, %lt3A : i32
      %convert_element_type3A_126 = arith.extui %lt3A_125 : i1 to i32
      %cond3A_127 = arith.constant 0 : i32
      %cond3A_128 = arith.cmpi ne, %convert_element_type3A_126, %cond3A_127 : i32
      scf.if %cond3A_128 {
        %add3A_308 = arith.constant 4 : i32
        %add3A_309 = arith.addi %add3A_105, %add3A_308 : i32
        %dma_start3A_310 = arith.constant 4 : i32
        %dma_start3A_311 = arith.constant 0 : i32
        %dma_start3A_312 = arith.constant 0 : i32
        %dma_start3A_313 = tpu.memref_slice %arg8[%dma_start3A_310, %dma_start3A_311, %dma_start3A_312] : memref<5x80x64xf32, #tpu.memory_space<vmem>> -> memref<1x80x64xf32, #tpu.memory_space<vmem>>
        %dma_start3A_314 = tpu.memref_squeeze %dma_start3A_313 : memref<1x80x64xf32, #tpu.memory_space<vmem>> -> memref<80x64xf32, #tpu.memory_space<vmem>>
        %dma_start3A_315 = arith.constant 0 : i32
        %dma_start3A_316 = tpu.memref_slice %arg6[%add3A_309, %dma_start3A_315] : memref<125x80xi32, #tpu.memory_space<vmem>> -> memref<1x80xi32, #tpu.memory_space<vmem>>
        %dma_start3A_317 = tpu.memref_squeeze %dma_start3A_316 : memref<1x80xi32, #tpu.memory_space<vmem>> -> memref<80xi32, #tpu.memory_space<vmem>>
        %dma_start3A_318 = arith.constant 0 : i32
        %dma_start3A_319 = arith.constant 0 : i32
        %dma_start3A_320 = tpu.memref_slice %arg2[%dma_start3A_318, %dma_start3A_319] : memref<10000x64xf32, #tpu.memory_space<hbm>> -> memref<10000x64xf32, #tpu.memory_space<hbm>>
        tpu.enqueue_indirect_dma source(%dma_start3A_320 : memref<10000x64xf32, #tpu.memory_space<hbm>>) target(%dma_start3A_314 : memref<80x64xf32, #tpu.memory_space<vmem>>) offsets(%dma_start3A_317 : memref<80xi32, #tpu.memory_space<vmem>>) semaphore(%arg17 : memref<!tpu.dma_semaphore, #tpu.memory_space<semaphore_mem>>)
      } else {
      }
      %dma_start3A_129 = arith.constant 0 : i32
      %dma_start3A_130 = arith.constant 0 : i32
      %dma_start3A_131 = arith.constant 0 : i32
      %dma_start3A_132 = tpu.memref_slice %arg8[%dma_start3A_129, %dma_start3A_130, %dma_start3A_131] : memref<5x80x64xf32, #tpu.memory_space<vmem>> -> memref<1x80x64xf32, #tpu.memory_space<vmem>>
      %dma_start3A_133 = tpu.memref_squeeze %dma_start3A_132 : memref<1x80x64xf32, #tpu.memory_space<vmem>> -> memref<80x64xf32, #tpu.memory_space<vmem>>
      %dma_start3A_134 = arith.constant 0 : i32
      %dma_start3A_135 = tpu.memref_slice %arg7[%add3A_105, %dma_start3A_134] : memref<125x80xi32, #tpu.memory_space<vmem>> -> memref<1x80xi32, #tpu.memory_space<vmem>>
      %dma_start3A_136 = tpu.memref_squeeze %dma_start3A_135 : memref<1x80xi32, #tpu.memory_space<vmem>> -> memref<80xi32, #tpu.memory_space<vmem>>
      %dma_start3A_137 = arith.constant 0 : i32
      %dma_start3A_138 = arith.constant 0 : i32
      %dma_start3A_139 = tpu.memref_slice %arg11[%dma_start3A_137, %dma_start3A_138] : memref<10240x64xf32, #tpu.memory_space<vmem_shared>> -> memref<10240x64xf32, #tpu.memory_space<vmem_shared>>
      tpu.enqueue_indirect_dma source(%dma_start3A_133 : memref<80x64xf32, #tpu.memory_space<vmem>>) target(%dma_start3A_139 : memref<10240x64xf32, #tpu.memory_space<vmem_shared>>) offsets(%dma_start3A_136 : memref<80xi32, #tpu.memory_space<vmem>>) semaphore(%arg18 : memref<!tpu.dma_semaphore, #tpu.memory_space<semaphore_mem>>) {add = true}
      %mul3A_140 = arith.constant 5 : i32
      %mul3A_141 = arith.muli %scan3A_101, %mul3A_140 : i32
      %add3A_142 = arith.constant 1 : i32
      %add3A_143 = arith.addi %mul3A_141, %add3A_142 : i32
      %dma_wait3A_144 = arith.constant 1 : i32
      %dma_wait3A_145 = arith.constant 0 : i32
      %dma_wait3A_146 = arith.constant 0 : i32
      %dma_wait3A_147 = tpu.memref_slice %arg8[%dma_wait3A_144, %dma_wait3A_145, %dma_wait3A_146] : memref<5x80x64xf32, #tpu.memory_space<vmem>> -> memref<1x80x64xf32, #tpu.memory_space<vmem>>
      %dma_wait3A_148 = tpu.memref_squeeze %dma_wait3A_147 : memref<1x80x64xf32, #tpu.memory_space<vmem>> -> memref<80x64xf32, #tpu.memory_space<vmem>>
      %dma_wait3A_149 = arith.constant 0 : i32
      %dma_wait3A_150 = arith.constant 0 : i32
      %dma_wait3A_151 = tpu.memref_slice %arg2[%dma_wait3A_149, %dma_wait3A_150] : memref<10000x64xf32, #tpu.memory_space<hbm>> -> memref<80x64xf32, #tpu.memory_space<hbm>>
      %dma_wait3A_152 = arith.constant 0 : i32
      %dma_wait3A_153 = arith.constant 0 : i32
      %dma_wait3A_154 = tpu.memref_slice %arg8[%dma_wait3A_144, %dma_wait3A_152, %dma_wait3A_153] : memref<5x80x64xf32, #tpu.memory_space<vmem>> -> memref<1x80x64xf32, #tpu.memory_space<vmem>>
      %dma_wait3A_155 = tpu.memref_squeeze %dma_wait3A_154 : memref<1x80x64xf32, #tpu.memory_space<vmem>> -> memref<80x64xf32, #tpu.memory_space<vmem>>
      %dma_wait3A_156 = arith.constant 0 : i32
      %dma_wait3A_157 = arith.constant 0 : i32
      %dma_wait3A_158 = tpu.memref_slice %arg2[%dma_wait3A_156, %dma_wait3A_157] : memref<10000x64xf32, #tpu.memory_space<hbm>> -> memref<80x64xf32, #tpu.memory_space<hbm>>
      tpu.wait_dma2 semaphore(%arg14 : memref<!tpu.dma_semaphore, #tpu.memory_space<semaphore_mem>>) src(%dma_wait3A_158 : memref<80x64xf32, #tpu.memory_space<hbm>>) dst(%dma_wait3A_155 : memref<80x64xf32, #tpu.memory_space<vmem>>)
      %ge3A_159 = arith.constant 1 : i32
      %ge3A_160 = arith.cmpi sge, %add3A_143, %ge3A_159 : i32
      %convert_element_type3A_161 = arith.extui %ge3A_160 : i1 to i32
      %cond3A_162 = arith.constant 0 : i32
      %cond3A_163 = arith.cmpi ne, %convert_element_type3A_161, %cond3A_162 : i32
      scf.if %cond3A_163 {
        %dma_wait3A_308 = arith.constant 0 : i32
        %dma_wait3A_309 = arith.constant 0 : i32
        %dma_wait3A_310 = arith.constant 0 : i32
        %dma_wait3A_311 = tpu.memref_slice %arg8[%dma_wait3A_308, %dma_wait3A_309, %dma_wait3A_310] : memref<5x80x64xf32, #tpu.memory_space<vmem>> -> memref<1x80x64xf32, #tpu.memory_space<vmem>>
        %dma_wait3A_312 = tpu.memref_squeeze %dma_wait3A_311 : memref<1x80x64xf32, #tpu.memory_space<vmem>> -> memref<80x64xf32, #tpu.memory_space<vmem>>
        %dma_wait3A_313 = arith.constant 0 : i32
        %dma_wait3A_314 = arith.constant 0 : i32
        %dma_wait3A_315 = tpu.memref_slice %arg11[%dma_wait3A_313, %dma_wait3A_314] : memref<10240x64xf32, #tpu.memory_space<vmem_shared>> -> memref<80x64xf32, #tpu.memory_space<vmem_shared>>
        %dma_wait3A_316 = arith.constant 0 : i32
        %dma_wait3A_317 = arith.constant 0 : i32
        %dma_wait3A_318 = tpu.memref_slice %arg11[%dma_wait3A_316, %dma_wait3A_317] : memref<10240x64xf32, #tpu.memory_space<vmem_shared>> -> memref<80x64xf32, #tpu.memory_space<vmem_shared>>
        %dma_wait3A_319 = arith.constant 0 : i32
        %dma_wait3A_320 = arith.constant 0 : i32
        %dma_wait3A_321 = tpu.memref_slice %arg8[%dma_wait3A_308, %dma_wait3A_319, %dma_wait3A_320] : memref<5x80x64xf32, #tpu.memory_space<vmem>> -> memref<1x80x64xf32, #tpu.memory_space<vmem>>
        %dma_wait3A_322 = tpu.memref_squeeze %dma_wait3A_321 : memref<1x80x64xf32, #tpu.memory_space<vmem>> -> memref<80x64xf32, #tpu.memory_space<vmem>>
        tpu.wait_dma2 semaphore(%arg18 : memref<!tpu.dma_semaphore, #tpu.memory_space<semaphore_mem>>) src(%dma_wait3A_322 : memref<80x64xf32, #tpu.memory_space<vmem>>) dst(%dma_wait3A_318 : memref<80x64xf32, #tpu.memory_space<vmem_shared>>)
      } else {
      }
      %add3A_164 = arith.constant 4 : i32
      %add3A_165 = arith.addi %add3A_143, %add3A_164 : i32
      %lt3A_166 = arith.constant 125 : i32
      %lt3A_167 = arith.cmpi slt, %add3A_165, %lt3A_166 : i32
      %convert_element_type3A_168 = arith.extui %lt3A_167 : i1 to i32
      %cond3A_169 = arith.constant 0 : i32
      %cond3A_170 = arith.cmpi ne, %convert_element_type3A_168, %cond3A_169 : i32
      scf.if %cond3A_170 {
        %add3A_308 = arith.constant 4 : i32
        %add3A_309 = arith.addi %add3A_143, %add3A_308 : i32
        %dma_start3A_310 = arith.constant 0 : i32
        %dma_start3A_311 = arith.constant 0 : i32
        %dma_start3A_312 = arith.constant 0 : i32
        %dma_start3A_313 = tpu.memref_slice %arg8[%dma_start3A_310, %dma_start3A_311, %dma_start3A_312] : memref<5x80x64xf32, #tpu.memory_space<vmem>> -> memref<1x80x64xf32, #tpu.memory_space<vmem>>
        %dma_start3A_314 = tpu.memref_squeeze %dma_start3A_313 : memref<1x80x64xf32, #tpu.memory_space<vmem>> -> memref<80x64xf32, #tpu.memory_space<vmem>>
        %dma_start3A_315 = arith.constant 0 : i32
        %dma_start3A_316 = tpu.memref_slice %arg6[%add3A_309, %dma_start3A_315] : memref<125x80xi32, #tpu.memory_space<vmem>> -> memref<1x80xi32, #tpu.memory_space<vmem>>
        %dma_start3A_317 = tpu.memref_squeeze %dma_start3A_316 : memref<1x80xi32, #tpu.memory_space<vmem>> -> memref<80xi32, #tpu.memory_space<vmem>>
        %dma_start3A_318 = arith.constant 0 : i32
        %dma_start3A_319 = arith.constant 0 : i32
        %dma_start3A_320 = tpu.memref_slice %arg2[%dma_start3A_318, %dma_start3A_319] : memref<10000x64xf32, #tpu.memory_space<hbm>> -> memref<10000x64xf32, #tpu.memory_space<hbm>>
        tpu.enqueue_indirect_dma source(%dma_start3A_320 : memref<10000x64xf32, #tpu.memory_space<hbm>>) target(%dma_start3A_314 : memref<80x64xf32, #tpu.memory_space<vmem>>) offsets(%dma_start3A_317 : memref<80xi32, #tpu.memory_space<vmem>>) semaphore(%arg13 : memref<!tpu.dma_semaphore, #tpu.memory_space<semaphore_mem>>)
      } else {
      }
      %dma_start3A_171 = arith.constant 1 : i32
      %dma_start3A_172 = arith.constant 0 : i32
      %dma_start3A_173 = arith.constant 0 : i32
      %dma_start3A_174 = tpu.memref_slice %arg8[%dma_start3A_171, %dma_start3A_172, %dma_start3A_173] : memref<5x80x64xf32, #tpu.memory_space<vmem>> -> memref<1x80x64xf32, #tpu.memory_space<vmem>>
      %dma_start3A_175 = tpu.memref_squeeze %dma_start3A_174 : memref<1x80x64xf32, #tpu.memory_space<vmem>> -> memref<80x64xf32, #tpu.memory_space<vmem>>
      %dma_start3A_176 = arith.constant 0 : i32
      %dma_start3A_177 = tpu.memref_slice %arg7[%add3A_143, %dma_start3A_176] : memref<125x80xi32, #tpu.memory_space<vmem>> -> memref<1x80xi32, #tpu.memory_space<vmem>>
      %dma_start3A_178 = tpu.memref_squeeze %dma_start3A_177 : memref<1x80xi32, #tpu.memory_space<vmem>> -> memref<80xi32, #tpu.memory_space<vmem>>
      %dma_start3A_179 = arith.constant 0 : i32
      %dma_start3A_180 = arith.constant 0 : i32
      %dma_start3A_181 = tpu.memref_slice %arg11[%dma_start3A_179, %dma_start3A_180] : memref<10240x64xf32, #tpu.memory_space<vmem_shared>> -> memref<10240x64xf32, #tpu.memory_space<vmem_shared>>
      tpu.enqueue_indirect_dma source(%dma_start3A_175 : memref<80x64xf32, #tpu.memory_space<vmem>>) target(%dma_start3A_181 : memref<10240x64xf32, #tpu.memory_space<vmem_shared>>) offsets(%dma_start3A_178 : memref<80xi32, #tpu.memory_space<vmem>>) semaphore(%arg19 : memref<!tpu.dma_semaphore, #tpu.memory_space<semaphore_mem>>) {add = true}
      %mul3A_182 = arith.constant 5 : i32
      %mul3A_183 = arith.muli %scan3A_101, %mul3A_182 : i32
      %add3A_184 = arith.constant 2 : i32
      %add3A_185 = arith.addi %mul3A_183, %add3A_184 : i32
      %dma_wait3A_186 = arith.constant 2 : i32
      %dma_wait3A_187 = arith.constant 0 : i32
      %dma_wait3A_188 = arith.constant 0 : i32
      %dma_wait3A_189 = tpu.memref_slice %arg8[%dma_wait3A_186, %dma_wait3A_187, %dma_wait3A_188] : memref<5x80x64xf32, #tpu.memory_space<vmem>> -> memref<1x80x64xf32, #tpu.memory_space<vmem>>
      %dma_wait3A_190 = tpu.memref_squeeze %dma_wait3A_189 : memref<1x80x64xf32, #tpu.memory_space<vmem>> -> memref<80x64xf32, #tpu.memory_space<vmem>>
      %dma_wait3A_191 = arith.constant 0 : i32
      %dma_wait3A_192 = arith.constant 0 : i32
      %dma_wait3A_193 = tpu.memref_slice %arg2[%dma_wait3A_191, %dma_wait3A_192] : memref<10000x64xf32, #tpu.memory_space<hbm>> -> memref<80x64xf32, #tpu.memory_space<hbm>>
      %dma_wait3A_194 = arith.constant 0 : i32
      %dma_wait3A_195 = arith.constant 0 : i32
      %dma_wait3A_196 = tpu.memref_slice %arg8[%dma_wait3A_186, %dma_wait3A_194, %dma_wait3A_195] : memref<5x80x64xf32, #tpu.memory_space<vmem>> -> memref<1x80x64xf32, #tpu.memory_space<vmem>>
      %dma_wait3A_197 = tpu.memref_squeeze %dma_wait3A_196 : memref<1x80x64xf32, #tpu.memory_space<vmem>> -> memref<80x64xf32, #tpu.memory_space<vmem>>
      %dma_wait3A_198 = arith.constant 0 : i32
      %dma_wait3A_199 = arith.constant 0 : i32
      %dma_wait3A_200 = tpu.memref_slice %arg2[%dma_wait3A_198, %dma_wait3A_199] : memref<10000x64xf32, #tpu.memory_space<hbm>> -> memref<80x64xf32, #tpu.memory_space<hbm>>
      tpu.wait_dma2 semaphore(%arg15 : memref<!tpu.dma_semaphore, #tpu.memory_space<semaphore_mem>>) src(%dma_wait3A_200 : memref<80x64xf32, #tpu.memory_space<hbm>>) dst(%dma_wait3A_197 : memref<80x64xf32, #tpu.memory_space<vmem>>)
      %ge3A_201 = arith.constant 1 : i32
      %ge3A_202 = arith.cmpi sge, %add3A_185, %ge3A_201 : i32
      %convert_element_type3A_203 = arith.extui %ge3A_202 : i1 to i32
      %cond3A_204 = arith.constant 0 : i32
      %cond3A_205 = arith.cmpi ne, %convert_element_type3A_203, %cond3A_204 : i32
      scf.if %cond3A_205 {
        %dma_wait3A_308 = arith.constant 1 : i32
        %dma_wait3A_309 = arith.constant 0 : i32
        %dma_wait3A_310 = arith.constant 0 : i32
        %dma_wait3A_311 = tpu.memref_slice %arg8[%dma_wait3A_308, %dma_wait3A_309, %dma_wait3A_310] : memref<5x80x64xf32, #tpu.memory_space<vmem>> -> memref<1x80x64xf32, #tpu.memory_space<vmem>>
        %dma_wait3A_312 = tpu.memref_squeeze %dma_wait3A_311 : memref<1x80x64xf32, #tpu.memory_space<vmem>> -> memref<80x64xf32, #tpu.memory_space<vmem>>
        %dma_wait3A_313 = arith.constant 0 : i32
        %dma_wait3A_314 = arith.constant 0 : i32
        %dma_wait3A_315 = tpu.memref_slice %arg11[%dma_wait3A_313, %dma_wait3A_314] : memref<10240x64xf32, #tpu.memory_space<vmem_shared>> -> memref<80x64xf32, #tpu.memory_space<vmem_shared>>
        %dma_wait3A_316 = arith.constant 0 : i32
        %dma_wait3A_317 = arith.constant 0 : i32
        %dma_wait3A_318 = tpu.memref_slice %arg11[%dma_wait3A_316, %dma_wait3A_317] : memref<10240x64xf32, #tpu.memory_space<vmem_shared>> -> memref<80x64xf32, #tpu.memory_space<vmem_shared>>
        %dma_wait3A_319 = arith.constant 0 : i32
        %dma_wait3A_320 = arith.constant 0 : i32
        %dma_wait3A_321 = tpu.memref_slice %arg8[%dma_wait3A_308, %dma_wait3A_319, %dma_wait3A_320] : memref<5x80x64xf32, #tpu.memory_space<vmem>> -> memref<1x80x64xf32, #tpu.memory_space<vmem>>
        %dma_wait3A_322 = tpu.memref_squeeze %dma_wait3A_321 : memref<1x80x64xf32, #tpu.memory_space<vmem>> -> memref<80x64xf32, #tpu.memory_space<vmem>>
        tpu.wait_dma2 semaphore(%arg19 : memref<!tpu.dma_semaphore, #tpu.memory_space<semaphore_mem>>) src(%dma_wait3A_322 : memref<80x64xf32, #tpu.memory_space<vmem>>) dst(%dma_wait3A_318 : memref<80x64xf32, #tpu.memory_space<vmem_shared>>)
      } else {
      }
      %add3A_206 = arith.constant 4 : i32
      %add3A_207 = arith.addi %add3A_185, %add3A_206 : i32
      %lt3A_208 = arith.constant 125 : i32
      %lt3A_209 = arith.cmpi slt, %add3A_207, %lt3A_208 : i32
      %convert_element_type3A_210 = arith.extui %lt3A_209 : i1 to i32
      %cond3A_211 = arith.constant 0 : i32
      %cond3A_212 = arith.cmpi ne, %convert_element_type3A_210, %cond3A_211 : i32
      scf.if %cond3A_212 {
        %add3A_308 = arith.constant 4 : i32
        %add3A_309 = arith.addi %add3A_185, %add3A_308 : i32
        %dma_start3A_310 = arith.constant 1 : i32
        %dma_start3A_311 = arith.constant 0 : i32
        %dma_start3A_312 = arith.constant 0 : i32
        %dma_start3A_313 = tpu.memref_slice %arg8[%dma_start3A_310, %dma_start3A_311, %dma_start3A_312] : memref<5x80x64xf32, #tpu.memory_space<vmem>> -> memref<1x80x64xf32, #tpu.memory_space<vmem>>
        %dma_start3A_314 = tpu.memref_squeeze %dma_start3A_313 : memref<1x80x64xf32, #tpu.memory_space<vmem>> -> memref<80x64xf32, #tpu.memory_space<vmem>>
        %dma_start3A_315 = arith.constant 0 : i32
        %dma_start3A_316 = tpu.memref_slice %arg6[%add3A_309, %dma_start3A_315] : memref<125x80xi32, #tpu.memory_space<vmem>> -> memref<1x80xi32, #tpu.memory_space<vmem>>
        %dma_start3A_317 = tpu.memref_squeeze %dma_start3A_316 : memref<1x80xi32, #tpu.memory_space<vmem>> -> memref<80xi32, #tpu.memory_space<vmem>>
        %dma_start3A_318 = arith.constant 0 : i32
        %dma_start3A_319 = arith.constant 0 : i32
        %dma_start3A_320 = tpu.memref_slice %arg2[%dma_start3A_318, %dma_start3A_319] : memref<10000x64xf32, #tpu.memory_space<hbm>> -> memref<10000x64xf32, #tpu.memory_space<hbm>>
        tpu.enqueue_indirect_dma source(%dma_start3A_320 : memref<10000x64xf32, #tpu.memory_space<hbm>>) target(%dma_start3A_314 : memref<80x64xf32, #tpu.memory_space<vmem>>) offsets(%dma_start3A_317 : memref<80xi32, #tpu.memory_space<vmem>>) semaphore(%arg14 : memref<!tpu.dma_semaphore, #tpu.memory_space<semaphore_mem>>)
      } else {
      }
      %dma_start3A_213 = arith.constant 2 : i32
      %dma_start3A_214 = arith.constant 0 : i32
      %dma_start3A_215 = arith.constant 0 : i32
      %dma_start3A_216 = tpu.memref_slice %arg8[%dma_start3A_213, %dma_start3A_214, %dma_start3A_215] : memref<5x80x64xf32, #tpu.memory_space<vmem>> -> memref<1x80x64xf32, #tpu.memory_space<vmem>>
      %dma_start3A_217 = tpu.memref_squeeze %dma_start3A_216 : memref<1x80x64xf32, #tpu.memory_space<vmem>> -> memref<80x64xf32, #tpu.memory_space<vmem>>
      %dma_start3A_218 = arith.constant 0 : i32
      %dma_start3A_219 = tpu.memref_slice %arg7[%add3A_185, %dma_start3A_218] : memref<125x80xi32, #tpu.memory_space<vmem>> -> memref<1x80xi32, #tpu.memory_space<vmem>>
      %dma_start3A_220 = tpu.memref_squeeze %dma_start3A_219 : memref<1x80xi32, #tpu.memory_space<vmem>> -> memref<80xi32, #tpu.memory_space<vmem>>
      %dma_start3A_221 = arith.constant 0 : i32
      %dma_start3A_222 = arith.constant 0 : i32
      %dma_start3A_223 = tpu.memref_slice %arg11[%dma_start3A_221, %dma_start3A_222] : memref<10240x64xf32, #tpu.memory_space<vmem_shared>> -> memref<10240x64xf32, #tpu.memory_space<vmem_shared>>
      tpu.enqueue_indirect_dma source(%dma_start3A_217 : memref<80x64xf32, #tpu.memory_space<vmem>>) target(%dma_start3A_223 : memref<10240x64xf32, #tpu.memory_space<vmem_shared>>) offsets(%dma_start3A_220 : memref<80xi32, #tpu.memory_space<vmem>>) semaphore(%arg20 : memref<!tpu.dma_semaphore, #tpu.memory_space<semaphore_mem>>) {add = true}
      %mul3A_224 = arith.constant 5 : i32
      %mul3A_225 = arith.muli %scan3A_101, %mul3A_224 : i32
      %add3A_226 = arith.constant 3 : i32
      %add3A_227 = arith.addi %mul3A_225, %add3A_226 : i32
      %dma_wait3A_228 = arith.constant 3 : i32
      %dma_wait3A_229 = arith.constant 0 : i32
      %dma_wait3A_230 = arith.constant 0 : i32
      %dma_wait3A_231 = tpu.memref_slice %arg8[%dma_wait3A_228, %dma_wait3A_229, %dma_wait3A_230] : memref<5x80x64xf32, #tpu.memory_space<vmem>> -> memref<1x80x64xf32, #tpu.memory_space<vmem>>
      %dma_wait3A_232 = tpu.memref_squeeze %dma_wait3A_231 : memref<1x80x64xf32, #tpu.memory_space<vmem>> -> memref<80x64xf32, #tpu.memory_space<vmem>>
      %dma_wait3A_233 = arith.constant 0 : i32
      %dma_wait3A_234 = arith.constant 0 : i32
      %dma_wait3A_235 = tpu.memref_slice %arg2[%dma_wait3A_233, %dma_wait3A_234] : memref<10000x64xf32, #tpu.memory_space<hbm>> -> memref<80x64xf32, #tpu.memory_space<hbm>>
      %dma_wait3A_236 = arith.constant 0 : i32
      %dma_wait3A_237 = arith.constant 0 : i32
      %dma_wait3A_238 = tpu.memref_slice %arg8[%dma_wait3A_228, %dma_wait3A_236, %dma_wait3A_237] : memref<5x80x64xf32, #tpu.memory_space<vmem>> -> memref<1x80x64xf32, #tpu.memory_space<vmem>>
      %dma_wait3A_239 = tpu.memref_squeeze %dma_wait3A_238 : memref<1x80x64xf32, #tpu.memory_space<vmem>> -> memref<80x64xf32, #tpu.memory_space<vmem>>
      %dma_wait3A_240 = arith.constant 0 : i32
      %dma_wait3A_241 = arith.constant 0 : i32
      %dma_wait3A_242 = tpu.memref_slice %arg2[%dma_wait3A_240, %dma_wait3A_241] : memref<10000x64xf32, #tpu.memory_space<hbm>> -> memref<80x64xf32, #tpu.memory_space<hbm>>
      tpu.wait_dma2 semaphore(%arg16 : memref<!tpu.dma_semaphore, #tpu.memory_space<semaphore_mem>>) src(%dma_wait3A_242 : memref<80x64xf32, #tpu.memory_space<hbm>>) dst(%dma_wait3A_239 : memref<80x64xf32, #tpu.memory_space<vmem>>)
      %ge3A_243 = arith.constant 1 : i32
      %ge3A_244 = arith.cmpi sge, %add3A_227, %ge3A_243 : i32
      %convert_element_type3A_245 = arith.extui %ge3A_244 : i1 to i32
      %cond3A_246 = arith.constant 0 : i32
      %cond3A_247 = arith.cmpi ne, %convert_element_type3A_245, %cond3A_246 : i32
      scf.if %cond3A_247 {
        %dma_wait3A_308 = arith.constant 2 : i32
        %dma_wait3A_309 = arith.constant 0 : i32
        %dma_wait3A_310 = arith.constant 0 : i32
        %dma_wait3A_311 = tpu.memref_slice %arg8[%dma_wait3A_308, %dma_wait3A_309, %dma_wait3A_310] : memref<5x80x64xf32, #tpu.memory_space<vmem>> -> memref<1x80x64xf32, #tpu.memory_space<vmem>>
        %dma_wait3A_312 = tpu.memref_squeeze %dma_wait3A_311 : memref<1x80x64xf32, #tpu.memory_space<vmem>> -> memref<80x64xf32, #tpu.memory_space<vmem>>
        %dma_wait3A_313 = arith.constant 0 : i32
        %dma_wait3A_314 = arith.constant 0 : i32
        %dma_wait3A_315 = tpu.memref_slice %arg11[%dma_wait3A_313, %dma_wait3A_314] : memref<10240x64xf32, #tpu.memory_space<vmem_shared>> -> memref<80x64xf32, #tpu.memory_space<vmem_shared>>
        %dma_wait3A_316 = arith.constant 0 : i32
        %dma_wait3A_317 = arith.constant 0 : i32
        %dma_wait3A_318 = tpu.memref_slice %arg11[%dma_wait3A_316, %dma_wait3A_317] : memref<10240x64xf32, #tpu.memory_space<vmem_shared>> -> memref<80x64xf32, #tpu.memory_space<vmem_shared>>
        %dma_wait3A_319 = arith.constant 0 : i32
        %dma_wait3A_320 = arith.constant 0 : i32
        %dma_wait3A_321 = tpu.memref_slice %arg8[%dma_wait3A_308, %dma_wait3A_319, %dma_wait3A_320] : memref<5x80x64xf32, #tpu.memory_space<vmem>> -> memref<1x80x64xf32, #tpu.memory_space<vmem>>
        %dma_wait3A_322 = tpu.memref_squeeze %dma_wait3A_321 : memref<1x80x64xf32, #tpu.memory_space<vmem>> -> memref<80x64xf32, #tpu.memory_space<vmem>>
        tpu.wait_dma2 semaphore(%arg20 : memref<!tpu.dma_semaphore, #tpu.memory_space<semaphore_mem>>) src(%dma_wait3A_322 : memref<80x64xf32, #tpu.memory_space<vmem>>) dst(%dma_wait3A_318 : memref<80x64xf32, #tpu.memory_space<vmem_shared>>)
      } else {
      }
      %add3A_248 = arith.constant 4 : i32
      %add3A_249 = arith.addi %add3A_227, %add3A_248 : i32
      %lt3A_250 = arith.constant 125 : i32
      %lt3A_251 = arith.cmpi slt, %add3A_249, %lt3A_250 : i32
      %convert_element_type3A_252 = arith.extui %lt3A_251 : i1 to i32
      %cond3A_253 = arith.constant 0 : i32
      %cond3A_254 = arith.cmpi ne, %convert_element_type3A_252, %cond3A_253 : i32
      scf.if %cond3A_254 {
        %add3A_308 = arith.constant 4 : i32
        %add3A_309 = arith.addi %add3A_227, %add3A_308 : i32
        %dma_start3A_310 = arith.constant 2 : i32
        %dma_start3A_311 = arith.constant 0 : i32
        %dma_start3A_312 = arith.constant 0 : i32
        %dma_start3A_313 = tpu.memref_slice %arg8[%dma_start3A_310, %dma_start3A_311, %dma_start3A_312] : memref<5x80x64xf32, #tpu.memory_space<vmem>> -> memref<1x80x64xf32, #tpu.memory_space<vmem>>
        %dma_start3A_314 = tpu.memref_squeeze %dma_start3A_313 : memref<1x80x64xf32, #tpu.memory_space<vmem>> -> memref<80x64xf32, #tpu.memory_space<vmem>>
        %dma_start3A_315 = arith.constant 0 : i32
        %dma_start3A_316 = tpu.memref_slice %arg6[%add3A_309, %dma_start3A_315] : memref<125x80xi32, #tpu.memory_space<vmem>> -> memref<1x80xi32, #tpu.memory_space<vmem>>
        %dma_start3A_317 = tpu.memref_squeeze %dma_start3A_316 : memref<1x80xi32, #tpu.memory_space<vmem>> -> memref<80xi32, #tpu.memory_space<vmem>>
        %dma_start3A_318 = arith.constant 0 : i32
        %dma_start3A_319 = arith.constant 0 : i32
        %dma_start3A_320 = tpu.memref_slice %arg2[%dma_start3A_318, %dma_start3A_319] : memref<10000x64xf32, #tpu.memory_space<hbm>> -> memref<10000x64xf32, #tpu.memory_space<hbm>>
        tpu.enqueue_indirect_dma source(%dma_start3A_320 : memref<10000x64xf32, #tpu.memory_space<hbm>>) target(%dma_start3A_314 : memref<80x64xf32, #tpu.memory_space<vmem>>) offsets(%dma_start3A_317 : memref<80xi32, #tpu.memory_space<vmem>>) semaphore(%arg15 : memref<!tpu.dma_semaphore, #tpu.memory_space<semaphore_mem>>)
      } else {
      }
      %dma_start3A_255 = arith.constant 3 : i32
      %dma_start3A_256 = arith.constant 0 : i32
      %dma_start3A_257 = arith.constant 0 : i32
      %dma_start3A_258 = tpu.memref_slice %arg8[%dma_start3A_255, %dma_start3A_256, %dma_start3A_257] : memref<5x80x64xf32, #tpu.memory_space<vmem>> -> memref<1x80x64xf32, #tpu.memory_space<vmem>>
      %dma_start3A_259 = tpu.memref_squeeze %dma_start3A_258 : memref<1x80x64xf32, #tpu.memory_space<vmem>> -> memref<80x64xf32, #tpu.memory_space<vmem>>
      %dma_start3A_260 = arith.constant 0 : i32
      %dma_start3A_261 = tpu.memref_slice %arg7[%add3A_227, %dma_start3A_260] : memref<125x80xi32, #tpu.memory_space<vmem>> -> memref<1x80xi32, #tpu.memory_space<vmem>>
      %dma_start3A_262 = tpu.memref_squeeze %dma_start3A_261 : memref<1x80xi32, #tpu.memory_space<vmem>> -> memref<80xi32, #tpu.memory_space<vmem>>
      %dma_start3A_263 = arith.constant 0 : i32
      %dma_start3A_264 = arith.constant 0 : i32
      %dma_start3A_265 = tpu.memref_slice %arg11[%dma_start3A_263, %dma_start3A_264] : memref<10240x64xf32, #tpu.memory_space<vmem_shared>> -> memref<10240x64xf32, #tpu.memory_space<vmem_shared>>
      tpu.enqueue_indirect_dma source(%dma_start3A_259 : memref<80x64xf32, #tpu.memory_space<vmem>>) target(%dma_start3A_265 : memref<10240x64xf32, #tpu.memory_space<vmem_shared>>) offsets(%dma_start3A_262 : memref<80xi32, #tpu.memory_space<vmem>>) semaphore(%arg21 : memref<!tpu.dma_semaphore, #tpu.memory_space<semaphore_mem>>) {add = true}
      %mul3A_266 = arith.constant 5 : i32
      %mul3A_267 = arith.muli %scan3A_101, %mul3A_266 : i32
      %add3A_268 = arith.constant 4 : i32
      %add3A_269 = arith.addi %mul3A_267, %add3A_268 : i32
      %dma_wait3A_270 = arith.constant 4 : i32
      %dma_wait3A_271 = arith.constant 0 : i32
      %dma_wait3A_272 = arith.constant 0 : i32
      %dma_wait3A_273 = tpu.memref_slice %arg8[%dma_wait3A_270, %dma_wait3A_271, %dma_wait3A_272] : memref<5x80x64xf32, #tpu.memory_space<vmem>> -> memref<1x80x64xf32, #tpu.memory_space<vmem>>
      %dma_wait3A_274 = tpu.memref_squeeze %dma_wait3A_273 : memref<1x80x64xf32, #tpu.memory_space<vmem>> -> memref<80x64xf32, #tpu.memory_space<vmem>>
      %dma_wait3A_275 = arith.constant 0 : i32
      %dma_wait3A_276 = arith.constant 0 : i32
      %dma_wait3A_277 = tpu.memref_slice %arg2[%dma_wait3A_275, %dma_wait3A_276] : memref<10000x64xf32, #tpu.memory_space<hbm>> -> memref<80x64xf32, #tpu.memory_space<hbm>>
      %dma_wait3A_278 = arith.constant 0 : i32
      %dma_wait3A_279 = arith.constant 0 : i32
      %dma_wait3A_280 = tpu.memref_slice %arg8[%dma_wait3A_270, %dma_wait3A_278, %dma_wait3A_279] : memref<5x80x64xf32, #tpu.memory_space<vmem>> -> memref<1x80x64xf32, #tpu.memory_space<vmem>>
      %dma_wait3A_281 = tpu.memref_squeeze %dma_wait3A_280 : memref<1x80x64xf32, #tpu.memory_space<vmem>> -> memref<80x64xf32, #tpu.memory_space<vmem>>
      %dma_wait3A_282 = arith.constant 0 : i32
      %dma_wait3A_283 = arith.constant 0 : i32
      %dma_wait3A_284 = tpu.memref_slice %arg2[%dma_wait3A_282, %dma_wait3A_283] : memref<10000x64xf32, #tpu.memory_space<hbm>> -> memref<80x64xf32, #tpu.memory_space<hbm>>
      tpu.wait_dma2 semaphore(%arg17 : memref<!tpu.dma_semaphore, #tpu.memory_space<semaphore_mem>>) src(%dma_wait3A_284 : memref<80x64xf32, #tpu.memory_space<hbm>>) dst(%dma_wait3A_281 : memref<80x64xf32, #tpu.memory_space<vmem>>)
      %ge3A_285 = arith.constant 1 : i32
      %ge3A_286 = arith.cmpi sge, %add3A_269, %ge3A_285 : i32
      %convert_element_type3A_287 = arith.extui %ge3A_286 : i1 to i32
      %cond3A_288 = arith.constant 0 : i32
      %cond3A_289 = arith.cmpi ne, %convert_element_type3A_287, %cond3A_288 : i32
      scf.if %cond3A_289 {
        %dma_wait3A_308 = arith.constant 3 : i32
        %dma_wait3A_309 = arith.constant 0 : i32
        %dma_wait3A_310 = arith.constant 0 : i32
        %dma_wait3A_311 = tpu.memref_slice %arg8[%dma_wait3A_308, %dma_wait3A_309, %dma_wait3A_310] : memref<5x80x64xf32, #tpu.memory_space<vmem>> -> memref<1x80x64xf32, #tpu.memory_space<vmem>>
        %dma_wait3A_312 = tpu.memref_squeeze %dma_wait3A_311 : memref<1x80x64xf32, #tpu.memory_space<vmem>> -> memref<80x64xf32, #tpu.memory_space<vmem>>
        %dma_wait3A_313 = arith.constant 0 : i32
        %dma_wait3A_314 = arith.constant 0 : i32
        %dma_wait3A_315 = tpu.memref_slice %arg11[%dma_wait3A_313, %dma_wait3A_314] : memref<10240x64xf32, #tpu.memory_space<vmem_shared>> -> memref<80x64xf32, #tpu.memory_space<vmem_shared>>
        %dma_wait3A_316 = arith.constant 0 : i32
        %dma_wait3A_317 = arith.constant 0 : i32
        %dma_wait3A_318 = tpu.memref_slice %arg11[%dma_wait3A_316, %dma_wait3A_317] : memref<10240x64xf32, #tpu.memory_space<vmem_shared>> -> memref<80x64xf32, #tpu.memory_space<vmem_shared>>
        %dma_wait3A_319 = arith.constant 0 : i32
        %dma_wait3A_320 = arith.constant 0 : i32
        %dma_wait3A_321 = tpu.memref_slice %arg8[%dma_wait3A_308, %dma_wait3A_319, %dma_wait3A_320] : memref<5x80x64xf32, #tpu.memory_space<vmem>> -> memref<1x80x64xf32, #tpu.memory_space<vmem>>
        %dma_wait3A_322 = tpu.memref_squeeze %dma_wait3A_321 : memref<1x80x64xf32, #tpu.memory_space<vmem>> -> memref<80x64xf32, #tpu.memory_space<vmem>>
        tpu.wait_dma2 semaphore(%arg21 : memref<!tpu.dma_semaphore, #tpu.memory_space<semaphore_mem>>) src(%dma_wait3A_322 : memref<80x64xf32, #tpu.memory_space<vmem>>) dst(%dma_wait3A_318 : memref<80x64xf32, #tpu.memory_space<vmem_shared>>)
      } else {
      }
      %add3A_290 = arith.constant 4 : i32
      %add3A_291 = arith.addi %add3A_269, %add3A_290 : i32
      %lt3A_292 = arith.constant 125 : i32
      %lt3A_293 = arith.cmpi slt, %add3A_291, %lt3A_292 : i32
      %convert_element_type3A_294 = arith.extui %lt3A_293 : i1 to i32
      %cond3A_295 = arith.constant 0 : i32
      %cond3A_296 = arith.cmpi ne, %convert_element_type3A_294, %cond3A_295 : i32
      scf.if %cond3A_296 {
        %add3A_308 = arith.constant 4 : i32
        %add3A_309 = arith.addi %add3A_269, %add3A_308 : i32
        %dma_start3A_310 = arith.constant 3 : i32
        %dma_start3A_311 = arith.constant 0 : i32
        %dma_start3A_312 = arith.constant 0 : i32
        %dma_start3A_313 = tpu.memref_slice %arg8[%dma_start3A_310, %dma_start3A_311, %dma_start3A_312] : memref<5x80x64xf32, #tpu.memory_space<vmem>> -> memref<1x80x64xf32, #tpu.memory_space<vmem>>
        %dma_start3A_314 = tpu.memref_squeeze %dma_start3A_313 : memref<1x80x64xf32, #tpu.memory_space<vmem>> -> memref<80x64xf32, #tpu.memory_space<vmem>>
        %dma_start3A_315 = arith.constant 0 : i32
        %dma_start3A_316 = tpu.memref_slice %arg6[%add3A_309, %dma_start3A_315] : memref<125x80xi32, #tpu.memory_space<vmem>> -> memref<1x80xi32, #tpu.memory_space<vmem>>
        %dma_start3A_317 = tpu.memref_squeeze %dma_start3A_316 : memref<1x80xi32, #tpu.memory_space<vmem>> -> memref<80xi32, #tpu.memory_space<vmem>>
        %dma_start3A_318 = arith.constant 0 : i32
        %dma_start3A_319 = arith.constant 0 : i32
        %dma_start3A_320 = tpu.memref_slice %arg2[%dma_start3A_318, %dma_start3A_319] : memref<10000x64xf32, #tpu.memory_space<hbm>> -> memref<10000x64xf32, #tpu.memory_space<hbm>>
        tpu.enqueue_indirect_dma source(%dma_start3A_320 : memref<10000x64xf32, #tpu.memory_space<hbm>>) target(%dma_start3A_314 : memref<80x64xf32, #tpu.memory_space<vmem>>) offsets(%dma_start3A_317 : memref<80xi32, #tpu.memory_space<vmem>>) semaphore(%arg16 : memref<!tpu.dma_semaphore, #tpu.memory_space<semaphore_mem>>)
      } else {
      }
      %dma_start3A_297 = arith.constant 4 : i32
      %dma_start3A_298 = arith.constant 0 : i32
      %dma_start3A_299 = arith.constant 0 : i32
      %dma_start3A_300 = tpu.memref_slice %arg8[%dma_start3A_297, %dma_start3A_298, %dma_start3A_299] : memref<5x80x64xf32, #tpu.memory_space<vmem>> -> memref<1x80x64xf32, #tpu.memory_space<vmem>>
      %dma_start3A_301 = tpu.memref_squeeze %dma_start3A_300 : memref<1x80x64xf32, #tpu.memory_space<vmem>> -> memref<80x64xf32, #tpu.memory_space<vmem>>
      %dma_start3A_302 = arith.constant 0 : i32
      %dma_start3A_303 = tpu.memref_slice %arg7[%add3A_269, %dma_start3A_302] : memref<125x80xi32, #tpu.memory_space<vmem>> -> memref<1x80xi32, #tpu.memory_space<vmem>>
      %dma_start3A_304 = tpu.memref_squeeze %dma_start3A_303 : memref<1x80xi32, #tpu.memory_space<vmem>> -> memref<80xi32, #tpu.memory_space<vmem>>
      %dma_start3A_305 = arith.constant 0 : i32
      %dma_start3A_306 = arith.constant 0 : i32
      %dma_start3A_307 = tpu.memref_slice %arg11[%dma_start3A_305, %dma_start3A_306] : memref<10240x64xf32, #tpu.memory_space<vmem_shared>> -> memref<10240x64xf32, #tpu.memory_space<vmem_shared>>
      tpu.enqueue_indirect_dma source(%dma_start3A_301 : memref<80x64xf32, #tpu.memory_space<vmem>>) target(%dma_start3A_307 : memref<10240x64xf32, #tpu.memory_space<vmem_shared>>) offsets(%dma_start3A_304 : memref<80xi32, #tpu.memory_space<vmem>>) semaphore(%arg22 : memref<!tpu.dma_semaphore, #tpu.memory_space<semaphore_mem>>) {add = true}
    }
    %scan3A_78 = arith.constant 25 : i32
    %dma_wait3A = arith.constant 4 : i32
    %dma_wait3A_79 = arith.constant 0 : i32
    %dma_wait3A_80 = arith.constant 0 : i32
    %dma_wait3A_81 = tpu.memref_slice %arg8[%dma_wait3A, %dma_wait3A_79, %dma_wait3A_80] : memref<5x80x64xf32, #tpu.memory_space<vmem>> -> memref<1x80x64xf32, #tpu.memory_space<vmem>>
    %dma_wait3A_82 = tpu.memref_squeeze %dma_wait3A_81 : memref<1x80x64xf32, #tpu.memory_space<vmem>> -> memref<80x64xf32, #tpu.memory_space<vmem>>
    %dma_wait3A_83 = arith.constant 0 : i32
    %dma_wait3A_84 = arith.constant 0 : i32
    %dma_wait3A_85 = tpu.memref_slice %arg11[%dma_wait3A_83, %dma_wait3A_84] : memref<10240x64xf32, #tpu.memory_space<vmem_shared>> -> memref<80x64xf32, #tpu.memory_space<vmem_shared>>
    %dma_wait3A_86 = arith.constant 0 : i32
    %dma_wait3A_87 = arith.constant 0 : i32
    %dma_wait3A_88 = tpu.memref_slice %arg11[%dma_wait3A_86, %dma_wait3A_87] : memref<10240x64xf32, #tpu.memory_space<vmem_shared>> -> memref<80x64xf32, #tpu.memory_space<vmem_shared>>
    %dma_wait3A_89 = arith.constant 0 : i32
    %dma_wait3A_90 = arith.constant 0 : i32
    %dma_wait3A_91 = tpu.memref_slice %arg8[%dma_wait3A, %dma_wait3A_89, %dma_wait3A_90] : memref<5x80x64xf32, #tpu.memory_space<vmem>> -> memref<1x80x64xf32, #tpu.memory_space<vmem>>
    %dma_wait3A_92 = tpu.memref_squeeze %dma_wait3A_91 : memref<1x80x64xf32, #tpu.memory_space<vmem>> -> memref<80x64xf32, #tpu.memory_space<vmem>>
    tpu.wait_dma2 semaphore(%arg22 : memref<!tpu.dma_semaphore, #tpu.memory_space<semaphore_mem>>) src(%dma_wait3A_92 : memref<80x64xf32, #tpu.memory_space<vmem>>) dst(%dma_wait3A_88 : memref<80x64xf32, #tpu.memory_space<vmem_shared>>)
    %barrier3A_93 = arith.constant 0 : index
    tpu.barrier barrier_id(%barrier3A_93)
    %mul3A_94 = arith.constant 640 : i32
    %mul3A_95 = arith.muli %arg1, %mul3A_94 : i32
    %mul3A_96 = arith.constant 10240 : i32
    %mul3A_97 = arith.muli %arg0, %mul3A_96 : i32
    %mul3A_98 = arith.constant 640 : i32
    %mul3A_99 = arith.muli %arg1, %mul3A_98 : i32
    %add3A_100 = arith.addi %mul3A_97, %mul3A_99 : i32
    "tpu.region"() ({
      %run_scoped3A = tpu.sem_alloc : memref<!tpu.dma_semaphore, #tpu.memory_space<semaphore_mem>>
      %dma_start3A_101 = arith.constant 0 : i32
      %dma_start3A_102 = tpu.memref_slice %arg5[%add3A_100, %dma_start3A_101] : memref<20480x64xf32, #tpu.memory_space<hbm>> -> memref<640x64xf32, #tpu.memory_space<hbm>>
      %dma_start3A_103 = arith.constant 0 : i32
      %dma_start3A_104 = tpu.memref_slice %arg11[%mul3A_95, %dma_start3A_103] : memref<10240x64xf32, #tpu.memory_space<vmem_shared>> -> memref<640x64xf32, #tpu.memory_space<vmem_shared>>
      tpu.enqueue_dma source(%dma_start3A_104 : memref<640x64xf32, #tpu.memory_space<vmem_shared>>) target(%dma_start3A_102 : memref<640x64xf32, #tpu.memory_space<hbm>>) target_semaphore(%run_scoped3A : memref<!tpu.dma_semaphore, #tpu.memory_space<semaphore_mem>>)
      %dma_wait3A_105 = arith.constant 0 : i32
      %dma_wait3A_106 = tpu.memref_slice %arg5[%add3A_100, %dma_wait3A_105] : memref<20480x64xf32, #tpu.memory_space<hbm>> -> memref<640x64xf32, #tpu.memory_space<hbm>>
      %dma_wait3A_107 = arith.constant 0 : i32
      %dma_wait3A_108 = tpu.memref_slice %arg11[%mul3A_95, %dma_wait3A_107] : memref<10240x64xf32, #tpu.memory_space<vmem_shared>> -> memref<640x64xf32, #tpu.memory_space<vmem_shared>>
      tpu.wait_dma2 semaphore(%run_scoped3A : memref<!tpu.dma_semaphore, #tpu.memory_space<semaphore_mem>>) src(%dma_wait3A_108 : memref<640x64xf32, #tpu.memory_space<vmem_shared>>) dst(%dma_wait3A_106 : memref<640x64xf32, #tpu.memory_space<hbm>>)
      tpu.yield
    }) : () -> ()
    return
  }
}

#map = affine_map<(d0, d1) -> (0, 0)>
#map1 = affine_map<(d0, d1) -> (0, 0, 0)>
#map2 = affine_map<(d0, d1) -> (0)>
module attributes {stable_mosaic.version = 14 : i64} {
  func.func @_seg_sum_body(%arg0: i32, %arg1: i32, %arg2: memref<10000x64xf32, #tpu.memory_space<hbm>>, %arg3: memref<32x125x80xi32, #tpu.memory_space<hbm>>, %arg4: memref<32x125x80xi32, #tpu.memory_space<hbm>>, %arg5: memref<20480x64xf32, #tpu.memory_space<hbm>>, %arg6: memref<20480xf32, #tpu.memory_space<hbm>>, %arg7: memref<125x80xi32, #tpu.memory_space<vmem>>, %arg8: memref<125x80xi32, #tpu.memory_space<vmem>>, %arg9: memref<5x80x64xf32, #tpu.memory_space<vmem>>, %arg10: memref<128x64xf32, #tpu.memory_space<vmem>>, %arg11: memref<640xf32, #tpu.memory_space<vmem>>, %arg12: memref<10240x64xf32, #tpu.memory_space<vmem_shared>>, %arg13: memref<10240xf32, #tpu.memory_space<vmem_shared>>, %arg14: memref<!tpu.dma_semaphore, #tpu.memory_space<semaphore_mem>>, %arg15: memref<!tpu.dma_semaphore, #tpu.memory_space<semaphore_mem>>, %arg16: memref<!tpu.dma_semaphore, #tpu.memory_space<semaphore_mem>>, %arg17: memref<!tpu.dma_semaphore, #tpu.memory_space<semaphore_mem>>, %arg18: memref<!tpu.dma_semaphore, #tpu.memory_space<semaphore_mem>>, %arg19: memref<!tpu.dma_semaphore, #tpu.memory_space<semaphore_mem>>, %arg20: memref<!tpu.dma_semaphore, #tpu.memory_space<semaphore_mem>>, %arg21: memref<!tpu.dma_semaphore, #tpu.memory_space<semaphore_mem>>, %arg22: memref<!tpu.dma_semaphore, #tpu.memory_space<semaphore_mem>>, %arg23: memref<!tpu.dma_semaphore, #tpu.memory_space<semaphore_mem>>, %arg24: memref<!tpu.dma_semaphore, #tpu.memory_space<semaphore_mem>>) attributes {dimension_semantics = [#tpu.dimension_semantics<core_parallel>, #tpu.dimension_semantics<subcore_parallel>], iteration_bounds = array<i64: 2, 16>, scalar_prefetch = 0 : i64, scratch_operands = 18 : i64, tpu.core_type = #tpu.core_type<sc_vector_subcore>, window_params = [{transform_indices = #map}, {transform_indices = #map1}, {transform_indices = #map1}, {transform_indices = #map}, {transform_indices = #map2}]} {
    %mul3A = arith.constant 16 : i32
    %mul3A_0 = arith.muli %arg0, %mul3A : i32
    %add3A = arith.addi %mul3A_0, %arg1 : i32
    %scan3A = arith.constant 0 : i32
    %scan3A_1 = arith.constant 0 : i32
    %scan3A_2 = arith.constant 128 : i32
    %scan3A_3 = arith.addi %scan3A_1, %scan3A_2 : i32
    %scan3A_4 = arith.constant 1 : i32
    scf.for %scan3A_152 = %scan3A_1 to %scan3A_3 step %scan3A_4  : i32 {
      %broadcast_in_dim3A_153 = arith.constant 0.000000e+00 : f32
      %broadcast_in_dim3A_154 = vector.broadcast %broadcast_in_dim3A_153 : f32 to vector<16xf32>
      %swap3A_155 = arith.index_cast %scan3A_152 : i32 to index
      %swap3A_156 = arith.constant 0 : index
      %swap3A_157 = tpu.vector_load %arg10[%swap3A_155, %swap3A_156] {strides = array<i32>} : memref<128x64xf32, #tpu.memory_space<vmem>>, vector<1x16xf32>,
      %swap3A_158 = vector.shape_cast %swap3A_157 : vector<1x16xf32> to vector<16xf32>
      %swap3A_159 = vector.shape_cast %broadcast_in_dim3A_154 : vector<16xf32> to vector<1x16xf32>
      tpu.vector_store %arg10[%swap3A_155, %swap3A_156], %swap3A_159 {strides = array<i32>} : memref<128x64xf32, #tpu.memory_space<vmem>>, vector<1x16xf32>,
      %broadcast_in_dim3A_160 = arith.constant 0.000000e+00 : f32
      %broadcast_in_dim3A_161 = vector.broadcast %broadcast_in_dim3A_160 : f32 to vector<16xf32>
      %swap3A_162 = arith.index_cast %scan3A_152 : i32 to index
      %swap3A_163 = arith.constant 16 : index
      %swap3A_164 = tpu.vector_load %arg10[%swap3A_162, %swap3A_163] {strides = array<i32>} : memref<128x64xf32, #tpu.memory_space<vmem>>, vector<1x16xf32>,
      %swap3A_165 = vector.shape_cast %swap3A_164 : vector<1x16xf32> to vector<16xf32>
      %swap3A_166 = vector.shape_cast %broadcast_in_dim3A_161 : vector<16xf32> to vector<1x16xf32>
      tpu.vector_store %arg10[%swap3A_162, %swap3A_163], %swap3A_166 {strides = array<i32>} : memref<128x64xf32, #tpu.memory_space<vmem>>, vector<1x16xf32>,
      %broadcast_in_dim3A_167 = arith.constant 0.000000e+00 : f32
      %broadcast_in_dim3A_168 = vector.broadcast %broadcast_in_dim3A_167 : f32 to vector<16xf32>
      %swap3A_169 = arith.index_cast %scan3A_152 : i32 to index
      %swap3A_170 = arith.constant 32 : index
      %swap3A_171 = tpu.vector_load %arg10[%swap3A_169, %swap3A_170] {strides = array<i32>} : memref<128x64xf32, #tpu.memory_space<vmem>>, vector<1x16xf32>,
      %swap3A_172 = vector.shape_cast %swap3A_171 : vector<1x16xf32> to vector<16xf32>
      %swap3A_173 = vector.shape_cast %broadcast_in_dim3A_168 : vector<16xf32> to vector<1x16xf32>
      tpu.vector_store %arg10[%swap3A_169, %swap3A_170], %swap3A_173 {strides = array<i32>} : memref<128x64xf32, #tpu.memory_space<vmem>>, vector<1x16xf32>,
      %broadcast_in_dim3A_174 = arith.constant 0.000000e+00 : f32
      %broadcast_in_dim3A_175 = vector.broadcast %broadcast_in_dim3A_174 : f32 to vector<16xf32>
      %swap3A_176 = arith.index_cast %scan3A_152 : i32 to index
      %swap3A_177 = arith.constant 48 : index
      %swap3A_178 = tpu.vector_load %arg10[%swap3A_176, %swap3A_177] {strides = array<i32>} : memref<128x64xf32, #tpu.memory_space<vmem>>, vector<1x16xf32>,
      %swap3A_179 = vector.shape_cast %swap3A_178 : vector<1x16xf32> to vector<16xf32>
      %swap3A_180 = vector.shape_cast %broadcast_in_dim3A_175 : vector<16xf32> to vector<1x16xf32>
      tpu.vector_store %arg10[%swap3A_176, %swap3A_177], %swap3A_180 {strides = array<i32>} : memref<128x64xf32, #tpu.memory_space<vmem>>, vector<1x16xf32>,
    }
    %scan3A_5 = arith.constant 128 : i32
    %mul3A_6 = arith.constant 640 : i32
    %mul3A_7 = arith.muli %arg1, %mul3A_6 : i32
    %add3A_8 = arith.constant 0 : i32
    %add3A_9 = arith.addi %mul3A_7, %add3A_8 : i32
    "tpu.region"() ({
      %run_scoped3A = tpu.sem_alloc : memref<!tpu.dma_semaphore, #tpu.memory_space<semaphore_mem>>
      %dma_start3A_152 = arith.constant 0 : i32
      %dma_start3A_153 = tpu.memref_slice %arg12[%add3A_9, %dma_start3A_152] : memref<10240x64xf32, #tpu.memory_space<vmem_shared>> -> memref<128x64xf32, #tpu.memory_space<vmem_shared>>
      %dma_start3A_154 = arith.constant 0 : i32
      %dma_start3A_155 = tpu.memref_slice %arg12[%add3A_9, %dma_start3A_154] : memref<10240x64xf32, #tpu.memory_space<vmem_shared>> -> memref<128x64xf32, #tpu.memory_space<vmem_shared>>
      tpu.enqueue_dma source(%arg10 : memref<128x64xf32, #tpu.memory_space<vmem>>) target(%dma_start3A_155 : memref<128x64xf32, #tpu.memory_space<vmem_shared>>) target_semaphore(%run_scoped3A : memref<!tpu.dma_semaphore, #tpu.memory_space<semaphore_mem>>)
      %dma_wait3A_156 = arith.constant 0 : i32
      %dma_wait3A_157 = tpu.memref_slice %arg12[%add3A_9, %dma_wait3A_156] : memref<10240x64xf32, #tpu.memory_space<vmem_shared>> -> memref<128x64xf32, #tpu.memory_space<vmem_shared>>
      %dma_wait3A_158 = arith.constant 0 : i32
      %dma_wait3A_159 = tpu.memref_slice %arg12[%add3A_9, %dma_wait3A_158] : memref<10240x64xf32, #tpu.memory_space<vmem_shared>> -> memref<128x64xf32, #tpu.memory_space<vmem_shared>>
      tpu.wait_dma2 semaphore(%run_scoped3A : memref<!tpu.dma_semaphore, #tpu.memory_space<semaphore_mem>>) src(%arg10 : memref<128x64xf32, #tpu.memory_space<vmem>>) dst(%dma_wait3A_159 : memref<128x64xf32, #tpu.memory_space<vmem_shared>>)
      tpu.yield
    }) : () -> ()
    %mul3A_10 = arith.constant 640 : i32
    %mul3A_11 = arith.muli %arg1, %mul3A_10 : i32
    %add3A_12 = arith.constant 128 : i32
    %add3A_13 = arith.addi %mul3A_11, %add3A_12 : i32
    "tpu.region"() ({
      %run_scoped3A = tpu.sem_alloc : memref<!tpu.dma_semaphore, #tpu.memory_space<semaphore_mem>>
      %dma_start3A_152 = arith.constant 0 : i32
      %dma_start3A_153 = tpu.memref_slice %arg12[%add3A_13, %dma_start3A_152] : memref<10240x64xf32, #tpu.memory_space<vmem_shared>> -> memref<128x64xf32, #tpu.memory_space<vmem_shared>>
      %dma_start3A_154 = arith.constant 0 : i32
      %dma_start3A_155 = tpu.memref_slice %arg12[%add3A_13, %dma_start3A_154] : memref<10240x64xf32, #tpu.memory_space<vmem_shared>> -> memref<128x64xf32, #tpu.memory_space<vmem_shared>>
      tpu.enqueue_dma source(%arg10 : memref<128x64xf32, #tpu.memory_space<vmem>>) target(%dma_start3A_155 : memref<128x64xf32, #tpu.memory_space<vmem_shared>>) target_semaphore(%run_scoped3A : memref<!tpu.dma_semaphore, #tpu.memory_space<semaphore_mem>>)
      %dma_wait3A_156 = arith.constant 0 : i32
      %dma_wait3A_157 = tpu.memref_slice %arg12[%add3A_13, %dma_wait3A_156] : memref<10240x64xf32, #tpu.memory_space<vmem_shared>> -> memref<128x64xf32, #tpu.memory_space<vmem_shared>>
      %dma_wait3A_158 = arith.constant 0 : i32
      %dma_wait3A_159 = tpu.memref_slice %arg12[%add3A_13, %dma_wait3A_158] : memref<10240x64xf32, #tpu.memory_space<vmem_shared>> -> memref<128x64xf32, #tpu.memory_space<vmem_shared>>
      tpu.wait_dma2 semaphore(%run_scoped3A : memref<!tpu.dma_semaphore, #tpu.memory_space<semaphore_mem>>) src(%arg10 : memref<128x64xf32, #tpu.memory_space<vmem>>) dst(%dma_wait3A_159 : memref<128x64xf32, #tpu.memory_space<vmem_shared>>)
      tpu.yield
    }) : () -> ()
    %mul3A_14 = arith.constant 640 : i32
    %mul3A_15 = arith.muli %arg1, %mul3A_14 : i32
    %add3A_16 = arith.constant 256 : i32
    %add3A_17 = arith.addi %mul3A_15, %add3A_16 : i32
    "tpu.region"() ({
      %run_scoped3A = tpu.sem_alloc : memref<!tpu.dma_semaphore, #tpu.memory_space<semaphore_mem>>
      %dma_start3A_152 = arith.constant 0 : i32
      %dma_start3A_153 = tpu.memref_slice %arg12[%add3A_17, %dma_start3A_152] : memref<10240x64xf32, #tpu.memory_space<vmem_shared>> -> memref<128x64xf32, #tpu.memory_space<vmem_shared>>
      %dma_start3A_154 = arith.constant 0 : i32
      %dma_start3A_155 = tpu.memref_slice %arg12[%add3A_17, %dma_start3A_154] : memref<10240x64xf32, #tpu.memory_space<vmem_shared>> -> memref<128x64xf32, #tpu.memory_space<vmem_shared>>
      tpu.enqueue_dma source(%arg10 : memref<128x64xf32, #tpu.memory_space<vmem>>) target(%dma_start3A_155 : memref<128x64xf32, #tpu.memory_space<vmem_shared>>) target_semaphore(%run_scoped3A : memref<!tpu.dma_semaphore, #tpu.memory_space<semaphore_mem>>)
      %dma_wait3A_156 = arith.constant 0 : i32
      %dma_wait3A_157 = tpu.memref_slice %arg12[%add3A_17, %dma_wait3A_156] : memref<10240x64xf32, #tpu.memory_space<vmem_shared>> -> memref<128x64xf32, #tpu.memory_space<vmem_shared>>
      %dma_wait3A_158 = arith.constant 0 : i32
      %dma_wait3A_159 = tpu.memref_slice %arg12[%add3A_17, %dma_wait3A_158] : memref<10240x64xf32, #tpu.memory_space<vmem_shared>> -> memref<128x64xf32, #tpu.memory_space<vmem_shared>>
      tpu.wait_dma2 semaphore(%run_scoped3A : memref<!tpu.dma_semaphore, #tpu.memory_space<semaphore_mem>>) src(%arg10 : memref<128x64xf32, #tpu.memory_space<vmem>>) dst(%dma_wait3A_159 : memref<128x64xf32, #tpu.memory_space<vmem_shared>>)
      tpu.yield
    }) : () -> ()
    %mul3A_18 = arith.constant 640 : i32
    %mul3A_19 = arith.muli %arg1, %mul3A_18 : i32
    %add3A_20 = arith.constant 384 : i32
    %add3A_21 = arith.addi %mul3A_19, %add3A_20 : i32
    "tpu.region"() ({
      %run_scoped3A = tpu.sem_alloc : memref<!tpu.dma_semaphore, #tpu.memory_space<semaphore_mem>>
      %dma_start3A_152 = arith.constant 0 : i32
      %dma_start3A_153 = tpu.memref_slice %arg12[%add3A_21, %dma_start3A_152] : memref<10240x64xf32, #tpu.memory_space<vmem_shared>> -> memref<128x64xf32, #tpu.memory_space<vmem_shared>>
      %dma_start3A_154 = arith.constant 0 : i32
      %dma_start3A_155 = tpu.memref_slice %arg12[%add3A_21, %dma_start3A_154] : memref<10240x64xf32, #tpu.memory_space<vmem_shared>> -> memref<128x64xf32, #tpu.memory_space<vmem_shared>>
      tpu.enqueue_dma source(%arg10 : memref<128x64xf32, #tpu.memory_space<vmem>>) target(%dma_start3A_155 : memref<128x64xf32, #tpu.memory_space<vmem_shared>>) target_semaphore(%run_scoped3A : memref<!tpu.dma_semaphore, #tpu.memory_space<semaphore_mem>>)
      %dma_wait3A_156 = arith.constant 0 : i32
      %dma_wait3A_157 = tpu.memref_slice %arg12[%add3A_21, %dma_wait3A_156] : memref<10240x64xf32, #tpu.memory_space<vmem_shared>> -> memref<128x64xf32, #tpu.memory_space<vmem_shared>>
      %dma_wait3A_158 = arith.constant 0 : i32
      %dma_wait3A_159 = tpu.memref_slice %arg12[%add3A_21, %dma_wait3A_158] : memref<10240x64xf32, #tpu.memory_space<vmem_shared>> -> memref<128x64xf32, #tpu.memory_space<vmem_shared>>
      tpu.wait_dma2 semaphore(%run_scoped3A : memref<!tpu.dma_semaphore, #tpu.memory_space<semaphore_mem>>) src(%arg10 : memref<128x64xf32, #tpu.memory_space<vmem>>) dst(%dma_wait3A_159 : memref<128x64xf32, #tpu.memory_space<vmem_shared>>)
      tpu.yield
    }) : () -> ()
    %mul3A_22 = arith.constant 640 : i32
    %mul3A_23 = arith.muli %arg1, %mul3A_22 : i32
    %add3A_24 = arith.constant 512 : i32
    %add3A_25 = arith.addi %mul3A_23, %add3A_24 : i32
    "tpu.region"() ({
      %run_scoped3A = tpu.sem_alloc : memref<!tpu.dma_semaphore, #tpu.memory_space<semaphore_mem>>
      %dma_start3A_152 = arith.constant 0 : i32
      %dma_start3A_153 = tpu.memref_slice %arg12[%add3A_25, %dma_start3A_152] : memref<10240x64xf32, #tpu.memory_space<vmem_shared>> -> memref<128x64xf32, #tpu.memory_space<vmem_shared>>
      %dma_start3A_154 = arith.constant 0 : i32
      %dma_start3A_155 = tpu.memref_slice %arg12[%add3A_25, %dma_start3A_154] : memref<10240x64xf32, #tpu.memory_space<vmem_shared>> -> memref<128x64xf32, #tpu.memory_space<vmem_shared>>
      tpu.enqueue_dma source(%arg10 : memref<128x64xf32, #tpu.memory_space<vmem>>) target(%dma_start3A_155 : memref<128x64xf32, #tpu.memory_space<vmem_shared>>) target_semaphore(%run_scoped3A : memref<!tpu.dma_semaphore, #tpu.memory_space<semaphore_mem>>)
      %dma_wait3A_156 = arith.constant 0 : i32
      %dma_wait3A_157 = tpu.memref_slice %arg12[%add3A_25, %dma_wait3A_156] : memref<10240x64xf32, #tpu.memory_space<vmem_shared>> -> memref<128x64xf32, #tpu.memory_space<vmem_shared>>
      %dma_wait3A_158 = arith.constant 0 : i32
      %dma_wait3A_159 = tpu.memref_slice %arg12[%add3A_25, %dma_wait3A_158] : memref<10240x64xf32, #tpu.memory_space<vmem_shared>> -> memref<128x64xf32, #tpu.memory_space<vmem_shared>>
      tpu.wait_dma2 semaphore(%run_scoped3A : memref<!tpu.dma_semaphore, #tpu.memory_space<semaphore_mem>>) src(%arg10 : memref<128x64xf32, #tpu.memory_space<vmem>>) dst(%dma_wait3A_159 : memref<128x64xf32, #tpu.memory_space<vmem_shared>>)
      tpu.yield
    }) : () -> ()
    %scan3A_26 = arith.constant 0 : i32
    %scan3A_27 = arith.constant 0 : i32
    %scan3A_28 = arith.constant 40 : i32
    %scan3A_29 = arith.addi %scan3A_27, %scan3A_28 : i32
    %scan3A_30 = arith.constant 1 : i32
    scf.for %scan3A_152 = %scan3A_27 to %scan3A_29 step %scan3A_30  : i32 {
      %broadcast_in_dim3A_153 = arith.constant 0.000000e+00 : f32
      %broadcast_in_dim3A_154 = vector.broadcast %broadcast_in_dim3A_153 : f32 to vector<16xf32>
      %mul3A_155 = arith.constant 16 : i32
      %mul3A_156 = arith.muli %scan3A_152, %mul3A_155 : i32
      %swap3A_157 = arith.index_cast %mul3A_156 : i32 to index
      %swap3A_158 = tpu.vector_load %arg11[%swap3A_157] {strides = array<i32>} : memref<640xf32, #tpu.memory_space<vmem>>, vector<16xf32>,
      %swap3A_159 = vector.shape_cast %swap3A_158 : vector<16xf32> to vector<16xf32>
      %swap3A_160 = vector.shape_cast %broadcast_in_dim3A_154 : vector<16xf32> to vector<16xf32>
      tpu.vector_store %arg11[%swap3A_157], %swap3A_160 {strides = array<i32>} : memref<640xf32, #tpu.memory_space<vmem>>, vector<16xf32>,
    }
    %scan3A_31 = arith.constant 40 : i32
    %mul3A_32 = arith.constant 640 : i32
    %mul3A_33 = arith.muli %arg1, %mul3A_32 : i32
    "tpu.region"() ({
      %run_scoped3A = tpu.sem_alloc : memref<!tpu.dma_semaphore, #tpu.memory_space<semaphore_mem>>
      %dma_start3A_152 = tpu.memref_slice %arg13[%mul3A_33] : memref<10240xf32, #tpu.memory_space<vmem_shared>> -> memref<640xf32, #tpu.memory_space<vmem_shared>>
      %dma_start3A_153 = tpu.memref_slice %arg13[%mul3A_33] : memref<10240xf32, #tpu.memory_space<vmem_shared>> -> memref<640xf32, #tpu.memory_space<vmem_shared>>
      tpu.enqueue_dma source(%arg11 : memref<640xf32, #tpu.memory_space<vmem>>) target(%dma_start3A_153 : memref<640xf32, #tpu.memory_space<vmem_shared>>) target_semaphore(%run_scoped3A : memref<!tpu.dma_semaphore, #tpu.memory_space<semaphore_mem>>)
      %dma_wait3A_154 = tpu.memref_slice %arg13[%mul3A_33] : memref<10240xf32, #tpu.memory_space<vmem_shared>> -> memref<640xf32, #tpu.memory_space<vmem_shared>>
      %dma_wait3A_155 = tpu.memref_slice %arg13[%mul3A_33] : memref<10240xf32, #tpu.memory_space<vmem_shared>> -> memref<640xf32, #tpu.memory_space<vmem_shared>>
      tpu.wait_dma2 semaphore(%run_scoped3A : memref<!tpu.dma_semaphore, #tpu.memory_space<semaphore_mem>>) src(%arg11 : memref<640xf32, #tpu.memory_space<vmem>>) dst(%dma_wait3A_155 : memref<640xf32, #tpu.memory_space<vmem_shared>>)
      tpu.yield
    }) : () -> ()
    %broadcast_in_dim3A = arith.constant 1.000000e+00 : f32
    %broadcast_in_dim3A_34 = vector.broadcast %broadcast_in_dim3A : f32 to vector<16xf32>
    %swap3A = arith.constant 0 : index
    %swap3A_35 = tpu.vector_load %arg11[%swap3A] {strides = array<i32>} : memref<640xf32, #tpu.memory_space<vmem>>, vector<16xf32>,
    %swap3A_36 = vector.shape_cast %swap3A_35 : vector<16xf32> to vector<16xf32>
    %swap3A_37 = vector.shape_cast %broadcast_in_dim3A_34 : vector<16xf32> to vector<16xf32>
    tpu.vector_store %arg11[%swap3A], %swap3A_37 {strides = array<i32>} : memref<640xf32, #tpu.memory_space<vmem>>, vector<16xf32>,
    %broadcast_in_dim3A_38 = arith.constant 1.000000e+00 : f32
    %broadcast_in_dim3A_39 = vector.broadcast %broadcast_in_dim3A_38 : f32 to vector<16xf32>
    %swap3A_40 = arith.constant 16 : index
    %swap3A_41 = tpu.vector_load %arg11[%swap3A_40] {strides = array<i32>} : memref<640xf32, #tpu.memory_space<vmem>>, vector<16xf32>,
    %swap3A_42 = vector.shape_cast %swap3A_41 : vector<16xf32> to vector<16xf32>
    %swap3A_43 = vector.shape_cast %broadcast_in_dim3A_39 : vector<16xf32> to vector<16xf32>
    tpu.vector_store %arg11[%swap3A_40], %swap3A_43 {strides = array<i32>} : memref<640xf32, #tpu.memory_space<vmem>>, vector<16xf32>,
    %broadcast_in_dim3A_44 = arith.constant 1.000000e+00 : f32
    %broadcast_in_dim3A_45 = vector.broadcast %broadcast_in_dim3A_44 : f32 to vector<16xf32>
    %swap3A_46 = arith.constant 32 : index
    %swap3A_47 = tpu.vector_load %arg11[%swap3A_46] {strides = array<i32>} : memref<640xf32, #tpu.memory_space<vmem>>, vector<16xf32>,
    %swap3A_48 = vector.shape_cast %swap3A_47 : vector<16xf32> to vector<16xf32>
    %swap3A_49 = vector.shape_cast %broadcast_in_dim3A_45 : vector<16xf32> to vector<16xf32>
    tpu.vector_store %arg11[%swap3A_46], %swap3A_49 {strides = array<i32>} : memref<640xf32, #tpu.memory_space<vmem>>, vector<16xf32>,
    %broadcast_in_dim3A_50 = arith.constant 1.000000e+00 : f32
    %broadcast_in_dim3A_51 = vector.broadcast %broadcast_in_dim3A_50 : f32 to vector<16xf32>
    %swap3A_52 = arith.constant 48 : index
    %swap3A_53 = tpu.vector_load %arg11[%swap3A_52] {strides = array<i32>} : memref<640xf32, #tpu.memory_space<vmem>>, vector<16xf32>,
    %swap3A_54 = vector.shape_cast %swap3A_53 : vector<16xf32> to vector<16xf32>
    %swap3A_55 = vector.shape_cast %broadcast_in_dim3A_51 : vector<16xf32> to vector<16xf32>
    tpu.vector_store %arg11[%swap3A_52], %swap3A_55 {strides = array<i32>} : memref<640xf32, #tpu.memory_space<vmem>>, vector<16xf32>,
    %broadcast_in_dim3A_56 = arith.constant 1.000000e+00 : f32
    %broadcast_in_dim3A_57 = vector.broadcast %broadcast_in_dim3A_56 : f32 to vector<16xf32>
    %swap3A_58 = arith.constant 64 : index
    %swap3A_59 = tpu.vector_load %arg11[%swap3A_58] {strides = array<i32>} : memref<640xf32, #tpu.memory_space<vmem>>, vector<16xf32>,
    %swap3A_60 = vector.shape_cast %swap3A_59 : vector<16xf32> to vector<16xf32>
    %swap3A_61 = vector.shape_cast %broadcast_in_dim3A_57 : vector<16xf32> to vector<16xf32>
    tpu.vector_store %arg11[%swap3A_58], %swap3A_61 {strides = array<i32>} : memref<640xf32, #tpu.memory_space<vmem>>, vector<16xf32>,
    "tpu.region"() ({
      %run_scoped3A = tpu.sem_alloc : memref<!tpu.dma_semaphore, #tpu.memory_space<semaphore_mem>>
      %dma_start3A_152 = arith.constant 0 : i32
      %dma_start3A_153 = arith.constant 0 : i32
      %dma_start3A_154 = tpu.memref_slice %arg3[%add3A, %dma_start3A_152, %dma_start3A_153] : memref<32x125x80xi32, #tpu.memory_space<hbm>> -> memref<1x125x80xi32, #tpu.memory_space<hbm>>
      %dma_start3A_155 = tpu.memref_squeeze %dma_start3A_154 : memref<1x125x80xi32, #tpu.memory_space<hbm>> -> memref<125x80xi32, #tpu.memory_space<hbm>>
      %dma_start3A_156 = arith.constant 0 : i32
      %dma_start3A_157 = arith.constant 0 : i32
      %dma_start3A_158 = tpu.memref_slice %arg3[%add3A, %dma_start3A_156, %dma_start3A_157] : memref<32x125x80xi32, #tpu.memory_space<hbm>> -> memref<1x125x80xi32, #tpu.memory_space<hbm>>
      %dma_start3A_159 = tpu.memref_squeeze %dma_start3A_158 : memref<1x125x80xi32, #tpu.memory_space<hbm>> -> memref<125x80xi32, #tpu.memory_space<hbm>>
      tpu.enqueue_dma source(%dma_start3A_159 : memref<125x80xi32, #tpu.memory_space<hbm>>) target(%arg7 : memref<125x80xi32, #tpu.memory_space<vmem>>) target_semaphore(%run_scoped3A : memref<!tpu.dma_semaphore, #tpu.memory_space<semaphore_mem>>)
      %dma_wait3A_160 = arith.constant 0 : i32
      %dma_wait3A_161 = arith.constant 0 : i32
      %dma_wait3A_162 = tpu.memref_slice %arg3[%add3A, %dma_wait3A_160, %dma_wait3A_161] : memref<32x125x80xi32, #tpu.memory_space<hbm>> -> memref<1x125x80xi32, #tpu.memory_space<hbm>>
      %dma_wait3A_163 = tpu.memref_squeeze %dma_wait3A_162 : memref<1x125x80xi32, #tpu.memory_space<hbm>> -> memref<125x80xi32, #tpu.memory_space<hbm>>
      %dma_wait3A_164 = arith.constant 0 : i32
      %dma_wait3A_165 = arith.constant 0 : i32
      %dma_wait3A_166 = tpu.memref_slice %arg3[%add3A, %dma_wait3A_164, %dma_wait3A_165] : memref<32x125x80xi32, #tpu.memory_space<hbm>> -> memref<1x125x80xi32, #tpu.memory_space<hbm>>
      %dma_wait3A_167 = tpu.memref_squeeze %dma_wait3A_166 : memref<1x125x80xi32, #tpu.memory_space<hbm>> -> memref<125x80xi32, #tpu.memory_space<hbm>>
      tpu.wait_dma2 semaphore(%run_scoped3A : memref<!tpu.dma_semaphore, #tpu.memory_space<semaphore_mem>>) src(%dma_wait3A_167 : memref<125x80xi32, #tpu.memory_space<hbm>>) dst(%arg7 : memref<125x80xi32, #tpu.memory_space<vmem>>)
      tpu.yield
    }) : () -> ()
    "tpu.region"() ({
      %run_scoped3A = tpu.sem_alloc : memref<!tpu.dma_semaphore, #tpu.memory_space<semaphore_mem>>
      %dma_start3A_152 = arith.constant 0 : i32
      %dma_start3A_153 = arith.constant 0 : i32
      %dma_start3A_154 = tpu.memref_slice %arg4[%add3A, %dma_start3A_152, %dma_start3A_153] : memref<32x125x80xi32, #tpu.memory_space<hbm>> -> memref<1x125x80xi32, #tpu.memory_space<hbm>>
      %dma_start3A_155 = tpu.memref_squeeze %dma_start3A_154 : memref<1x125x80xi32, #tpu.memory_space<hbm>> -> memref<125x80xi32, #tpu.memory_space<hbm>>
      %dma_start3A_156 = arith.constant 0 : i32
      %dma_start3A_157 = arith.constant 0 : i32
      %dma_start3A_158 = tpu.memref_slice %arg4[%add3A, %dma_start3A_156, %dma_start3A_157] : memref<32x125x80xi32, #tpu.memory_space<hbm>> -> memref<1x125x80xi32, #tpu.memory_space<hbm>>
      %dma_start3A_159 = tpu.memref_squeeze %dma_start3A_158 : memref<1x125x80xi32, #tpu.memory_space<hbm>> -> memref<125x80xi32, #tpu.memory_space<hbm>>
      tpu.enqueue_dma source(%dma_start3A_159 : memref<125x80xi32, #tpu.memory_space<hbm>>) target(%arg8 : memref<125x80xi32, #tpu.memory_space<vmem>>) target_semaphore(%run_scoped3A : memref<!tpu.dma_semaphore, #tpu.memory_space<semaphore_mem>>)
      %dma_wait3A_160 = arith.constant 0 : i32
      %dma_wait3A_161 = arith.constant 0 : i32
      %dma_wait3A_162 = tpu.memref_slice %arg4[%add3A, %dma_wait3A_160, %dma_wait3A_161] : memref<32x125x80xi32, #tpu.memory_space<hbm>> -> memref<1x125x80xi32, #tpu.memory_space<hbm>>
      %dma_wait3A_163 = tpu.memref_squeeze %dma_wait3A_162 : memref<1x125x80xi32, #tpu.memory_space<hbm>> -> memref<125x80xi32, #tpu.memory_space<hbm>>
      %dma_wait3A_164 = arith.constant 0 : i32
      %dma_wait3A_165 = arith.constant 0 : i32
      %dma_wait3A_166 = tpu.memref_slice %arg4[%add3A, %dma_wait3A_164, %dma_wait3A_165] : memref<32x125x80xi32, #tpu.memory_space<hbm>> -> memref<1x125x80xi32, #tpu.memory_space<hbm>>
      %dma_wait3A_167 = tpu.memref_squeeze %dma_wait3A_166 : memref<1x125x80xi32, #tpu.memory_space<hbm>> -> memref<125x80xi32, #tpu.memory_space<hbm>>
      tpu.wait_dma2 semaphore(%run_scoped3A : memref<!tpu.dma_semaphore, #tpu.memory_space<semaphore_mem>>) src(%dma_wait3A_167 : memref<125x80xi32, #tpu.memory_space<hbm>>) dst(%arg8 : memref<125x80xi32, #tpu.memory_space<vmem>>)
      tpu.yield
    }) : () -> ()
    %dma_start3A = arith.constant 0 : i32
    %dma_start3A_62 = arith.constant 0 : i32
    %dma_start3A_63 = arith.constant 0 : i32
    %dma_start3A_64 = arith.constant 0 : i32
    %dma_start3A_65 = tpu.memref_slice %arg9[%dma_start3A_62, %dma_start3A_63, %dma_start3A_64] : memref<5x80x64xf32, #tpu.memory_space<vmem>> -> memref<1x80x64xf32, #tpu.memory_space<vmem>>
    %dma_start3A_66 = tpu.memref_squeeze %dma_start3A_65 : memref<1x80x64xf32, #tpu.memory_space<vmem>> -> memref<80x64xf32, #tpu.memory_space<vmem>>
    %dma_start3A_67 = arith.constant 0 : i32
    %dma_start3A_68 = tpu.memref_slice %arg7[%dma_start3A, %dma_start3A_67] : memref<125x80xi32, #tpu.memory_space<vmem>> -> memref<1x80xi32, #tpu.memory_space<vmem>>
    %dma_start3A_69 = tpu.memref_squeeze %dma_start3A_68 : memref<1x80xi32, #tpu.memory_space<vmem>> -> memref<80xi32, #tpu.memory_space<vmem>>
    %dma_start3A_70 = arith.constant 0 : i32
    %dma_start3A_71 = arith.constant 0 : i32
    %dma_start3A_72 = tpu.memref_slice %arg2[%dma_start3A_70, %dma_start3A_71] : memref<10000x64xf32, #tpu.memory_space<hbm>> -> memref<10000x64xf32, #tpu.memory_space<hbm>>
    tpu.enqueue_indirect_dma source(%dma_start3A_72 : memref<10000x64xf32, #tpu.memory_space<hbm>>) target(%dma_start3A_66 : memref<80x64xf32, #tpu.memory_space<vmem>>) offsets(%dma_start3A_69 : memref<80xi32, #tpu.memory_space<vmem>>) semaphore(%arg14 : memref<!tpu.dma_semaphore, #tpu.memory_space<semaphore_mem>>)
    %dma_start3A_73 = arith.constant 1 : i32
    %dma_start3A_74 = arith.constant 1 : i32
    %dma_start3A_75 = arith.constant 0 : i32
    %dma_start3A_76 = arith.constant 0 : i32
    %dma_start3A_77 = tpu.memref_slice %arg9[%dma_start3A_74, %dma_start3A_75, %dma_start3A_76] : memref<5x80x64xf32, #tpu.memory_space<vmem>> -> memref<1x80x64xf32, #tpu.memory_space<vmem>>
    %dma_start3A_78 = tpu.memref_squeeze %dma_start3A_77 : memref<1x80x64xf32, #tpu.memory_space<vmem>> -> memref<80x64xf32, #tpu.memory_space<vmem>>
    %dma_start3A_79 = arith.constant 0 : i32
    %dma_start3A_80 = tpu.memref_slice %arg7[%dma_start3A_73, %dma_start3A_79] : memref<125x80xi32, #tpu.memory_space<vmem>> -> memref<1x80xi32, #tpu.memory_space<vmem>>
    %dma_start3A_81 = tpu.memref_squeeze %dma_start3A_80 : memref<1x80xi32, #tpu.memory_space<vmem>> -> memref<80xi32, #tpu.memory_space<vmem>>
    %dma_start3A_82 = arith.constant 0 : i32
    %dma_start3A_83 = arith.constant 0 : i32
    %dma_start3A_84 = tpu.memref_slice %arg2[%dma_start3A_82, %dma_start3A_83] : memref<10000x64xf32, #tpu.memory_space<hbm>> -> memref<10000x64xf32, #tpu.memory_space<hbm>>
    tpu.enqueue_indirect_dma source(%dma_start3A_84 : memref<10000x64xf32, #tpu.memory_space<hbm>>) target(%dma_start3A_78 : memref<80x64xf32, #tpu.memory_space<vmem>>) offsets(%dma_start3A_81 : memref<80xi32, #tpu.memory_space<vmem>>) semaphore(%arg15 : memref<!tpu.dma_semaphore, #tpu.memory_space<semaphore_mem>>)
    %dma_start3A_85 = arith.constant 2 : i32
    %dma_start3A_86 = arith.constant 2 : i32
    %dma_start3A_87 = arith.constant 0 : i32
    %dma_start3A_88 = arith.constant 0 : i32
    %dma_start3A_89 = tpu.memref_slice %arg9[%dma_start3A_86, %dma_start3A_87, %dma_start3A_88] : memref<5x80x64xf32, #tpu.memory_space<vmem>> -> memref<1x80x64xf32, #tpu.memory_space<vmem>>
    %dma_start3A_90 = tpu.memref_squeeze %dma_start3A_89 : memref<1x80x64xf32, #tpu.memory_space<vmem>> -> memref<80x64xf32, #tpu.memory_space<vmem>>
    %dma_start3A_91 = arith.constant 0 : i32
    %dma_start3A_92 = tpu.memref_slice %arg7[%dma_start3A_85, %dma_start3A_91] : memref<125x80xi32, #tpu.memory_space<vmem>> -> memref<1x80xi32, #tpu.memory_space<vmem>>
    %dma_start3A_93 = tpu.memref_squeeze %dma_start3A_92 : memref<1x80xi32, #tpu.memory_space<vmem>> -> memref<80xi32, #tpu.memory_space<vmem>>
    %dma_start3A_94 = arith.constant 0 : i32
    %dma_start3A_95 = arith.constant 0 : i32
    %dma_start3A_96 = tpu.memref_slice %arg2[%dma_start3A_94, %dma_start3A_95] : memref<10000x64xf32, #tpu.memory_space<hbm>> -> memref<10000x64xf32, #tpu.memory_space<hbm>>
    tpu.enqueue_indirect_dma source(%dma_start3A_96 : memref<10000x64xf32, #tpu.memory_space<hbm>>) target(%dma_start3A_90 : memref<80x64xf32, #tpu.memory_space<vmem>>) offsets(%dma_start3A_93 : memref<80xi32, #tpu.memory_space<vmem>>) semaphore(%arg16 : memref<!tpu.dma_semaphore, #tpu.memory_space<semaphore_mem>>)
    %dma_start3A_97 = arith.constant 3 : i32
    %dma_start3A_98 = arith.constant 3 : i32
    %dma_start3A_99 = arith.constant 0 : i32
    %dma_start3A_100 = arith.constant 0 : i32
    %dma_start3A_101 = tpu.memref_slice %arg9[%dma_start3A_98, %dma_start3A_99, %dma_start3A_100] : memref<5x80x64xf32, #tpu.memory_space<vmem>> -> memref<1x80x64xf32, #tpu.memory_space<vmem>>
    %dma_start3A_102 = tpu.memref_squeeze %dma_start3A_101 : memref<1x80x64xf32, #tpu.memory_space<vmem>> -> memref<80x64xf32, #tpu.memory_space<vmem>>
    %dma_start3A_103 = arith.constant 0 : i32
    %dma_start3A_104 = tpu.memref_slice %arg7[%dma_start3A_97, %dma_start3A_103] : memref<125x80xi32, #tpu.memory_space<vmem>> -> memref<1x80xi32, #tpu.memory_space<vmem>>
    %dma_start3A_105 = tpu.memref_squeeze %dma_start3A_104 : memref<1x80xi32, #tpu.memory_space<vmem>> -> memref<80xi32, #tpu.memory_space<vmem>>
    %dma_start3A_106 = arith.constant 0 : i32
    %dma_start3A_107 = arith.constant 0 : i32
    %dma_start3A_108 = tpu.memref_slice %arg2[%dma_start3A_106, %dma_start3A_107] : memref<10000x64xf32, #tpu.memory_space<hbm>> -> memref<10000x64xf32, #tpu.memory_space<hbm>>
    tpu.enqueue_indirect_dma source(%dma_start3A_108 : memref<10000x64xf32, #tpu.memory_space<hbm>>) target(%dma_start3A_102 : memref<80x64xf32, #tpu.memory_space<vmem>>) offsets(%dma_start3A_105 : memref<80xi32, #tpu.memory_space<vmem>>) semaphore(%arg17 : memref<!tpu.dma_semaphore, #tpu.memory_space<semaphore_mem>>)
    %barrier3A = arith.constant 0 : index
    tpu.barrier barrier_id(%barrier3A)
    %scan3A_109 = arith.constant 0 : i32
    %scan3A_110 = arith.constant 0 : i32
    %scan3A_111 = arith.constant 25 : i32
    %scan3A_112 = arith.addi %scan3A_110, %scan3A_111 : i32
    %scan3A_113 = arith.constant 1 : i32
    scf.for %scan3A_152 = %scan3A_110 to %scan3A_112 step %scan3A_113  : i32 {
      %mul3A_153 = arith.constant 5 : i32
      %mul3A_154 = arith.muli %scan3A_152, %mul3A_153 : i32
      %add3A_155 = arith.constant 0 : i32
      %add3A_156 = arith.addi %mul3A_154, %add3A_155 : i32
      %dma_wait3A_157 = arith.constant 0 : i32
      %dma_wait3A_158 = arith.constant 0 : i32
      %dma_wait3A_159 = arith.constant 0 : i32
      %dma_wait3A_160 = tpu.memref_slice %arg9[%dma_wait3A_157, %dma_wait3A_158, %dma_wait3A_159] : memref<5x80x64xf32, #tpu.memory_space<vmem>> -> memref<1x80x64xf32, #tpu.memory_space<vmem>>
      %dma_wait3A_161 = tpu.memref_squeeze %dma_wait3A_160 : memref<1x80x64xf32, #tpu.memory_space<vmem>> -> memref<80x64xf32, #tpu.memory_space<vmem>>
      %dma_wait3A_162 = arith.constant 0 : i32
      %dma_wait3A_163 = arith.constant 0 : i32
      %dma_wait3A_164 = tpu.memref_slice %arg2[%dma_wait3A_162, %dma_wait3A_163] : memref<10000x64xf32, #tpu.memory_space<hbm>> -> memref<80x64xf32, #tpu.memory_space<hbm>>
      %dma_wait3A_165 = arith.constant 0 : i32
      %dma_wait3A_166 = arith.constant 0 : i32
      %dma_wait3A_167 = tpu.memref_slice %arg9[%dma_wait3A_157, %dma_wait3A_165, %dma_wait3A_166] : memref<5x80x64xf32, #tpu.memory_space<vmem>> -> memref<1x80x64xf32, #tpu.memory_space<vmem>>
      %dma_wait3A_168 = tpu.memref_squeeze %dma_wait3A_167 : memref<1x80x64xf32, #tpu.memory_space<vmem>> -> memref<80x64xf32, #tpu.memory_space<vmem>>
      %dma_wait3A_169 = arith.constant 0 : i32
      %dma_wait3A_170 = arith.constant 0 : i32
      %dma_wait3A_171 = tpu.memref_slice %arg2[%dma_wait3A_169, %dma_wait3A_170] : memref<10000x64xf32, #tpu.memory_space<hbm>> -> memref<80x64xf32, #tpu.memory_space<hbm>>
      tpu.wait_dma2 semaphore(%arg14 : memref<!tpu.dma_semaphore, #tpu.memory_space<semaphore_mem>>) src(%dma_wait3A_171 : memref<80x64xf32, #tpu.memory_space<hbm>>) dst(%dma_wait3A_168 : memref<80x64xf32, #tpu.memory_space<vmem>>)
      %ge3A = arith.constant 1 : i32
      %ge3A_172 = arith.cmpi sge, %add3A_156, %ge3A : i32
      %convert_element_type3A = arith.extui %ge3A_172 : i1 to i32
      %cond3A = arith.constant 0 : i32
      %cond3A_173 = arith.cmpi ne, %convert_element_type3A, %cond3A : i32
      scf.if %cond3A_173 {
        %dma_wait3A_394 = arith.constant 4 : i32
        %dma_wait3A_395 = arith.constant 0 : i32
        %dma_wait3A_396 = arith.constant 0 : i32
        %dma_wait3A_397 = tpu.memref_slice %arg9[%dma_wait3A_394, %dma_wait3A_395, %dma_wait3A_396] : memref<5x80x64xf32, #tpu.memory_space<vmem>> -> memref<1x80x64xf32, #tpu.memory_space<vmem>>
        %dma_wait3A_398 = tpu.memref_squeeze %dma_wait3A_397 : memref<1x80x64xf32, #tpu.memory_space<vmem>> -> memref<80x64xf32, #tpu.memory_space<vmem>>
        %dma_wait3A_399 = arith.constant 0 : i32
        %dma_wait3A_400 = arith.constant 0 : i32
        %dma_wait3A_401 = tpu.memref_slice %arg12[%dma_wait3A_399, %dma_wait3A_400] : memref<10240x64xf32, #tpu.memory_space<vmem_shared>> -> memref<80x64xf32, #tpu.memory_space<vmem_shared>>
        %dma_wait3A_402 = arith.constant 0 : i32
        %dma_wait3A_403 = arith.constant 0 : i32
        %dma_wait3A_404 = tpu.memref_slice %arg12[%dma_wait3A_402, %dma_wait3A_403] : memref<10240x64xf32, #tpu.memory_space<vmem_shared>> -> memref<80x64xf32, #tpu.memory_space<vmem_shared>>
        %dma_wait3A_405 = arith.constant 0 : i32
        %dma_wait3A_406 = arith.constant 0 : i32
        %dma_wait3A_407 = tpu.memref_slice %arg9[%dma_wait3A_394, %dma_wait3A_405, %dma_wait3A_406] : memref<5x80x64xf32, #tpu.memory_space<vmem>> -> memref<1x80x64xf32, #tpu.memory_space<vmem>>
        %dma_wait3A_408 = tpu.memref_squeeze %dma_wait3A_407 : memref<1x80x64xf32, #tpu.memory_space<vmem>> -> memref<80x64xf32, #tpu.memory_space<vmem>>
        tpu.wait_dma2 semaphore(%arg23 : memref<!tpu.dma_semaphore, #tpu.memory_space<semaphore_mem>>) src(%dma_wait3A_408 : memref<80x64xf32, #tpu.memory_space<vmem>>) dst(%dma_wait3A_404 : memref<80x64xf32, #tpu.memory_space<vmem_shared>>)
        %dma_wait3A_409 = arith.constant 0 : i32
        %dma_wait3A_410 = tpu.memref_slice %arg11[%dma_wait3A_409] : memref<640xf32, #tpu.memory_space<vmem>> -> memref<80xf32, #tpu.memory_space<vmem>>
        %dma_wait3A_411 = arith.constant 0 : i32
        %dma_wait3A_412 = tpu.memref_slice %arg13[%dma_wait3A_411] : memref<10240xf32, #tpu.memory_space<vmem_shared>> -> memref<80xf32, #tpu.memory_space<vmem_shared>>
        %dma_wait3A_413 = arith.constant 0 : i32
        %dma_wait3A_414 = tpu.memref_slice %arg13[%dma_wait3A_413] : memref<10240xf32, #tpu.memory_space<vmem_shared>> -> memref<80xf32, #tpu.memory_space<vmem_shared>>
        %dma_wait3A_415 = arith.constant 0 : i32
        %dma_wait3A_416 = tpu.memref_slice %arg11[%dma_wait3A_415] : memref<640xf32, #tpu.memory_space<vmem>> -> memref<80xf32, #tpu.memory_space<vmem>>
        tpu.wait_dma2 semaphore(%arg24 : memref<!tpu.dma_semaphore, #tpu.memory_space<semaphore_mem>>) src(%dma_wait3A_416 : memref<80xf32, #tpu.memory_space<vmem>>) dst(%dma_wait3A_414 : memref<80xf32, #tpu.memory_space<vmem_shared>>)
      } else {
      }
      %add3A_174 = arith.constant 4 : i32
      %add3A_175 = arith.addi %add3A_156, %add3A_174 : i32
      %lt3A = arith.constant 125 : i32
      %lt3A_176 = arith.cmpi slt, %add3A_175, %lt3A : i32
      %convert_element_type3A_177 = arith.extui %lt3A_176 : i1 to i32
      %cond3A_178 = arith.constant 0 : i32
      %cond3A_179 = arith.cmpi ne, %convert_element_type3A_177, %cond3A_178 : i32
      scf.if %cond3A_179 {
        %add3A_394 = arith.constant 4 : i32
        %add3A_395 = arith.addi %add3A_156, %add3A_394 : i32
        %dma_start3A_396 = arith.constant 4 : i32
        %dma_start3A_397 = arith.constant 0 : i32
        %dma_start3A_398 = arith.constant 0 : i32
        %dma_start3A_399 = tpu.memref_slice %arg9[%dma_start3A_396, %dma_start3A_397, %dma_start3A_398] : memref<5x80x64xf32, #tpu.memory_space<vmem>> -> memref<1x80x64xf32, #tpu.memory_space<vmem>>
        %dma_start3A_400 = tpu.memref_squeeze %dma_start3A_399 : memref<1x80x64xf32, #tpu.memory_space<vmem>> -> memref<80x64xf32, #tpu.memory_space<vmem>>
        %dma_start3A_401 = arith.constant 0 : i32
        %dma_start3A_402 = tpu.memref_slice %arg7[%add3A_395, %dma_start3A_401] : memref<125x80xi32, #tpu.memory_space<vmem>> -> memref<1x80xi32, #tpu.memory_space<vmem>>
        %dma_start3A_403 = tpu.memref_squeeze %dma_start3A_402 : memref<1x80xi32, #tpu.memory_space<vmem>> -> memref<80xi32, #tpu.memory_space<vmem>>
        %dma_start3A_404 = arith.constant 0 : i32
        %dma_start3A_405 = arith.constant 0 : i32
        %dma_start3A_406 = tpu.memref_slice %arg2[%dma_start3A_404, %dma_start3A_405] : memref<10000x64xf32, #tpu.memory_space<hbm>> -> memref<10000x64xf32, #tpu.memory_space<hbm>>
        tpu.enqueue_indirect_dma source(%dma_start3A_406 : memref<10000x64xf32, #tpu.memory_space<hbm>>) target(%dma_start3A_400 : memref<80x64xf32, #tpu.memory_space<vmem>>) offsets(%dma_start3A_403 : memref<80xi32, #tpu.memory_space<vmem>>) semaphore(%arg18 : memref<!tpu.dma_semaphore, #tpu.memory_space<semaphore_mem>>)
      } else {
      }
      %dma_start3A_180 = arith.constant 0 : i32
      %dma_start3A_181 = arith.constant 0 : i32
      %dma_start3A_182 = arith.constant 0 : i32
      %dma_start3A_183 = tpu.memref_slice %arg9[%dma_start3A_180, %dma_start3A_181, %dma_start3A_182] : memref<5x80x64xf32, #tpu.memory_space<vmem>> -> memref<1x80x64xf32, #tpu.memory_space<vmem>>
      %dma_start3A_184 = tpu.memref_squeeze %dma_start3A_183 : memref<1x80x64xf32, #tpu.memory_space<vmem>> -> memref<80x64xf32, #tpu.memory_space<vmem>>
      %dma_start3A_185 = arith.constant 0 : i32
      %dma_start3A_186 = tpu.memref_slice %arg8[%add3A_156, %dma_start3A_185] : memref<125x80xi32, #tpu.memory_space<vmem>> -> memref<1x80xi32, #tpu.memory_space<vmem>>
      %dma_start3A_187 = tpu.memref_squeeze %dma_start3A_186 : memref<1x80xi32, #tpu.memory_space<vmem>> -> memref<80xi32, #tpu.memory_space<vmem>>
      %dma_start3A_188 = arith.constant 0 : i32
      %dma_start3A_189 = arith.constant 0 : i32
      %dma_start3A_190 = tpu.memref_slice %arg12[%dma_start3A_188, %dma_start3A_189] : memref<10240x64xf32, #tpu.memory_space<vmem_shared>> -> memref<10240x64xf32, #tpu.memory_space<vmem_shared>>
      tpu.enqueue_indirect_dma source(%dma_start3A_184 : memref<80x64xf32, #tpu.memory_space<vmem>>) target(%dma_start3A_190 : memref<10240x64xf32, #tpu.memory_space<vmem_shared>>) offsets(%dma_start3A_187 : memref<80xi32, #tpu.memory_space<vmem>>) semaphore(%arg19 : memref<!tpu.dma_semaphore, #tpu.memory_space<semaphore_mem>>) {add = true}
      %dma_start3A_191 = arith.constant 0 : i32
      %dma_start3A_192 = tpu.memref_slice %arg11[%dma_start3A_191] : memref<640xf32, #tpu.memory_space<vmem>> -> memref<80xf32, #tpu.memory_space<vmem>>
      %dma_start3A_193 = arith.constant 0 : i32
      %dma_start3A_194 = tpu.memref_slice %arg8[%add3A_156, %dma_start3A_193] : memref<125x80xi32, #tpu.memory_space<vmem>> -> memref<1x80xi32, #tpu.memory_space<vmem>>
      %dma_start3A_195 = tpu.memref_squeeze %dma_start3A_194 : memref<1x80xi32, #tpu.memory_space<vmem>> -> memref<80xi32, #tpu.memory_space<vmem>>
      %dma_start3A_196 = arith.constant 0 : i32
      %dma_start3A_197 = tpu.memref_slice %arg13[%dma_start3A_196] : memref<10240xf32, #tpu.memory_space<vmem_shared>> -> memref<10240xf32, #tpu.memory_space<vmem_shared>>
      tpu.enqueue_indirect_dma source(%dma_start3A_192 : memref<80xf32, #tpu.memory_space<vmem>>) target(%dma_start3A_197 : memref<10240xf32, #tpu.memory_space<vmem_shared>>) offsets(%dma_start3A_195 : memref<80xi32, #tpu.memory_space<vmem>>) semaphore(%arg24 : memref<!tpu.dma_semaphore, #tpu.memory_space<semaphore_mem>>) {add = true}
      %mul3A_198 = arith.constant 5 : i32
      %mul3A_199 = arith.muli %scan3A_152, %mul3A_198 : i32
      %add3A_200 = arith.constant 1 : i32
      %add3A_201 = arith.addi %mul3A_199, %add3A_200 : i32
      %dma_wait3A_202 = arith.constant 1 : i32
      %dma_wait3A_203 = arith.constant 0 : i32
      %dma_wait3A_204 = arith.constant 0 : i32
      %dma_wait3A_205 = tpu.memref_slice %arg9[%dma_wait3A_202, %dma_wait3A_203, %dma_wait3A_204] : memref<5x80x64xf32, #tpu.memory_space<vmem>> -> memref<1x80x64xf32, #tpu.memory_space<vmem>>
      %dma_wait3A_206 = tpu.memref_squeeze %dma_wait3A_205 : memref<1x80x64xf32, #tpu.memory_space<vmem>> -> memref<80x64xf32, #tpu.memory_space<vmem>>
      %dma_wait3A_207 = arith.constant 0 : i32
      %dma_wait3A_208 = arith.constant 0 : i32
      %dma_wait3A_209 = tpu.memref_slice %arg2[%dma_wait3A_207, %dma_wait3A_208] : memref<10000x64xf32, #tpu.memory_space<hbm>> -> memref<80x64xf32, #tpu.memory_space<hbm>>
      %dma_wait3A_210 = arith.constant 0 : i32
      %dma_wait3A_211 = arith.constant 0 : i32
      %dma_wait3A_212 = tpu.memref_slice %arg9[%dma_wait3A_202, %dma_wait3A_210, %dma_wait3A_211] : memref<5x80x64xf32, #tpu.memory_space<vmem>> -> memref<1x80x64xf32, #tpu.memory_space<vmem>>
      %dma_wait3A_213 = tpu.memref_squeeze %dma_wait3A_212 : memref<1x80x64xf32, #tpu.memory_space<vmem>> -> memref<80x64xf32, #tpu.memory_space<vmem>>
      %dma_wait3A_214 = arith.constant 0 : i32
      %dma_wait3A_215 = arith.constant 0 : i32
      %dma_wait3A_216 = tpu.memref_slice %arg2[%dma_wait3A_214, %dma_wait3A_215] : memref<10000x64xf32, #tpu.memory_space<hbm>> -> memref<80x64xf32, #tpu.memory_space<hbm>>
      tpu.wait_dma2 semaphore(%arg15 : memref<!tpu.dma_semaphore, #tpu.memory_space<semaphore_mem>>) src(%dma_wait3A_216 : memref<80x64xf32, #tpu.memory_space<hbm>>) dst(%dma_wait3A_213 : memref<80x64xf32, #tpu.memory_space<vmem>>)
      %ge3A_217 = arith.constant 1 : i32
      %ge3A_218 = arith.cmpi sge, %add3A_201, %ge3A_217 : i32
      %convert_element_type3A_219 = arith.extui %ge3A_218 : i1 to i32
      %cond3A_220 = arith.constant 0 : i32
      %cond3A_221 = arith.cmpi ne, %convert_element_type3A_219, %cond3A_220 : i32
      scf.if %cond3A_221 {
        %dma_wait3A_394 = arith.constant 0 : i32
        %dma_wait3A_395 = arith.constant 0 : i32
        %dma_wait3A_396 = arith.constant 0 : i32
        %dma_wait3A_397 = tpu.memref_slice %arg9[%dma_wait3A_394, %dma_wait3A_395, %dma_wait3A_396] : memref<5x80x64xf32, #tpu.memory_space<vmem>> -> memref<1x80x64xf32, #tpu.memory_space<vmem>>
        %dma_wait3A_398 = tpu.memref_squeeze %dma_wait3A_397 : memref<1x80x64xf32, #tpu.memory_space<vmem>> -> memref<80x64xf32, #tpu.memory_space<vmem>>
        %dma_wait3A_399 = arith.constant 0 : i32
        %dma_wait3A_400 = arith.constant 0 : i32
        %dma_wait3A_401 = tpu.memref_slice %arg12[%dma_wait3A_399, %dma_wait3A_400] : memref<10240x64xf32, #tpu.memory_space<vmem_shared>> -> memref<80x64xf32, #tpu.memory_space<vmem_shared>>
        %dma_wait3A_402 = arith.constant 0 : i32
        %dma_wait3A_403 = arith.constant 0 : i32
        %dma_wait3A_404 = tpu.memref_slice %arg12[%dma_wait3A_402, %dma_wait3A_403] : memref<10240x64xf32, #tpu.memory_space<vmem_shared>> -> memref<80x64xf32, #tpu.memory_space<vmem_shared>>
        %dma_wait3A_405 = arith.constant 0 : i32
        %dma_wait3A_406 = arith.constant 0 : i32
        %dma_wait3A_407 = tpu.memref_slice %arg9[%dma_wait3A_394, %dma_wait3A_405, %dma_wait3A_406] : memref<5x80x64xf32, #tpu.memory_space<vmem>> -> memref<1x80x64xf32, #tpu.memory_space<vmem>>
        %dma_wait3A_408 = tpu.memref_squeeze %dma_wait3A_407 : memref<1x80x64xf32, #tpu.memory_space<vmem>> -> memref<80x64xf32, #tpu.memory_space<vmem>>
        tpu.wait_dma2 semaphore(%arg19 : memref<!tpu.dma_semaphore, #tpu.memory_space<semaphore_mem>>) src(%dma_wait3A_408 : memref<80x64xf32, #tpu.memory_space<vmem>>) dst(%dma_wait3A_404 : memref<80x64xf32, #tpu.memory_space<vmem_shared>>)
        %dma_wait3A_409 = arith.constant 0 : i32
        %dma_wait3A_410 = tpu.memref_slice %arg11[%dma_wait3A_409] : memref<640xf32, #tpu.memory_space<vmem>> -> memref<80xf32, #tpu.memory_space<vmem>>
        %dma_wait3A_411 = arith.constant 0 : i32
        %dma_wait3A_412 = tpu.memref_slice %arg13[%dma_wait3A_411] : memref<10240xf32, #tpu.memory_space<vmem_shared>> -> memref<80xf32, #tpu.memory_space<vmem_shared>>
        %dma_wait3A_413 = arith.constant 0 : i32
        %dma_wait3A_414 = tpu.memref_slice %arg13[%dma_wait3A_413] : memref<10240xf32, #tpu.memory_space<vmem_shared>> -> memref<80xf32, #tpu.memory_space<vmem_shared>>
        %dma_wait3A_415 = arith.constant 0 : i32
        %dma_wait3A_416 = tpu.memref_slice %arg11[%dma_wait3A_415] : memref<640xf32, #tpu.memory_space<vmem>> -> memref<80xf32, #tpu.memory_space<vmem>>
        tpu.wait_dma2 semaphore(%arg24 : memref<!tpu.dma_semaphore, #tpu.memory_space<semaphore_mem>>) src(%dma_wait3A_416 : memref<80xf32, #tpu.memory_space<vmem>>) dst(%dma_wait3A_414 : memref<80xf32, #tpu.memory_space<vmem_shared>>)
      } else {
      }
      %add3A_222 = arith.constant 4 : i32
      %add3A_223 = arith.addi %add3A_201, %add3A_222 : i32
      %lt3A_224 = arith.constant 125 : i32
      %lt3A_225 = arith.cmpi slt, %add3A_223, %lt3A_224 : i32
      %convert_element_type3A_226 = arith.extui %lt3A_225 : i1 to i32
      %cond3A_227 = arith.constant 0 : i32
      %cond3A_228 = arith.cmpi ne, %convert_element_type3A_226, %cond3A_227 : i32
      scf.if %cond3A_228 {
        %add3A_394 = arith.constant 4 : i32
        %add3A_395 = arith.addi %add3A_201, %add3A_394 : i32
        %dma_start3A_396 = arith.constant 0 : i32
        %dma_start3A_397 = arith.constant 0 : i32
        %dma_start3A_398 = arith.constant 0 : i32
        %dma_start3A_399 = tpu.memref_slice %arg9[%dma_start3A_396, %dma_start3A_397, %dma_start3A_398] : memref<5x80x64xf32, #tpu.memory_space<vmem>> -> memref<1x80x64xf32, #tpu.memory_space<vmem>>
        %dma_start3A_400 = tpu.memref_squeeze %dma_start3A_399 : memref<1x80x64xf32, #tpu.memory_space<vmem>> -> memref<80x64xf32, #tpu.memory_space<vmem>>
        %dma_start3A_401 = arith.constant 0 : i32
        %dma_start3A_402 = tpu.memref_slice %arg7[%add3A_395, %dma_start3A_401] : memref<125x80xi32, #tpu.memory_space<vmem>> -> memref<1x80xi32, #tpu.memory_space<vmem>>
        %dma_start3A_403 = tpu.memref_squeeze %dma_start3A_402 : memref<1x80xi32, #tpu.memory_space<vmem>> -> memref<80xi32, #tpu.memory_space<vmem>>
        %dma_start3A_404 = arith.constant 0 : i32
        %dma_start3A_405 = arith.constant 0 : i32
        %dma_start3A_406 = tpu.memref_slice %arg2[%dma_start3A_404, %dma_start3A_405] : memref<10000x64xf32, #tpu.memory_space<hbm>> -> memref<10000x64xf32, #tpu.memory_space<hbm>>
        tpu.enqueue_indirect_dma source(%dma_start3A_406 : memref<10000x64xf32, #tpu.memory_space<hbm>>) target(%dma_start3A_400 : memref<80x64xf32, #tpu.memory_space<vmem>>) offsets(%dma_start3A_403 : memref<80xi32, #tpu.memory_space<vmem>>) semaphore(%arg14 : memref<!tpu.dma_semaphore, #tpu.memory_space<semaphore_mem>>)
      } else {
      }
      %dma_start3A_229 = arith.constant 1 : i32
      %dma_start3A_230 = arith.constant 0 : i32
      %dma_start3A_231 = arith.constant 0 : i32
      %dma_start3A_232 = tpu.memref_slice %arg9[%dma_start3A_229, %dma_start3A_230, %dma_start3A_231] : memref<5x80x64xf32, #tpu.memory_space<vmem>> -> memref<1x80x64xf32, #tpu.memory_space<vmem>>
      %dma_start3A_233 = tpu.memref_squeeze %dma_start3A_232 : memref<1x80x64xf32, #tpu.memory_space<vmem>> -> memref<80x64xf32, #tpu.memory_space<vmem>>
      %dma_start3A_234 = arith.constant 0 : i32
      %dma_start3A_235 = tpu.memref_slice %arg8[%add3A_201, %dma_start3A_234] : memref<125x80xi32, #tpu.memory_space<vmem>> -> memref<1x80xi32, #tpu.memory_space<vmem>>
      %dma_start3A_236 = tpu.memref_squeeze %dma_start3A_235 : memref<1x80xi32, #tpu.memory_space<vmem>> -> memref<80xi32, #tpu.memory_space<vmem>>
      %dma_start3A_237 = arith.constant 0 : i32
      %dma_start3A_238 = arith.constant 0 : i32
      %dma_start3A_239 = tpu.memref_slice %arg12[%dma_start3A_237, %dma_start3A_238] : memref<10240x64xf32, #tpu.memory_space<vmem_shared>> -> memref<10240x64xf32, #tpu.memory_space<vmem_shared>>
      tpu.enqueue_indirect_dma source(%dma_start3A_233 : memref<80x64xf32, #tpu.memory_space<vmem>>) target(%dma_start3A_239 : memref<10240x64xf32, #tpu.memory_space<vmem_shared>>) offsets(%dma_start3A_236 : memref<80xi32, #tpu.memory_space<vmem>>) semaphore(%arg20 : memref<!tpu.dma_semaphore, #tpu.memory_space<semaphore_mem>>) {add = true}
      %dma_start3A_240 = arith.constant 0 : i32
      %dma_start3A_241 = tpu.memref_slice %arg11[%dma_start3A_240] : memref<640xf32, #tpu.memory_space<vmem>> -> memref<80xf32, #tpu.memory_space<vmem>>
      %dma_start3A_242 = arith.constant 0 : i32
      %dma_start3A_243 = tpu.memref_slice %arg8[%add3A_201, %dma_start3A_242] : memref<125x80xi32, #tpu.memory_space<vmem>> -> memref<1x80xi32, #tpu.memory_space<vmem>>
      %dma_start3A_244 = tpu.memref_squeeze %dma_start3A_243 : memref<1x80xi32, #tpu.memory_space<vmem>> -> memref<80xi32, #tpu.memory_space<vmem>>
      %dma_start3A_245 = arith.constant 0 : i32
      %dma_start3A_246 = tpu.memref_slice %arg13[%dma_start3A_245] : memref<10240xf32, #tpu.memory_space<vmem_shared>> -> memref<10240xf32, #tpu.memory_space<vmem_shared>>
      tpu.enqueue_indirect_dma source(%dma_start3A_241 : memref<80xf32, #tpu.memory_space<vmem>>) target(%dma_start3A_246 : memref<10240xf32, #tpu.memory_space<vmem_shared>>) offsets(%dma_start3A_244 : memref<80xi32, #tpu.memory_space<vmem>>) semaphore(%arg24 : memref<!tpu.dma_semaphore, #tpu.memory_space<semaphore_mem>>) {add = true}
      %mul3A_247 = arith.constant 5 : i32
      %mul3A_248 = arith.muli %scan3A_152, %mul3A_247 : i32
      %add3A_249 = arith.constant 2 : i32
      %add3A_250 = arith.addi %mul3A_248, %add3A_249 : i32
      %dma_wait3A_251 = arith.constant 2 : i32
      %dma_wait3A_252 = arith.constant 0 : i32
      %dma_wait3A_253 = arith.constant 0 : i32
      %dma_wait3A_254 = tpu.memref_slice %arg9[%dma_wait3A_251, %dma_wait3A_252, %dma_wait3A_253] : memref<5x80x64xf32, #tpu.memory_space<vmem>> -> memref<1x80x64xf32, #tpu.memory_space<vmem>>
      %dma_wait3A_255 = tpu.memref_squeeze %dma_wait3A_254 : memref<1x80x64xf32, #tpu.memory_space<vmem>> -> memref<80x64xf32, #tpu.memory_space<vmem>>
      %dma_wait3A_256 = arith.constant 0 : i32
      %dma_wait3A_257 = arith.constant 0 : i32
      %dma_wait3A_258 = tpu.memref_slice %arg2[%dma_wait3A_256, %dma_wait3A_257] : memref<10000x64xf32, #tpu.memory_space<hbm>> -> memref<80x64xf32, #tpu.memory_space<hbm>>
      %dma_wait3A_259 = arith.constant 0 : i32
      %dma_wait3A_260 = arith.constant 0 : i32
      %dma_wait3A_261 = tpu.memref_slice %arg9[%dma_wait3A_251, %dma_wait3A_259, %dma_wait3A_260] : memref<5x80x64xf32, #tpu.memory_space<vmem>> -> memref<1x80x64xf32, #tpu.memory_space<vmem>>
      %dma_wait3A_262 = tpu.memref_squeeze %dma_wait3A_261 : memref<1x80x64xf32, #tpu.memory_space<vmem>> -> memref<80x64xf32, #tpu.memory_space<vmem>>
      %dma_wait3A_263 = arith.constant 0 : i32
      %dma_wait3A_264 = arith.constant 0 : i32
      %dma_wait3A_265 = tpu.memref_slice %arg2[%dma_wait3A_263, %dma_wait3A_264] : memref<10000x64xf32, #tpu.memory_space<hbm>> -> memref<80x64xf32, #tpu.memory_space<hbm>>
      tpu.wait_dma2 semaphore(%arg16 : memref<!tpu.dma_semaphore, #tpu.memory_space<semaphore_mem>>) src(%dma_wait3A_265 : memref<80x64xf32, #tpu.memory_space<hbm>>) dst(%dma_wait3A_262 : memref<80x64xf32, #tpu.memory_space<vmem>>)
      %ge3A_266 = arith.constant 1 : i32
      %ge3A_267 = arith.cmpi sge, %add3A_250, %ge3A_266 : i32
      %convert_element_type3A_268 = arith.extui %ge3A_267 : i1 to i32
      %cond3A_269 = arith.constant 0 : i32
      %cond3A_270 = arith.cmpi ne, %convert_element_type3A_268, %cond3A_269 : i32
      scf.if %cond3A_270 {
        %dma_wait3A_394 = arith.constant 1 : i32
        %dma_wait3A_395 = arith.constant 0 : i32
        %dma_wait3A_396 = arith.constant 0 : i32
        %dma_wait3A_397 = tpu.memref_slice %arg9[%dma_wait3A_394, %dma_wait3A_395, %dma_wait3A_396] : memref<5x80x64xf32, #tpu.memory_space<vmem>> -> memref<1x80x64xf32, #tpu.memory_space<vmem>>
        %dma_wait3A_398 = tpu.memref_squeeze %dma_wait3A_397 : memref<1x80x64xf32, #tpu.memory_space<vmem>> -> memref<80x64xf32, #tpu.memory_space<vmem>>
        %dma_wait3A_399 = arith.constant 0 : i32
        %dma_wait3A_400 = arith.constant 0 : i32
        %dma_wait3A_401 = tpu.memref_slice %arg12[%dma_wait3A_399, %dma_wait3A_400] : memref<10240x64xf32, #tpu.memory_space<vmem_shared>> -> memref<80x64xf32, #tpu.memory_space<vmem_shared>>
        %dma_wait3A_402 = arith.constant 0 : i32
        %dma_wait3A_403 = arith.constant 0 : i32
        %dma_wait3A_404 = tpu.memref_slice %arg12[%dma_wait3A_402, %dma_wait3A_403] : memref<10240x64xf32, #tpu.memory_space<vmem_shared>> -> memref<80x64xf32, #tpu.memory_space<vmem_shared>>
        %dma_wait3A_405 = arith.constant 0 : i32
        %dma_wait3A_406 = arith.constant 0 : i32
        %dma_wait3A_407 = tpu.memref_slice %arg9[%dma_wait3A_394, %dma_wait3A_405, %dma_wait3A_406] : memref<5x80x64xf32, #tpu.memory_space<vmem>> -> memref<1x80x64xf32, #tpu.memory_space<vmem>>
        %dma_wait3A_408 = tpu.memref_squeeze %dma_wait3A_407 : memref<1x80x64xf32, #tpu.memory_space<vmem>> -> memref<80x64xf32, #tpu.memory_space<vmem>>
        tpu.wait_dma2 semaphore(%arg20 : memref<!tpu.dma_semaphore, #tpu.memory_space<semaphore_mem>>) src(%dma_wait3A_408 : memref<80x64xf32, #tpu.memory_space<vmem>>) dst(%dma_wait3A_404 : memref<80x64xf32, #tpu.memory_space<vmem_shared>>)
        %dma_wait3A_409 = arith.constant 0 : i32
        %dma_wait3A_410 = tpu.memref_slice %arg11[%dma_wait3A_409] : memref<640xf32, #tpu.memory_space<vmem>> -> memref<80xf32, #tpu.memory_space<vmem>>
        %dma_wait3A_411 = arith.constant 0 : i32
        %dma_wait3A_412 = tpu.memref_slice %arg13[%dma_wait3A_411] : memref<10240xf32, #tpu.memory_space<vmem_shared>> -> memref<80xf32, #tpu.memory_space<vmem_shared>>
        %dma_wait3A_413 = arith.constant 0 : i32
        %dma_wait3A_414 = tpu.memref_slice %arg13[%dma_wait3A_413] : memref<10240xf32, #tpu.memory_space<vmem_shared>> -> memref<80xf32, #tpu.memory_space<vmem_shared>>
        %dma_wait3A_415 = arith.constant 0 : i32
        %dma_wait3A_416 = tpu.memref_slice %arg11[%dma_wait3A_415] : memref<640xf32, #tpu.memory_space<vmem>> -> memref<80xf32, #tpu.memory_space<vmem>>
        tpu.wait_dma2 semaphore(%arg24 : memref<!tpu.dma_semaphore, #tpu.memory_space<semaphore_mem>>) src(%dma_wait3A_416 : memref<80xf32, #tpu.memory_space<vmem>>) dst(%dma_wait3A_414 : memref<80xf32, #tpu.memory_space<vmem_shared>>)
      } else {
      }
      %add3A_271 = arith.constant 4 : i32
      %add3A_272 = arith.addi %add3A_250, %add3A_271 : i32
      %lt3A_273 = arith.constant 125 : i32
      %lt3A_274 = arith.cmpi slt, %add3A_272, %lt3A_273 : i32
      %convert_element_type3A_275 = arith.extui %lt3A_274 : i1 to i32
      %cond3A_276 = arith.constant 0 : i32
      %cond3A_277 = arith.cmpi ne, %convert_element_type3A_275, %cond3A_276 : i32
      scf.if %cond3A_277 {
        %add3A_394 = arith.constant 4 : i32
        %add3A_395 = arith.addi %add3A_250, %add3A_394 : i32
        %dma_start3A_396 = arith.constant 1 : i32
        %dma_start3A_397 = arith.constant 0 : i32
        %dma_start3A_398 = arith.constant 0 : i32
        %dma_start3A_399 = tpu.memref_slice %arg9[%dma_start3A_396, %dma_start3A_397, %dma_start3A_398] : memref<5x80x64xf32, #tpu.memory_space<vmem>> -> memref<1x80x64xf32, #tpu.memory_space<vmem>>
        %dma_start3A_400 = tpu.memref_squeeze %dma_start3A_399 : memref<1x80x64xf32, #tpu.memory_space<vmem>> -> memref<80x64xf32, #tpu.memory_space<vmem>>
        %dma_start3A_401 = arith.constant 0 : i32
        %dma_start3A_402 = tpu.memref_slice %arg7[%add3A_395, %dma_start3A_401] : memref<125x80xi32, #tpu.memory_space<vmem>> -> memref<1x80xi32, #tpu.memory_space<vmem>>
        %dma_start3A_403 = tpu.memref_squeeze %dma_start3A_402 : memref<1x80xi32, #tpu.memory_space<vmem>> -> memref<80xi32, #tpu.memory_space<vmem>>
        %dma_start3A_404 = arith.constant 0 : i32
        %dma_start3A_405 = arith.constant 0 : i32
        %dma_start3A_406 = tpu.memref_slice %arg2[%dma_start3A_404, %dma_start3A_405] : memref<10000x64xf32, #tpu.memory_space<hbm>> -> memref<10000x64xf32, #tpu.memory_space<hbm>>
        tpu.enqueue_indirect_dma source(%dma_start3A_406 : memref<10000x64xf32, #tpu.memory_space<hbm>>) target(%dma_start3A_400 : memref<80x64xf32, #tpu.memory_space<vmem>>) offsets(%dma_start3A_403 : memref<80xi32, #tpu.memory_space<vmem>>) semaphore(%arg15 : memref<!tpu.dma_semaphore, #tpu.memory_space<semaphore_mem>>)
      } else {
      }
      %dma_start3A_278 = arith.constant 2 : i32
      %dma_start3A_279 = arith.constant 0 : i32
      %dma_start3A_280 = arith.constant 0 : i32
      %dma_start3A_281 = tpu.memref_slice %arg9[%dma_start3A_278, %dma_start3A_279, %dma_start3A_280] : memref<5x80x64xf32, #tpu.memory_space<vmem>> -> memref<1x80x64xf32, #tpu.memory_space<vmem>>
      %dma_start3A_282 = tpu.memref_squeeze %dma_start3A_281 : memref<1x80x64xf32, #tpu.memory_space<vmem>> -> memref<80x64xf32, #tpu.memory_space<vmem>>
      %dma_start3A_283 = arith.constant 0 : i32
      %dma_start3A_284 = tpu.memref_slice %arg8[%add3A_250, %dma_start3A_283] : memref<125x80xi32, #tpu.memory_space<vmem>> -> memref<1x80xi32, #tpu.memory_space<vmem>>
      %dma_start3A_285 = tpu.memref_squeeze %dma_start3A_284 : memref<1x80xi32, #tpu.memory_space<vmem>> -> memref<80xi32, #tpu.memory_space<vmem>>
      %dma_start3A_286 = arith.constant 0 : i32
      %dma_start3A_287 = arith.constant 0 : i32
      %dma_start3A_288 = tpu.memref_slice %arg12[%dma_start3A_286, %dma_start3A_287] : memref<10240x64xf32, #tpu.memory_space<vmem_shared>> -> memref<10240x64xf32, #tpu.memory_space<vmem_shared>>
      tpu.enqueue_indirect_dma source(%dma_start3A_282 : memref<80x64xf32, #tpu.memory_space<vmem>>) target(%dma_start3A_288 : memref<10240x64xf32, #tpu.memory_space<vmem_shared>>) offsets(%dma_start3A_285 : memref<80xi32, #tpu.memory_space<vmem>>) semaphore(%arg21 : memref<!tpu.dma_semaphore, #tpu.memory_space<semaphore_mem>>) {add = true}
      %dma_start3A_289 = arith.constant 0 : i32
      %dma_start3A_290 = tpu.memref_slice %arg11[%dma_start3A_289] : memref<640xf32, #tpu.memory_space<vmem>> -> memref<80xf32, #tpu.memory_space<vmem>>
      %dma_start3A_291 = arith.constant 0 : i32
      %dma_start3A_292 = tpu.memref_slice %arg8[%add3A_250, %dma_start3A_291] : memref<125x80xi32, #tpu.memory_space<vmem>> -> memref<1x80xi32, #tpu.memory_space<vmem>>
      %dma_start3A_293 = tpu.memref_squeeze %dma_start3A_292 : memref<1x80xi32, #tpu.memory_space<vmem>> -> memref<80xi32, #tpu.memory_space<vmem>>
      %dma_start3A_294 = arith.constant 0 : i32
      %dma_start3A_295 = tpu.memref_slice %arg13[%dma_start3A_294] : memref<10240xf32, #tpu.memory_space<vmem_shared>> -> memref<10240xf32, #tpu.memory_space<vmem_shared>>
      tpu.enqueue_indirect_dma source(%dma_start3A_290 : memref<80xf32, #tpu.memory_space<vmem>>) target(%dma_start3A_295 : memref<10240xf32, #tpu.memory_space<vmem_shared>>) offsets(%dma_start3A_293 : memref<80xi32, #tpu.memory_space<vmem>>) semaphore(%arg24 : memref<!tpu.dma_semaphore, #tpu.memory_space<semaphore_mem>>) {add = true}
      %mul3A_296 = arith.constant 5 : i32
      %mul3A_297 = arith.muli %scan3A_152, %mul3A_296 : i32
      %add3A_298 = arith.constant 3 : i32
      %add3A_299 = arith.addi %mul3A_297, %add3A_298 : i32
      %dma_wait3A_300 = arith.constant 3 : i32
      %dma_wait3A_301 = arith.constant 0 : i32
      %dma_wait3A_302 = arith.constant 0 : i32
      %dma_wait3A_303 = tpu.memref_slice %arg9[%dma_wait3A_300, %dma_wait3A_301, %dma_wait3A_302] : memref<5x80x64xf32, #tpu.memory_space<vmem>> -> memref<1x80x64xf32, #tpu.memory_space<vmem>>
      %dma_wait3A_304 = tpu.memref_squeeze %dma_wait3A_303 : memref<1x80x64xf32, #tpu.memory_space<vmem>> -> memref<80x64xf32, #tpu.memory_space<vmem>>
      %dma_wait3A_305 = arith.constant 0 : i32
      %dma_wait3A_306 = arith.constant 0 : i32
      %dma_wait3A_307 = tpu.memref_slice %arg2[%dma_wait3A_305, %dma_wait3A_306] : memref<10000x64xf32, #tpu.memory_space<hbm>> -> memref<80x64xf32, #tpu.memory_space<hbm>>
      %dma_wait3A_308 = arith.constant 0 : i32
      %dma_wait3A_309 = arith.constant 0 : i32
      %dma_wait3A_310 = tpu.memref_slice %arg9[%dma_wait3A_300, %dma_wait3A_308, %dma_wait3A_309] : memref<5x80x64xf32, #tpu.memory_space<vmem>> -> memref<1x80x64xf32, #tpu.memory_space<vmem>>
      %dma_wait3A_311 = tpu.memref_squeeze %dma_wait3A_310 : memref<1x80x64xf32, #tpu.memory_space<vmem>> -> memref<80x64xf32, #tpu.memory_space<vmem>>
      %dma_wait3A_312 = arith.constant 0 : i32
      %dma_wait3A_313 = arith.constant 0 : i32
      %dma_wait3A_314 = tpu.memref_slice %arg2[%dma_wait3A_312, %dma_wait3A_313] : memref<10000x64xf32, #tpu.memory_space<hbm>> -> memref<80x64xf32, #tpu.memory_space<hbm>>
      tpu.wait_dma2 semaphore(%arg17 : memref<!tpu.dma_semaphore, #tpu.memory_space<semaphore_mem>>) src(%dma_wait3A_314 : memref<80x64xf32, #tpu.memory_space<hbm>>) dst(%dma_wait3A_311 : memref<80x64xf32, #tpu.memory_space<vmem>>)
      %ge3A_315 = arith.constant 1 : i32
      %ge3A_316 = arith.cmpi sge, %add3A_299, %ge3A_315 : i32
      %convert_element_type3A_317 = arith.extui %ge3A_316 : i1 to i32
      %cond3A_318 = arith.constant 0 : i32
      %cond3A_319 = arith.cmpi ne, %convert_element_type3A_317, %cond3A_318 : i32
      scf.if %cond3A_319 {
        %dma_wait3A_394 = arith.constant 2 : i32
        %dma_wait3A_395 = arith.constant 0 : i32
        %dma_wait3A_396 = arith.constant 0 : i32
        %dma_wait3A_397 = tpu.memref_slice %arg9[%dma_wait3A_394, %dma_wait3A_395, %dma_wait3A_396] : memref<5x80x64xf32, #tpu.memory_space<vmem>> -> memref<1x80x64xf32, #tpu.memory_space<vmem>>
        %dma_wait3A_398 = tpu.memref_squeeze %dma_wait3A_397 : memref<1x80x64xf32, #tpu.memory_space<vmem>> -> memref<80x64xf32, #tpu.memory_space<vmem>>
        %dma_wait3A_399 = arith.constant 0 : i32
        %dma_wait3A_400 = arith.constant 0 : i32
        %dma_wait3A_401 = tpu.memref_slice %arg12[%dma_wait3A_399, %dma_wait3A_400] : memref<10240x64xf32, #tpu.memory_space<vmem_shared>> -> memref<80x64xf32, #tpu.memory_space<vmem_shared>>
        %dma_wait3A_402 = arith.constant 0 : i32
        %dma_wait3A_403 = arith.constant 0 : i32
        %dma_wait3A_404 = tpu.memref_slice %arg12[%dma_wait3A_402, %dma_wait3A_403] : memref<10240x64xf32, #tpu.memory_space<vmem_shared>> -> memref<80x64xf32, #tpu.memory_space<vmem_shared>>
        %dma_wait3A_405 = arith.constant 0 : i32
        %dma_wait3A_406 = arith.constant 0 : i32
        %dma_wait3A_407 = tpu.memref_slice %arg9[%dma_wait3A_394, %dma_wait3A_405, %dma_wait3A_406] : memref<5x80x64xf32, #tpu.memory_space<vmem>> -> memref<1x80x64xf32, #tpu.memory_space<vmem>>
        %dma_wait3A_408 = tpu.memref_squeeze %dma_wait3A_407 : memref<1x80x64xf32, #tpu.memory_space<vmem>> -> memref<80x64xf32, #tpu.memory_space<vmem>>
        tpu.wait_dma2 semaphore(%arg21 : memref<!tpu.dma_semaphore, #tpu.memory_space<semaphore_mem>>) src(%dma_wait3A_408 : memref<80x64xf32, #tpu.memory_space<vmem>>) dst(%dma_wait3A_404 : memref<80x64xf32, #tpu.memory_space<vmem_shared>>)
        %dma_wait3A_409 = arith.constant 0 : i32
        %dma_wait3A_410 = tpu.memref_slice %arg11[%dma_wait3A_409] : memref<640xf32, #tpu.memory_space<vmem>> -> memref<80xf32, #tpu.memory_space<vmem>>
        %dma_wait3A_411 = arith.constant 0 : i32
        %dma_wait3A_412 = tpu.memref_slice %arg13[%dma_wait3A_411] : memref<10240xf32, #tpu.memory_space<vmem_shared>> -> memref<80xf32, #tpu.memory_space<vmem_shared>>
        %dma_wait3A_413 = arith.constant 0 : i32
        %dma_wait3A_414 = tpu.memref_slice %arg13[%dma_wait3A_413] : memref<10240xf32, #tpu.memory_space<vmem_shared>> -> memref<80xf32, #tpu.memory_space<vmem_shared>>
        %dma_wait3A_415 = arith.constant 0 : i32
        %dma_wait3A_416 = tpu.memref_slice %arg11[%dma_wait3A_415] : memref<640xf32, #tpu.memory_space<vmem>> -> memref<80xf32, #tpu.memory_space<vmem>>
        tpu.wait_dma2 semaphore(%arg24 : memref<!tpu.dma_semaphore, #tpu.memory_space<semaphore_mem>>) src(%dma_wait3A_416 : memref<80xf32, #tpu.memory_space<vmem>>) dst(%dma_wait3A_414 : memref<80xf32, #tpu.memory_space<vmem_shared>>)
      } else {
      }
      %add3A_320 = arith.constant 4 : i32
      %add3A_321 = arith.addi %add3A_299, %add3A_320 : i32
      %lt3A_322 = arith.constant 125 : i32
      %lt3A_323 = arith.cmpi slt, %add3A_321, %lt3A_322 : i32
      %convert_element_type3A_324 = arith.extui %lt3A_323 : i1 to i32
      %cond3A_325 = arith.constant 0 : i32
      %cond3A_326 = arith.cmpi ne, %convert_element_type3A_324, %cond3A_325 : i32
      scf.if %cond3A_326 {
        %add3A_394 = arith.constant 4 : i32
        %add3A_395 = arith.addi %add3A_299, %add3A_394 : i32
        %dma_start3A_396 = arith.constant 2 : i32
        %dma_start3A_397 = arith.constant 0 : i32
        %dma_start3A_398 = arith.constant 0 : i32
        %dma_start3A_399 = tpu.memref_slice %arg9[%dma_start3A_396, %dma_start3A_397, %dma_start3A_398] : memref<5x80x64xf32, #tpu.memory_space<vmem>> -> memref<1x80x64xf32, #tpu.memory_space<vmem>>
        %dma_start3A_400 = tpu.memref_squeeze %dma_start3A_399 : memref<1x80x64xf32, #tpu.memory_space<vmem>> -> memref<80x64xf32, #tpu.memory_space<vmem>>
        %dma_start3A_401 = arith.constant 0 : i32
        %dma_start3A_402 = tpu.memref_slice %arg7[%add3A_395, %dma_start3A_401] : memref<125x80xi32, #tpu.memory_space<vmem>> -> memref<1x80xi32, #tpu.memory_space<vmem>>
        %dma_start3A_403 = tpu.memref_squeeze %dma_start3A_402 : memref<1x80xi32, #tpu.memory_space<vmem>> -> memref<80xi32, #tpu.memory_space<vmem>>
        %dma_start3A_404 = arith.constant 0 : i32
        %dma_start3A_405 = arith.constant 0 : i32
        %dma_start3A_406 = tpu.memref_slice %arg2[%dma_start3A_404, %dma_start3A_405] : memref<10000x64xf32, #tpu.memory_space<hbm>> -> memref<10000x64xf32, #tpu.memory_space<hbm>>
        tpu.enqueue_indirect_dma source(%dma_start3A_406 : memref<10000x64xf32, #tpu.memory_space<hbm>>) target(%dma_start3A_400 : memref<80x64xf32, #tpu.memory_space<vmem>>) offsets(%dma_start3A_403 : memref<80xi32, #tpu.memory_space<vmem>>) semaphore(%arg16 : memref<!tpu.dma_semaphore, #tpu.memory_space<semaphore_mem>>)
      } else {
      }
      %dma_start3A_327 = arith.constant 3 : i32
      %dma_start3A_328 = arith.constant 0 : i32
      %dma_start3A_329 = arith.constant 0 : i32
      %dma_start3A_330 = tpu.memref_slice %arg9[%dma_start3A_327, %dma_start3A_328, %dma_start3A_329] : memref<5x80x64xf32, #tpu.memory_space<vmem>> -> memref<1x80x64xf32, #tpu.memory_space<vmem>>
      %dma_start3A_331 = tpu.memref_squeeze %dma_start3A_330 : memref<1x80x64xf32, #tpu.memory_space<vmem>> -> memref<80x64xf32, #tpu.memory_space<vmem>>
      %dma_start3A_332 = arith.constant 0 : i32
      %dma_start3A_333 = tpu.memref_slice %arg8[%add3A_299, %dma_start3A_332] : memref<125x80xi32, #tpu.memory_space<vmem>> -> memref<1x80xi32, #tpu.memory_space<vmem>>
      %dma_start3A_334 = tpu.memref_squeeze %dma_start3A_333 : memref<1x80xi32, #tpu.memory_space<vmem>> -> memref<80xi32, #tpu.memory_space<vmem>>
      %dma_start3A_335 = arith.constant 0 : i32
      %dma_start3A_336 = arith.constant 0 : i32
      %dma_start3A_337 = tpu.memref_slice %arg12[%dma_start3A_335, %dma_start3A_336] : memref<10240x64xf32, #tpu.memory_space<vmem_shared>> -> memref<10240x64xf32, #tpu.memory_space<vmem_shared>>
      tpu.enqueue_indirect_dma source(%dma_start3A_331 : memref<80x64xf32, #tpu.memory_space<vmem>>) target(%dma_start3A_337 : memref<10240x64xf32, #tpu.memory_space<vmem_shared>>) offsets(%dma_start3A_334 : memref<80xi32, #tpu.memory_space<vmem>>) semaphore(%arg22 : memref<!tpu.dma_semaphore, #tpu.memory_space<semaphore_mem>>) {add = true}
      %dma_start3A_338 = arith.constant 0 : i32
      %dma_start3A_339 = tpu.memref_slice %arg11[%dma_start3A_338] : memref<640xf32, #tpu.memory_space<vmem>> -> memref<80xf32, #tpu.memory_space<vmem>>
      %dma_start3A_340 = arith.constant 0 : i32
      %dma_start3A_341 = tpu.memref_slice %arg8[%add3A_299, %dma_start3A_340] : memref<125x80xi32, #tpu.memory_space<vmem>> -> memref<1x80xi32, #tpu.memory_space<vmem>>
      %dma_start3A_342 = tpu.memref_squeeze %dma_start3A_341 : memref<1x80xi32, #tpu.memory_space<vmem>> -> memref<80xi32, #tpu.memory_space<vmem>>
      %dma_start3A_343 = arith.constant 0 : i32
      %dma_start3A_344 = tpu.memref_slice %arg13[%dma_start3A_343] : memref<10240xf32, #tpu.memory_space<vmem_shared>> -> memref<10240xf32, #tpu.memory_space<vmem_shared>>
      tpu.enqueue_indirect_dma source(%dma_start3A_339 : memref<80xf32, #tpu.memory_space<vmem>>) target(%dma_start3A_344 : memref<10240xf32, #tpu.memory_space<vmem_shared>>) offsets(%dma_start3A_342 : memref<80xi32, #tpu.memory_space<vmem>>) semaphore(%arg24 : memref<!tpu.dma_semaphore, #tpu.memory_space<semaphore_mem>>) {add = true}
      %mul3A_345 = arith.constant 5 : i32
      %mul3A_346 = arith.muli %scan3A_152, %mul3A_345 : i32
      %add3A_347 = arith.constant 4 : i32
      %add3A_348 = arith.addi %mul3A_346, %add3A_347 : i32
      %dma_wait3A_349 = arith.constant 4 : i32
      %dma_wait3A_350 = arith.constant 0 : i32
      %dma_wait3A_351 = arith.constant 0 : i32
      %dma_wait3A_352 = tpu.memref_slice %arg9[%dma_wait3A_349, %dma_wait3A_350, %dma_wait3A_351] : memref<5x80x64xf32, #tpu.memory_space<vmem>> -> memref<1x80x64xf32, #tpu.memory_space<vmem>>
      %dma_wait3A_353 = tpu.memref_squeeze %dma_wait3A_352 : memref<1x80x64xf32, #tpu.memory_space<vmem>> -> memref<80x64xf32, #tpu.memory_space<vmem>>
      %dma_wait3A_354 = arith.constant 0 : i32
      %dma_wait3A_355 = arith.constant 0 : i32
      %dma_wait3A_356 = tpu.memref_slice %arg2[%dma_wait3A_354, %dma_wait3A_355] : memref<10000x64xf32, #tpu.memory_space<hbm>> -> memref<80x64xf32, #tpu.memory_space<hbm>>
      %dma_wait3A_357 = arith.constant 0 : i32
      %dma_wait3A_358 = arith.constant 0 : i32
      %dma_wait3A_359 = tpu.memref_slice %arg9[%dma_wait3A_349, %dma_wait3A_357, %dma_wait3A_358] : memref<5x80x64xf32, #tpu.memory_space<vmem>> -> memref<1x80x64xf32, #tpu.memory_space<vmem>>
      %dma_wait3A_360 = tpu.memref_squeeze %dma_wait3A_359 : memref<1x80x64xf32, #tpu.memory_space<vmem>> -> memref<80x64xf32, #tpu.memory_space<vmem>>
      %dma_wait3A_361 = arith.constant 0 : i32
      %dma_wait3A_362 = arith.constant 0 : i32
      %dma_wait3A_363 = tpu.memref_slice %arg2[%dma_wait3A_361, %dma_wait3A_362] : memref<10000x64xf32, #tpu.memory_space<hbm>> -> memref<80x64xf32, #tpu.memory_space<hbm>>
      tpu.wait_dma2 semaphore(%arg18 : memref<!tpu.dma_semaphore, #tpu.memory_space<semaphore_mem>>) src(%dma_wait3A_363 : memref<80x64xf32, #tpu.memory_space<hbm>>) dst(%dma_wait3A_360 : memref<80x64xf32, #tpu.memory_space<vmem>>)
      %ge3A_364 = arith.constant 1 : i32
      %ge3A_365 = arith.cmpi sge, %add3A_348, %ge3A_364 : i32
      %convert_element_type3A_366 = arith.extui %ge3A_365 : i1 to i32
      %cond3A_367 = arith.constant 0 : i32
      %cond3A_368 = arith.cmpi ne, %convert_element_type3A_366, %cond3A_367 : i32
      scf.if %cond3A_368 {
        %dma_wait3A_394 = arith.constant 3 : i32
        %dma_wait3A_395 = arith.constant 0 : i32
        %dma_wait3A_396 = arith.constant 0 : i32
        %dma_wait3A_397 = tpu.memref_slice %arg9[%dma_wait3A_394, %dma_wait3A_395, %dma_wait3A_396] : memref<5x80x64xf32, #tpu.memory_space<vmem>> -> memref<1x80x64xf32, #tpu.memory_space<vmem>>
        %dma_wait3A_398 = tpu.memref_squeeze %dma_wait3A_397 : memref<1x80x64xf32, #tpu.memory_space<vmem>> -> memref<80x64xf32, #tpu.memory_space<vmem>>
        %dma_wait3A_399 = arith.constant 0 : i32
        %dma_wait3A_400 = arith.constant 0 : i32
        %dma_wait3A_401 = tpu.memref_slice %arg12[%dma_wait3A_399, %dma_wait3A_400] : memref<10240x64xf32, #tpu.memory_space<vmem_shared>> -> memref<80x64xf32, #tpu.memory_space<vmem_shared>>
        %dma_wait3A_402 = arith.constant 0 : i32
        %dma_wait3A_403 = arith.constant 0 : i32
        %dma_wait3A_404 = tpu.memref_slice %arg12[%dma_wait3A_402, %dma_wait3A_403] : memref<10240x64xf32, #tpu.memory_space<vmem_shared>> -> memref<80x64xf32, #tpu.memory_space<vmem_shared>>
        %dma_wait3A_405 = arith.constant 0 : i32
        %dma_wait3A_406 = arith.constant 0 : i32
        %dma_wait3A_407 = tpu.memref_slice %arg9[%dma_wait3A_394, %dma_wait3A_405, %dma_wait3A_406] : memref<5x80x64xf32, #tpu.memory_space<vmem>> -> memref<1x80x64xf32, #tpu.memory_space<vmem>>
        %dma_wait3A_408 = tpu.memref_squeeze %dma_wait3A_407 : memref<1x80x64xf32, #tpu.memory_space<vmem>> -> memref<80x64xf32, #tpu.memory_space<vmem>>
        tpu.wait_dma2 semaphore(%arg22 : memref<!tpu.dma_semaphore, #tpu.memory_space<semaphore_mem>>) src(%dma_wait3A_408 : memref<80x64xf32, #tpu.memory_space<vmem>>) dst(%dma_wait3A_404 : memref<80x64xf32, #tpu.memory_space<vmem_shared>>)
        %dma_wait3A_409 = arith.constant 0 : i32
        %dma_wait3A_410 = tpu.memref_slice %arg11[%dma_wait3A_409] : memref<640xf32, #tpu.memory_space<vmem>> -> memref<80xf32, #tpu.memory_space<vmem>>
        %dma_wait3A_411 = arith.constant 0 : i32
        %dma_wait3A_412 = tpu.memref_slice %arg13[%dma_wait3A_411] : memref<10240xf32, #tpu.memory_space<vmem_shared>> -> memref<80xf32, #tpu.memory_space<vmem_shared>>
        %dma_wait3A_413 = arith.constant 0 : i32
        %dma_wait3A_414 = tpu.memref_slice %arg13[%dma_wait3A_413] : memref<10240xf32, #tpu.memory_space<vmem_shared>> -> memref<80xf32, #tpu.memory_space<vmem_shared>>
        %dma_wait3A_415 = arith.constant 0 : i32
        %dma_wait3A_416 = tpu.memref_slice %arg11[%dma_wait3A_415] : memref<640xf32, #tpu.memory_space<vmem>> -> memref<80xf32, #tpu.memory_space<vmem>>
        tpu.wait_dma2 semaphore(%arg24 : memref<!tpu.dma_semaphore, #tpu.memory_space<semaphore_mem>>) src(%dma_wait3A_416 : memref<80xf32, #tpu.memory_space<vmem>>) dst(%dma_wait3A_414 : memref<80xf32, #tpu.memory_space<vmem_shared>>)
      } else {
      }
      %add3A_369 = arith.constant 4 : i32
      %add3A_370 = arith.addi %add3A_348, %add3A_369 : i32
      %lt3A_371 = arith.constant 125 : i32
      %lt3A_372 = arith.cmpi slt, %add3A_370, %lt3A_371 : i32
      %convert_element_type3A_373 = arith.extui %lt3A_372 : i1 to i32
      %cond3A_374 = arith.constant 0 : i32
      %cond3A_375 = arith.cmpi ne, %convert_element_type3A_373, %cond3A_374 : i32
      scf.if %cond3A_375 {
        %add3A_394 = arith.constant 4 : i32
        %add3A_395 = arith.addi %add3A_348, %add3A_394 : i32
        %dma_start3A_396 = arith.constant 3 : i32
        %dma_start3A_397 = arith.constant 0 : i32
        %dma_start3A_398 = arith.constant 0 : i32
        %dma_start3A_399 = tpu.memref_slice %arg9[%dma_start3A_396, %dma_start3A_397, %dma_start3A_398] : memref<5x80x64xf32, #tpu.memory_space<vmem>> -> memref<1x80x64xf32, #tpu.memory_space<vmem>>
        %dma_start3A_400 = tpu.memref_squeeze %dma_start3A_399 : memref<1x80x64xf32, #tpu.memory_space<vmem>> -> memref<80x64xf32, #tpu.memory_space<vmem>>
        %dma_start3A_401 = arith.constant 0 : i32
        %dma_start3A_402 = tpu.memref_slice %arg7[%add3A_395, %dma_start3A_401] : memref<125x80xi32, #tpu.memory_space<vmem>> -> memref<1x80xi32, #tpu.memory_space<vmem>>
        %dma_start3A_403 = tpu.memref_squeeze %dma_start3A_402 : memref<1x80xi32, #tpu.memory_space<vmem>> -> memref<80xi32, #tpu.memory_space<vmem>>
        %dma_start3A_404 = arith.constant 0 : i32
        %dma_start3A_405 = arith.constant 0 : i32
        %dma_start3A_406 = tpu.memref_slice %arg2[%dma_start3A_404, %dma_start3A_405] : memref<10000x64xf32, #tpu.memory_space<hbm>> -> memref<10000x64xf32, #tpu.memory_space<hbm>>
        tpu.enqueue_indirect_dma source(%dma_start3A_406 : memref<10000x64xf32, #tpu.memory_space<hbm>>) target(%dma_start3A_400 : memref<80x64xf32, #tpu.memory_space<vmem>>) offsets(%dma_start3A_403 : memref<80xi32, #tpu.memory_space<vmem>>) semaphore(%arg17 : memref<!tpu.dma_semaphore, #tpu.memory_space<semaphore_mem>>)
      } else {
      }
      %dma_start3A_376 = arith.constant 4 : i32
      %dma_start3A_377 = arith.constant 0 : i32
      %dma_start3A_378 = arith.constant 0 : i32
      %dma_start3A_379 = tpu.memref_slice %arg9[%dma_start3A_376, %dma_start3A_377, %dma_start3A_378] : memref<5x80x64xf32, #tpu.memory_space<vmem>> -> memref<1x80x64xf32, #tpu.memory_space<vmem>>
      %dma_start3A_380 = tpu.memref_squeeze %dma_start3A_379 : memref<1x80x64xf32, #tpu.memory_space<vmem>> -> memref<80x64xf32, #tpu.memory_space<vmem>>
      %dma_start3A_381 = arith.constant 0 : i32
      %dma_start3A_382 = tpu.memref_slice %arg8[%add3A_348, %dma_start3A_381] : memref<125x80xi32, #tpu.memory_space<vmem>> -> memref<1x80xi32, #tpu.memory_space<vmem>>
      %dma_start3A_383 = tpu.memref_squeeze %dma_start3A_382 : memref<1x80xi32, #tpu.memory_space<vmem>> -> memref<80xi32, #tpu.memory_space<vmem>>
      %dma_start3A_384 = arith.constant 0 : i32
      %dma_start3A_385 = arith.constant 0 : i32
      %dma_start3A_386 = tpu.memref_slice %arg12[%dma_start3A_384, %dma_start3A_385] : memref<10240x64xf32, #tpu.memory_space<vmem_shared>> -> memref<10240x64xf32, #tpu.memory_space<vmem_shared>>
      tpu.enqueue_indirect_dma source(%dma_start3A_380 : memref<80x64xf32, #tpu.memory_space<vmem>>) target(%dma_start3A_386 : memref<10240x64xf32, #tpu.memory_space<vmem_shared>>) offsets(%dma_start3A_383 : memref<80xi32, #tpu.memory_space<vmem>>) semaphore(%arg23 : memref<!tpu.dma_semaphore, #tpu.memory_space<semaphore_mem>>) {add = true}
      %dma_start3A_387 = arith.constant 0 : i32
      %dma_start3A_388 = tpu.memref_slice %arg11[%dma_start3A_387] : memref<640xf32, #tpu.memory_space<vmem>> -> memref<80xf32, #tpu.memory_space<vmem>>
      %dma_start3A_389 = arith.constant 0 : i32
      %dma_start3A_390 = tpu.memref_slice %arg8[%add3A_348, %dma_start3A_389] : memref<125x80xi32, #tpu.memory_space<vmem>> -> memref<1x80xi32, #tpu.memory_space<vmem>>
      %dma_start3A_391 = tpu.memref_squeeze %dma_start3A_390 : memref<1x80xi32, #tpu.memory_space<vmem>> -> memref<80xi32, #tpu.memory_space<vmem>>
      %dma_start3A_392 = arith.constant 0 : i32
      %dma_start3A_393 = tpu.memref_slice %arg13[%dma_start3A_392] : memref<10240xf32, #tpu.memory_space<vmem_shared>> -> memref<10240xf32, #tpu.memory_space<vmem_shared>>
      tpu.enqueue_indirect_dma source(%dma_start3A_388 : memref<80xf32, #tpu.memory_space<vmem>>) target(%dma_start3A_393 : memref<10240xf32, #tpu.memory_space<vmem_shared>>) offsets(%dma_start3A_391 : memref<80xi32, #tpu.memory_space<vmem>>) semaphore(%arg24 : memref<!tpu.dma_semaphore, #tpu.memory_space<semaphore_mem>>) {add = true}
    }
    %scan3A_114 = arith.constant 25 : i32
    %dma_wait3A = arith.constant 4 : i32
    %dma_wait3A_115 = arith.constant 0 : i32
    %dma_wait3A_116 = arith.constant 0 : i32
    %dma_wait3A_117 = tpu.memref_slice %arg9[%dma_wait3A, %dma_wait3A_115, %dma_wait3A_116] : memref<5x80x64xf32, #tpu.memory_space<vmem>> -> memref<1x80x64xf32, #tpu.memory_space<vmem>>
    %dma_wait3A_118 = tpu.memref_squeeze %dma_wait3A_117 : memref<1x80x64xf32, #tpu.memory_space<vmem>> -> memref<80x64xf32, #tpu.memory_space<vmem>>
    %dma_wait3A_119 = arith.constant 0 : i32
    %dma_wait3A_120 = arith.constant 0 : i32
    %dma_wait3A_121 = tpu.memref_slice %arg12[%dma_wait3A_119, %dma_wait3A_120] : memref<10240x64xf32, #tpu.memory_space<vmem_shared>> -> memref<80x64xf32, #tpu.memory_space<vmem_shared>>
    %dma_wait3A_122 = arith.constant 0 : i32
    %dma_wait3A_123 = arith.constant 0 : i32
    %dma_wait3A_124 = tpu.memref_slice %arg12[%dma_wait3A_122, %dma_wait3A_123] : memref<10240x64xf32, #tpu.memory_space<vmem_shared>> -> memref<80x64xf32, #tpu.memory_space<vmem_shared>>
    %dma_wait3A_125 = arith.constant 0 : i32
    %dma_wait3A_126 = arith.constant 0 : i32
    %dma_wait3A_127 = tpu.memref_slice %arg9[%dma_wait3A, %dma_wait3A_125, %dma_wait3A_126] : memref<5x80x64xf32, #tpu.memory_space<vmem>> -> memref<1x80x64xf32, #tpu.memory_space<vmem>>
    %dma_wait3A_128 = tpu.memref_squeeze %dma_wait3A_127 : memref<1x80x64xf32, #tpu.memory_space<vmem>> -> memref<80x64xf32, #tpu.memory_space<vmem>>
    tpu.wait_dma2 semaphore(%arg23 : memref<!tpu.dma_semaphore, #tpu.memory_space<semaphore_mem>>) src(%dma_wait3A_128 : memref<80x64xf32, #tpu.memory_space<vmem>>) dst(%dma_wait3A_124 : memref<80x64xf32, #tpu.memory_space<vmem_shared>>)
    %dma_wait3A_129 = arith.constant 0 : i32
    %dma_wait3A_130 = tpu.memref_slice %arg11[%dma_wait3A_129] : memref<640xf32, #tpu.memory_space<vmem>> -> memref<80xf32, #tpu.memory_space<vmem>>
    %dma_wait3A_131 = arith.constant 0 : i32
    %dma_wait3A_132 = tpu.memref_slice %arg13[%dma_wait3A_131] : memref<10240xf32, #tpu.memory_space<vmem_shared>> -> memref<80xf32, #tpu.memory_space<vmem_shared>>
    %dma_wait3A_133 = arith.constant 0 : i32
    %dma_wait3A_134 = tpu.memref_slice %arg13[%dma_wait3A_133] : memref<10240xf32, #tpu.memory_space<vmem_shared>> -> memref<80xf32, #tpu.memory_space<vmem_shared>>
    %dma_wait3A_135 = arith.constant 0 : i32
    %dma_wait3A_136 = tpu.memref_slice %arg11[%dma_wait3A_135] : memref<640xf32, #tpu.memory_space<vmem>> -> memref<80xf32, #tpu.memory_space<vmem>>
    tpu.wait_dma2 semaphore(%arg24 : memref<!tpu.dma_semaphore, #tpu.memory_space<semaphore_mem>>) src(%dma_wait3A_136 : memref<80xf32, #tpu.memory_space<vmem>>) dst(%dma_wait3A_134 : memref<80xf32, #tpu.memory_space<vmem_shared>>)
    %barrier3A_137 = arith.constant 0 : index
    tpu.barrier barrier_id(%barrier3A_137)
    %mul3A_138 = arith.constant 640 : i32
    %mul3A_139 = arith.muli %arg1, %mul3A_138 : i32
    %mul3A_140 = arith.constant 10240 : i32
    %mul3A_141 = arith.muli %arg0, %mul3A_140 : i32
    %mul3A_142 = arith.constant 640 : i32
    %mul3A_143 = arith.muli %arg1, %mul3A_142 : i32
    %add3A_144 = arith.addi %mul3A_141, %mul3A_143 : i32
    "tpu.region"() ({
      %run_scoped3A = tpu.sem_alloc : memref<!tpu.dma_semaphore, #tpu.memory_space<semaphore_mem>>
      %dma_start3A_152 = arith.constant 0 : i32
      %dma_start3A_153 = tpu.memref_slice %arg5[%add3A_144, %dma_start3A_152] : memref<20480x64xf32, #tpu.memory_space<hbm>> -> memref<640x64xf32, #tpu.memory_space<hbm>>
      %dma_start3A_154 = arith.constant 0 : i32
      %dma_start3A_155 = tpu.memref_slice %arg12[%mul3A_139, %dma_start3A_154] : memref<10240x64xf32, #tpu.memory_space<vmem_shared>> -> memref<640x64xf32, #tpu.memory_space<vmem_shared>>
      tpu.enqueue_dma source(%dma_start3A_155 : memref<640x64xf32, #tpu.memory_space<vmem_shared>>) target(%dma_start3A_153 : memref<640x64xf32, #tpu.memory_space<hbm>>) target_semaphore(%run_scoped3A : memref<!tpu.dma_semaphore, #tpu.memory_space<semaphore_mem>>)
      %dma_wait3A_156 = arith.constant 0 : i32
      %dma_wait3A_157 = tpu.memref_slice %arg5[%add3A_144, %dma_wait3A_156] : memref<20480x64xf32, #tpu.memory_space<hbm>> -> memref<640x64xf32, #tpu.memory_space<hbm>>
      %dma_wait3A_158 = arith.constant 0 : i32
      %dma_wait3A_159 = tpu.memref_slice %arg12[%mul3A_139, %dma_wait3A_158] : memref<10240x64xf32, #tpu.memory_space<vmem_shared>> -> memref<640x64xf32, #tpu.memory_space<vmem_shared>>
      tpu.wait_dma2 semaphore(%run_scoped3A : memref<!tpu.dma_semaphore, #tpu.memory_space<semaphore_mem>>) src(%dma_wait3A_159 : memref<640x64xf32, #tpu.memory_space<vmem_shared>>) dst(%dma_wait3A_157 : memref<640x64xf32, #tpu.memory_space<hbm>>)
      tpu.yield
    }) : () -> ()
    %mul3A_145 = arith.constant 640 : i32
    %mul3A_146 = arith.muli %arg1, %mul3A_145 : i32
    %mul3A_147 = arith.constant 10240 : i32
    %mul3A_148 = arith.muli %arg0, %mul3A_147 : i32
    %mul3A_149 = arith.constant 640 : i32
    %mul3A_150 = arith.muli %arg1, %mul3A_149 : i32
    %add3A_151 = arith.addi %mul3A_148, %mul3A_150 : i32
    "tpu.region"() ({
      %run_scoped3A = tpu.sem_alloc : memref<!tpu.dma_semaphore, #tpu.memory_space<semaphore_mem>>
      %dma_start3A_152 = tpu.memref_slice %arg6[%add3A_151] : memref<20480xf32, #tpu.memory_space<hbm>> -> memref<640xf32, #tpu.memory_space<hbm>>
      %dma_start3A_153 = tpu.memref_slice %arg13[%mul3A_146] : memref<10240xf32, #tpu.memory_space<vmem_shared>> -> memref<640xf32, #tpu.memory_space<vmem_shared>>
      tpu.enqueue_dma source(%dma_start3A_153 : memref<640xf32, #tpu.memory_space<vmem_shared>>) target(%dma_start3A_152 : memref<640xf32, #tpu.memory_space<hbm>>) target_semaphore(%run_scoped3A : memref<!tpu.dma_semaphore, #tpu.memory_space<semaphore_mem>>)
      %dma_wait3A_154 = tpu.memref_slice %arg6[%add3A_151] : memref<20480xf32, #tpu.memory_space<hbm>> -> memref<640xf32, #tpu.memory_space<hbm>>
      %dma_wait3A_155 = tpu.memref_slice %arg13[%mul3A_146] : memref<10240xf32, #tpu.memory_space<vmem_shared>> -> memref<640xf32, #tpu.memory_space<vmem_shared>>
      tpu.wait_dma2 semaphore(%run_scoped3A : memref<!tpu.dma_semaphore, #tpu.memory_space<semaphore_mem>>) src(%dma_wait3A_155 : memref<640xf32, #tpu.memory_space<vmem_shared>>) dst(%dma_wait3A_154 : memref<640xf32, #tpu.memory_space<hbm>>)
      tpu.yield
    }) : () -> ()
    return
  }
}

module attributes {stable_mosaic.version = 14 : i64} {
  func.func @_proj2_body(%arg0: i32, %arg1: memref<1024x128xf32, #tpu.memory_space<vmem>>, %arg2: memref<128x64xf32, #tpu.memory_space<vmem>>, %arg3: memref<128x64xf32, #tpu.memory_space<vmem>>, %arg4: memref<1024x64xf32, #tpu.memory_space<vmem>>, %arg5: memref<1024x64xf32, #tpu.memory_space<vmem>>) attributes {dimension_semantics = [#tpu.dimension_semantics<arbitrary>], iteration_bounds = array<i64: 10>, scalar_prefetch = 0 : i64, scratch_operands = 0 : i64, tpu.core_type = #tpu.core_type<tc>, window_params = [{transform_indices = @transform_0, window_bounds = array<i64: 1024, 128>}, {pipeline_mode = #tpu.pipeline_mode<synchronous>, transform_indices = @transform_1, window_bounds = array<i64: 128, 64>}, {pipeline_mode = #tpu.pipeline_mode<synchronous>, transform_indices = @transform_2, window_bounds = array<i64: 128, 64>}, {transform_indices = @transform_3, window_bounds = array<i64: 1024, 64>}, {transform_indices = @transform_4, window_bounds = array<i64: 1024, 64>}]} {
    %get3A = arith.constant 0 : index
    %get3A_0 = arith.constant 0 : index
    %get3A_1 = vector.load %arg1[%get3A, %get3A_0] : memref<1024x128xf32, #tpu.memory_space<vmem>>, vector<1024x128xf32>
    %get3A_2 = arith.constant 0 : index
    %get3A_3 = arith.constant 0 : index
    %get3A_4 = vector.load %arg2[%get3A_2, %get3A_3] : memref<128x64xf32, #tpu.memory_space<vmem>>, vector<128x64xf32>
    %dot_general3A = arith.constant dense<0.000000e+00> : vector<1024x64xf32>
    %dot_general3A_5 = tpu.matmul %get3A_1, %get3A_4, %dot_general3A {dimension_numbers = #tpu.dot_dimension_numbers<[1], [0], [0], [1], [0, 0, 1, 1], [], []>, transpose_lhs_hint = false} : vector<1024x128xf32>, vector<128x64xf32>, vector<1024x64xf32> -> vector<1024x64xf32>
    %swap3A = arith.constant 0 : index
    %swap3A_6 = arith.constant 0 : index
    %swap3A_7 = vector.load %arg4[%swap3A, %swap3A_6] : memref<1024x64xf32, #tpu.memory_space<vmem>>, vector<1024x64xf32>
    tpu.vector_store %arg4[%swap3A, %swap3A_6], %dot_general3A_5 {strides = array<i32>} : memref<1024x64xf32, #tpu.memory_space<vmem>>, vector<1024x64xf32>,
    %get3A_8 = arith.constant 0 : index
    %get3A_9 = arith.constant 0 : index
    %get3A_10 = vector.load %arg3[%get3A_8, %get3A_9] : memref<128x64xf32, #tpu.memory_space<vmem>>, vector<128x64xf32>
    %dot_general3A_11 = arith.constant dense<0.000000e+00> : vector<1024x64xf32>
    %dot_general3A_12 = tpu.matmul %get3A_1, %get3A_10, %dot_general3A_11 {dimension_numbers = #tpu.dot_dimension_numbers<[1], [0], [0], [1], [0, 0, 1, 1], [], []>, transpose_lhs_hint = false} : vector<1024x128xf32>, vector<128x64xf32>, vector<1024x64xf32> -> vector<1024x64xf32>
    %swap3A_13 = arith.constant 0 : index
    %swap3A_14 = arith.constant 0 : index
    %swap3A_15 = vector.load %arg5[%swap3A_13, %swap3A_14] : memref<1024x64xf32, #tpu.memory_space<vmem>>, vector<1024x64xf32>
    tpu.vector_store %arg5[%swap3A_13, %swap3A_14], %dot_general3A_12 {strides = array<i32>} : memref<1024x64xf32, #tpu.memory_space<vmem>>, vector<1024x64xf32>,
    return
  }
  func.func @transform_0(%arg0: i32) -> (i32, i32) {
    %c0_i32 = arith.constant 0 : i32
    %c0_i32_0 = arith.constant 0 : i32
    return %arg0, %c0_i32 : i32, i32
  }
  func.func @transform_1(%arg0: i32) -> (i32, i32) {
    %c0_i32 = arith.constant 0 : i32
    %c0_i32_0 = arith.constant 0 : i32
    %c0_i32_1 = arith.constant 0 : i32
    return %c0_i32, %c0_i32_0 : i32, i32
  }
  func.func @transform_2(%arg0: i32) -> (i32, i32) {
    %c0_i32 = arith.constant 0 : i32
    %c0_i32_0 = arith.constant 0 : i32
    %c0_i32_1 = arith.constant 0 : i32
    return %c0_i32, %c0_i32_0 : i32, i32
  }
  func.func @transform_3(%arg0: i32) -> (i32, i32) {
    %c0_i32 = arith.constant 0 : i32
    %c0_i32_0 = arith.constant 0 : i32
    return %arg0, %c0_i32 : i32, i32
  }
  func.func @transform_4(%arg0: i32) -> (i32, i32) {
    %c0_i32 = arith.constant 0 : i32
    %c0_i32_0 = arith.constant 0 : i32
    return %arg0, %c0_i32 : i32, i32
  }
}

module attributes {stable_mosaic.version = 14 : i64} {
  func.func @_combine2_body(%arg0: i32, %arg1: memref<1024x64xf32, #tpu.memory_space<vmem>>, %arg2: memref<2x1024x64xf32, #tpu.memory_space<vmem>>, %arg3: memref<2x1024xf32, #tpu.memory_space<vmem>>, %arg4: memref<1x64xf32, #tpu.memory_space<vmem>>, %arg5: memref<64x64xf32, #tpu.memory_space<vmem>>, %arg6: memref<64x64xf32, #tpu.memory_space<vmem>>, %arg7: memref<1024x64xf32, #tpu.memory_space<vmem>>, %arg8: memref<1024x64xf32, #tpu.memory_space<vmem>>) attributes {dimension_semantics = [#tpu.dimension_semantics<arbitrary>], iteration_bounds = array<i64: 10>, scalar_prefetch = 0 : i64, scratch_operands = 0 : i64, tpu.core_type = #tpu.core_type<tc>, window_params = [{transform_indices = @transform_0, window_bounds = array<i64: 1024, 64>}, {transform_indices = @transform_1, window_bounds = array<i64: 2, 1024, 64>}, {transform_indices = @transform_2, window_bounds = array<i64: 2, 1024>}, {pipeline_mode = #tpu.pipeline_mode<synchronous>, transform_indices = @transform_3, window_bounds = array<i64: 1, 64>}, {pipeline_mode = #tpu.pipeline_mode<synchronous>, transform_indices = @transform_4, window_bounds = array<i64: 64, 64>}, {pipeline_mode = #tpu.pipeline_mode<synchronous>, transform_indices = @transform_5, window_bounds = array<i64: 64, 64>}, {transform_indices = @transform_6, window_bounds = array<i64: 1024, 64>}, {transform_indices = @transform_7, window_bounds = array<i64: 1024, 64>}]} {
    %get3A = arith.constant 0 : index
    %get3A_0 = arith.constant 0 : index
    %get3A_1 = vector.load %arg3[%get3A, %get3A_0] : memref<2x1024xf32, #tpu.memory_space<vmem>>, vector<1x1024xf32>
    %get3A_2 = vector.shape_cast %get3A_1 : vector<1x1024xf32> to vector<1024xf32>
    %get3A_3 = arith.constant 1 : index
    %get3A_4 = arith.constant 0 : index
    %get3A_5 = vector.load %arg3[%get3A_3, %get3A_4] : memref<2x1024xf32, #tpu.memory_space<vmem>>, vector<1x1024xf32>
    %get3A_6 = vector.shape_cast %get3A_5 : vector<1x1024xf32> to vector<1024xf32>
    %add3A = arith.addf %get3A_2, %get3A_6 : vector<1024xf32>
    %max3A = arith.constant 1.000000e+00 : f32
    %max3A_7 = vector.broadcast %max3A : f32 to vector<1024xf32>
    %max3A_8 = arith.maximumf %add3A, %max3A_7 : vector<1024xf32>
    %div3A = arith.constant 1.000000e+00 : f32
    %div3A_9 = vector.broadcast %div3A : f32 to vector<1024xf32>
    %div3A_10 = arith.divf %div3A_9, %max3A_8 : vector<1024xf32>
    %get3A_11 = arith.constant 0 : index
    %get3A_12 = arith.constant 0 : index
    %get3A_13 = arith.constant 0 : index
    %get3A_14 = vector.load %arg2[%get3A_11, %get3A_12, %get3A_13] : memref<2x1024x64xf32, #tpu.memory_space<vmem>>, vector<1x1024x64xf32>
    %get3A_15 = vector.shape_cast %get3A_14 : vector<1x1024x64xf32> to vector<1024x64xf32>
    %get3A_16 = arith.constant 1 : index
    %get3A_17 = arith.constant 0 : index
    %get3A_18 = arith.constant 0 : index
    %get3A_19 = vector.load %arg2[%get3A_16, %get3A_17, %get3A_18] : memref<2x1024x64xf32, #tpu.memory_space<vmem>>, vector<1x1024x64xf32>
    %get3A_20 = vector.shape_cast %get3A_19 : vector<1x1024x64xf32> to vector<1024x64xf32>
    %add3A_21 = arith.addf %get3A_15, %get3A_20 : vector<1024x64xf32>
    %get3A_22 = arith.constant 0 : index
    %get3A_23 = arith.constant 0 : index
    %get3A_24 = vector.load %arg1[%get3A_22, %get3A_23] : memref<1024x64xf32, #tpu.memory_space<vmem>>, vector<1024x64xf32>
    %broadcast_in_dim3A = vector.shape_cast %div3A_10 : vector<1024xf32> to vector<1024x1xf32>
    %mul3A = vector.broadcast %broadcast_in_dim3A : vector<1024x1xf32> to vector<1024x64xf32>
    %mul3A_25 = arith.mulf %add3A_21, %mul3A : vector<1024x64xf32>
    %add3A_26 = arith.addf %get3A_24, %mul3A_25 : vector<1024x64xf32>
    %get3A_27 = arith.constant 0 : index
    %get3A_28 = arith.constant 0 : index
    %get3A_29 = vector.load %arg4[%get3A_27, %get3A_28] : memref<1x64xf32, #tpu.memory_space<vmem>>, vector<1x64xf32>
    %add3A_30 = vector.broadcast %get3A_29 : vector<1x64xf32> to vector<1024x64xf32>
    %add3A_31 = arith.addf %add3A_26, %add3A_30 : vector<1024x64xf32>
    %max3A_32 = arith.constant 0.000000e+00 : f32
    %max3A_33 = vector.broadcast %max3A_32 : f32 to vector<1024x64xf32>
    %max3A_34 = arith.maximumf %add3A_31, %max3A_33 : vector<1024x64xf32>
    %get3A_35 = arith.constant 0 : index
    %get3A_36 = arith.constant 0 : index
    %get3A_37 = vector.load %arg5[%get3A_35, %get3A_36] : memref<64x64xf32, #tpu.memory_space<vmem>>, vector<64x64xf32>
    %dot_general3A = arith.constant dense<0.000000e+00> : vector<1024x64xf32>
    %dot_general3A_38 = tpu.matmul %max3A_34, %get3A_37, %dot_general3A {dimension_numbers = #tpu.dot_dimension_numbers<[1], [0], [0], [1], [0, 0, 1, 1], [], []>, transpose_lhs_hint = false} : vector<1024x64xf32>, vector<64x64xf32>, vector<1024x64xf32> -> vector<1024x64xf32>
    %swap3A = arith.constant 0 : index
    %swap3A_39 = arith.constant 0 : index
    %swap3A_40 = vector.load %arg7[%swap3A, %swap3A_39] : memref<1024x64xf32, #tpu.memory_space<vmem>>, vector<1024x64xf32>
    tpu.vector_store %arg7[%swap3A, %swap3A_39], %dot_general3A_38 {strides = array<i32>} : memref<1024x64xf32, #tpu.memory_space<vmem>>, vector<1024x64xf32>,
    %get3A_41 = arith.constant 0 : index
    %get3A_42 = arith.constant 0 : index
    %get3A_43 = vector.load %arg6[%get3A_41, %get3A_42] : memref<64x64xf32, #tpu.memory_space<vmem>>, vector<64x64xf32>
    %dot_general3A_44 = arith.constant dense<0.000000e+00> : vector<1024x64xf32>
    %dot_general3A_45 = tpu.matmul %max3A_34, %get3A_43, %dot_general3A_44 {dimension_numbers = #tpu.dot_dimension_numbers<[1], [0], [0], [1], [0, 0, 1, 1], [], []>, transpose_lhs_hint = false} : vector<1024x64xf32>, vector<64x64xf32>, vector<1024x64xf32> -> vector<1024x64xf32>
    %swap3A_46 = arith.constant 0 : index
    %swap3A_47 = arith.constant 0 : index
    %swap3A_48 = vector.load %arg8[%swap3A_46, %swap3A_47] : memref<1024x64xf32, #tpu.memory_space<vmem>>, vector<1024x64xf32>
    tpu.vector_store %arg8[%swap3A_46, %swap3A_47], %dot_general3A_45 {strides = array<i32>} : memref<1024x64xf32, #tpu.memory_space<vmem>>, vector<1024x64xf32>,
    return
  }
  func.func @transform_0(%arg0: i32) -> (i32, i32) {
    %c0_i32 = arith.constant 0 : i32
    %c0_i32_0 = arith.constant 0 : i32
    return %arg0, %c0_i32 : i32, i32
  }
  func.func @transform_1(%arg0: i32) -> (i32, i32, i32) {
    %c0_i32 = arith.constant 0 : i32
    %c0_i32_0 = arith.constant 0 : i32
    %c0_i32_1 = arith.constant 0 : i32
    return %c0_i32, %arg0, %c0_i32_0 : i32, i32, i32
  }
  func.func @transform_2(%arg0: i32) -> (i32, i32) {
    %c0_i32 = arith.constant 0 : i32
    %c0_i32_0 = arith.constant 0 : i32
    return %c0_i32, %arg0 : i32, i32
  }
  func.func @transform_3(%arg0: i32) -> (i32, i32) {
    %c0_i32 = arith.constant 0 : i32
    %c0_i32_0 = arith.constant 0 : i32
    %c0_i32_1 = arith.constant 0 : i32
    return %c0_i32, %c0_i32_0 : i32, i32
  }
  func.func @transform_4(%arg0: i32) -> (i32, i32) {
    %c0_i32 = arith.constant 0 : i32
    %c0_i32_0 = arith.constant 0 : i32
    %c0_i32_1 = arith.constant 0 : i32
    return %c0_i32, %c0_i32_0 : i32, i32
  }
  func.func @transform_5(%arg0: i32) -> (i32, i32) {
    %c0_i32 = arith.constant 0 : i32
    %c0_i32_0 = arith.constant 0 : i32
    %c0_i32_1 = arith.constant 0 : i32
    return %c0_i32, %c0_i32_0 : i32, i32
  }
  func.func @transform_6(%arg0: i32) -> (i32, i32) {
    %c0_i32 = arith.constant 0 : i32
    %c0_i32_0 = arith.constant 0 : i32
    return %arg0, %c0_i32 : i32, i32
  }
  func.func @transform_7(%arg0: i32) -> (i32, i32) {
    %c0_i32 = arith.constant 0 : i32
    %c0_i32_0 = arith.constant 0 : i32
    return %arg0, %c0_i32 : i32, i32
  }
}

module attributes {stable_mosaic.version = 14 : i64} {
  func.func @_final_body(%arg0: i32, %arg1: memref<1024x64xf32, #tpu.memory_space<vmem>>, %arg2: memref<2x1024x64xf32, #tpu.memory_space<vmem>>, %arg3: memref<2x1024xf32, #tpu.memory_space<vmem>>, %arg4: memref<1x64xf32, #tpu.memory_space<vmem>>, %arg5: memref<1024x64xf32, #tpu.memory_space<vmem>>) attributes {dimension_semantics = [#tpu.dimension_semantics<arbitrary>], iteration_bounds = array<i64: 10>, scalar_prefetch = 0 : i64, scratch_operands = 0 : i64, tpu.core_type = #tpu.core_type<tc>, window_params = [{transform_indices = @transform_0, window_bounds = array<i64: 1024, 64>}, {transform_indices = @transform_1, window_bounds = array<i64: 2, 1024, 64>}, {transform_indices = @transform_2, window_bounds = array<i64: 2, 1024>}, {pipeline_mode = #tpu.pipeline_mode<synchronous>, transform_indices = @transform_3, window_bounds = array<i64: 1, 64>}, {transform_indices = @transform_4, window_bounds = array<i64: 1024, 64>}]} {
    %get3A = arith.constant 0 : index
    %get3A_0 = arith.constant 0 : index
    %get3A_1 = vector.load %arg3[%get3A, %get3A_0] : memref<2x1024xf32, #tpu.memory_space<vmem>>, vector<1x1024xf32>
    %get3A_2 = vector.shape_cast %get3A_1 : vector<1x1024xf32> to vector<1024xf32>
    %get3A_3 = arith.constant 1 : index
    %get3A_4 = arith.constant 0 : index
    %get3A_5 = vector.load %arg3[%get3A_3, %get3A_4] : memref<2x1024xf32, #tpu.memory_space<vmem>>, vector<1x1024xf32>
    %get3A_6 = vector.shape_cast %get3A_5 : vector<1x1024xf32> to vector<1024xf32>
    %add3A = arith.addf %get3A_2, %get3A_6 : vector<1024xf32>
    %max3A = arith.constant 1.000000e+00 : f32
    %max3A_7 = vector.broadcast %max3A : f32 to vector<1024xf32>
    %max3A_8 = arith.maximumf %add3A, %max3A_7 : vector<1024xf32>
    %div3A = arith.constant 1.000000e+00 : f32
    %div3A_9 = vector.broadcast %div3A : f32 to vector<1024xf32>
    %div3A_10 = arith.divf %div3A_9, %max3A_8 : vector<1024xf32>
    %get3A_11 = arith.constant 0 : index
    %get3A_12 = arith.constant 0 : index
    %get3A_13 = arith.constant 0 : index
    %get3A_14 = vector.load %arg2[%get3A_11, %get3A_12, %get3A_13] : memref<2x1024x64xf32, #tpu.memory_space<vmem>>, vector<1x1024x64xf32>
    %get3A_15 = vector.shape_cast %get3A_14 : vector<1x1024x64xf32> to vector<1024x64xf32>
    %get3A_16 = arith.constant 1 : index
    %get3A_17 = arith.constant 0 : index
    %get3A_18 = arith.constant 0 : index
    %get3A_19 = vector.load %arg2[%get3A_16, %get3A_17, %get3A_18] : memref<2x1024x64xf32, #tpu.memory_space<vmem>>, vector<1x1024x64xf32>
    %get3A_20 = vector.shape_cast %get3A_19 : vector<1x1024x64xf32> to vector<1024x64xf32>
    %add3A_21 = arith.addf %get3A_15, %get3A_20 : vector<1024x64xf32>
    %get3A_22 = arith.constant 0 : index
    %get3A_23 = arith.constant 0 : index
    %get3A_24 = vector.load %arg1[%get3A_22, %get3A_23] : memref<1024x64xf32, #tpu.memory_space<vmem>>, vector<1024x64xf32>
    %broadcast_in_dim3A = vector.shape_cast %div3A_10 : vector<1024xf32> to vector<1024x1xf32>
    %mul3A = vector.broadcast %broadcast_in_dim3A : vector<1024x1xf32> to vector<1024x64xf32>
    %mul3A_25 = arith.mulf %add3A_21, %mul3A : vector<1024x64xf32>
    %add3A_26 = arith.addf %get3A_24, %mul3A_25 : vector<1024x64xf32>
    %get3A_27 = arith.constant 0 : index
    %get3A_28 = arith.constant 0 : index
    %get3A_29 = vector.load %arg4[%get3A_27, %get3A_28] : memref<1x64xf32, #tpu.memory_space<vmem>>, vector<1x64xf32>
    %add3A_30 = vector.broadcast %get3A_29 : vector<1x64xf32> to vector<1024x64xf32>
    %add3A_31 = arith.addf %add3A_26, %add3A_30 : vector<1024x64xf32>
    %max3A_32 = arith.constant 0.000000e+00 : f32
    %max3A_33 = vector.broadcast %max3A_32 : f32 to vector<1024x64xf32>
    %max3A_34 = arith.maximumf %add3A_31, %max3A_33 : vector<1024x64xf32>
    %swap3A = arith.constant 0 : index
    %swap3A_35 = arith.constant 0 : index
    %swap3A_36 = vector.load %arg5[%swap3A, %swap3A_35] : memref<1024x64xf32, #tpu.memory_space<vmem>>, vector<1024x64xf32>
    tpu.vector_store %arg5[%swap3A, %swap3A_35], %max3A_34 {strides = array<i32>} : memref<1024x64xf32, #tpu.memory_space<vmem>>, vector<1024x64xf32>,
    return
  }
  func.func @transform_0(%arg0: i32) -> (i32, i32) {
    %c0_i32 = arith.constant 0 : i32
    %c0_i32_0 = arith.constant 0 : i32
    return %arg0, %c0_i32 : i32, i32
  }
  func.func @transform_1(%arg0: i32) -> (i32, i32, i32) {
    %c0_i32 = arith.constant 0 : i32
    %c0_i32_0 = arith.constant 0 : i32
    %c0_i32_1 = arith.constant 0 : i32
    return %c0_i32, %arg0, %c0_i32_0 : i32, i32, i32
  }
  func.func @transform_2(%arg0: i32) -> (i32, i32) {
    %c0_i32 = arith.constant 0 : i32
    %c0_i32_0 = arith.constant 0 : i32
    return %c0_i32, %arg0 : i32, i32
  }
  func.func @transform_3(%arg0: i32) -> (i32, i32) {
    %c0_i32 = arith.constant 0 : i32
    %c0_i32_0 = arith.constant 0 : i32
    %c0_i32_1 = arith.constant 0 : i32
    return %c0_i32, %c0_i32_0 : i32, i32
  }
  func.func @transform_4(%arg0: i32) -> (i32, i32) {
    %c0_i32 = arith.constant 0 : i32
    %c0_i32_0 = arith.constant 0 : i32
    return %arg0, %c0_i32 : i32, i32
  }
}

</mosaic_0001>

<sc_bundles>
// kernel: kernel.10.cloned.1.call-start
scs
__scs_entry_jumppad:
0x0: {  	(pc) =	sbr.rel $0x88, $3  }
0x1: {  	(tag) =	ssettag $0x0;
	lr =	simm.s32 $0x1  }
0x2: {  	[smem:$0x3F99] =	sst lr;
	_ =	strace $0xD0000000  }
0x3: {  	_ = 	snop  }
0x4: {  	_ = 	snop  }
0x5: {  	_ = 	snop  }
0x6: {  	_ = 	snop  }
0x7: {  	_ = 	snop  }
__scs_overlays_trampoline_lowered:
0x8: {  	[smem:$0x3FA8] =	sst s0  }
0x9: {  	[smem:$0x3FA9] =	sst s1  }
0xa: {  	[smem:$0x3FAA] =	sst s2  }
0xb: {  	[smem:$0x3FAB] =	sst s3  }
0xc: {  	[smem:$0x3FAC] =	sst s4  }
0xd: {  	[smem:$0x3FAD] =	sst s5  }
0xe: {  	[smem:$0x3FAE] =	sst s6  }
0xf: {  	[smem:$0x3FAF] =	sst s7  }
0x10: {  	[smem:$0x3FB0] =	sst s8  }
0x11: {  	[smem:$0x3FB1] =	sst s9;
	s0 =	simm.s32 @!p0 $0x0  }
0x12: {  	s1 =	sld [smem:$0x3F97];
	s0 =	simm.s32 @p0 $0x1  }
0x13: {  	[smem:$0x3FB2] =	sst s0;
	s0 =	simm.s32 @!p1 $0x0  }
0x14: {  	s2 =	sld [smem:$0x3F96];
	s0 =	simm.s32 @p1 $0x1  }
0x15: {  	[smem:$0x3FB3] =	sst s0;
	s0 =	simm.s32 @!p2 $0x0  }
0x16: {  	s3 =	sld [smem:$0x3FDB];
	s0 =	simm.s32 @p2 $0x1  }
0x17: {  	s4 =	simm.s32 $0x1BF5;
	[smem:$0x3FB5] =	sst s0  }
0x18: {  	s0 =	sld [smem:$0x3F98];
	_ =	swait.ge [sflag:s4], $0x0  }
0x19: {  	s7 =	sld [smem:$0x3F99]  }
0x1a: {  	s8 =	sadd.s32 $0xFFFFE003, lr  }
0x1b: {  	s9 =	sadd.s32 $0xFFFFFEF7, lr;
	s5 =	simm.s32 $0xFFFFFFFF;
	p2 =	slt.u32 s8, $0xFFFFF086  }
0x1c: {  	p1 =	slt.u32 s9, $0xF7A;
	s5 =	simm.s32 @!p2 $0x0  }
0x1d: {  	s5 =	simm.s32 @p1 $0x1;
	p0 =	seq.s32 s7, s2  }
0x1e: {  	s7 =	smul.u32 @!p0 $0xF7A, s2;
	p2 =	seq.s32 @!p0 s5, $0x0  }
0x1f: {  	s9 =	smul.u32 $0xF7A, s1;
	s8 =	simm.s32 @!p0 $0x1BF5;
	p2 =	por !p2, p0  }
0x20: {  	[sflag:s8] =	ssyncset.s32 @!p0 $0xFFFFF086;
	s6 =	sadd.s32 @!p0 s3, s7;
	s7 =	simm.s32 @!p0 $0x108  }
0x21: {  	s3 =	sadd.s32 s3, s9;
	s6 =	sadd.s32 @!p0 $0x88, s6;
	s7 =	simm.s32 @p2 $0x1082  }
0x22: {  	[simem:s7], [sflag:s8] =	dma.local @!p0 [hbm:s6], $0xF7A  }
0x23: {  	s9 =	sor.u32 $0xD0000000, s2;
	s6 =	simm.s32 $0x108;
	_ =	swait.ge @!p0 [sflag:s8], $0x0  }
0x24: {  	s3 =	sadd.s32 $0x88, s3;
	s6 =	simm.s32 @!p1 $0x1082;
	[sflag:s4] =	ssyncset.s32 $0xFFFFF086  }
0x25: {  	[simem:s6], [sflag:s4] =	dma.local [hbm:s3], $0xF7A  }
0x26: {  	[smem:$0x3F99] =	sst s1;
	(tag) =	ssettag s2;
	_ =	strace s9  }
0x27: {  	s1 =	sld [smem:$0x3FA9]  }
0x28: {  	s2 =	sld [smem:$0x3FAA]  }
0x29: {  	s4 =	sld [smem:$0x3FAC]  }
0x2a: {  	p0 =	seq.s32 s5, $0x0;
	s5 =	sld [smem:$0x3FAD]  }
0x2b: {  	s6 =	sld [smem:$0x3FAE]  }
0x2c: {  	s7 =	sld [smem:$0x3FAF]  }
0x2d: {  	s3 =	simm.s32 $0x108;
	s8 =	sld [smem:$0x3FB0]  }
0x2e: {  	s3 =	simm.s32 @!p0 $0x1082;
	s9 =	sld [smem:$0x3FB1]  }
0x2f: {  	lr =	sadd.s32 s0, s3;
	s0 =	sld [smem:$0x3FA8]  }
0x30: {  	s3 =	sld [smem:$0x3FAB]  }
0x31: {  	[smem:$0x3FB4] =	sst s10  }
0x32: {  	s10 =	sld [smem:$0x3FB2];
	_ =	sdelay $0x3  }
0x33: {  	p0 =	seq.s32 s10, $0x1;
	s10 =	sld [smem:$0x3FB4];
	_ =	sdelay $0x3  }
0x34: {  	[smem:$0x3FB4] =	sst s10  }
0x35: {  	s10 =	sld [smem:$0x3FB3];
	_ =	sdelay $0x3  }
0x36: {  	p1 =	seq.s32 s10, $0x1;
	s10 =	sld [smem:$0x3FB4];
	_ =	sdelay $0x3  }
0x37: {  	[smem:$0x3FB4] =	sst s10  }
0x38: {  	s10 =	sld [smem:$0x3FB5]  }
0x39: {  	_ = 	snop;
	(pc) =	sbr.ind lr, $3  }
0x3a: {  	_ = 	snop  }
0x3b: {  	_ = 	snop  }
0x3c: {  	p2 =	seq.s32 s10, $0x1;
	s10 =	sld [smem:$0x3FB4]  }
0x3d: {  	_ =	shalt  }
0x3e: {  	_ =	shalt  }
0x3f: {  	_ =	shalt  }
0x40: {  	_ =	shalt  }
0x41: {  	_ =	shalt  }
0x42: {  	_ =	shalt  }
0x43: {  	_ =	shalt  }
0x44: {  	_ =	shalt  }
0x45: {  	_ =	shalt  }
0x46: {  	_ =	shalt  }
0x47: {  	_ =	shalt  }
0x48: {  	_ =	shalt  }
0x49: {  	_ =	shalt  }
0x4a: {  	_ =	shalt  }
0x4b: {  	_ =	shalt  }
0x4c: {  	_ =	shalt  }
0x4d: {  	_ =	shalt  }
0x4e: {  	_ =	shalt  }
0x4f: {  	_ =	shalt  }
0x50: {  	_ =	shalt  }
0x51: {  	_ =	shalt  }
0x52: {  	_ =	shalt  }
0x53: {  	_ =	shalt  }
0x54: {  	_ =	shalt  }
0x55: {  	_ =	shalt  }
0x56: {  	_ =	shalt  }
0x57: {  	_ =	shalt  }
0x58: {  	_ =	shalt  }
0x59: {  	_ =	shalt  }
0x5a: {  	_ =	shalt  }
0x5b: {  	_ =	shalt  }
0x5c: {  	_ =	shalt  }
0x5d: {  	_ =	shalt  }
0x5e: {  	_ =	shalt  }
0x5f: {  	_ =	shalt  }
0x60: {  	_ =	shalt  }
0x61: {  	_ =	shalt  }
0x62: {  	_ =	shalt  }
0x63: {  	_ =	shalt  }
0x64: {  	_ =	shalt  }
0x65: {  	_ =	shalt  }
0x66: {  	_ =	shalt  }
0x67: {  	_ =	shalt  }
0x68: {  	_ =	shalt  }
0x69: {  	_ =	shalt  }
0x6a: {  	_ =	shalt  }
0x6b: {  	_ =	shalt  }
0x6c: {  	_ =	shalt  }
0x6d: {  	_ =	shalt  }
0x6e: {  	_ =	shalt  }
0x6f: {  	_ =	shalt  }
0x70: {  	_ =	shalt  }
0x71: {  	_ =	shalt  }
0x72: {  	_ =	shalt  }
0x73: {  	_ =	shalt  }
0x74: {  	_ =	shalt  }
0x75: {  	_ =	shalt  }
0x76: {  	_ =	shalt  }
0x77: {  	_ =	shalt  }
0x78: {  	_ =	shalt  }
0x79: {  	_ =	shalt  }
0x7a: {  	_ =	shalt  }
0x7b: {  	_ =	shalt  }
0x7c: {  	_ =	shalt  }
0x7d: {  	_ =	shalt  }
0x7e: {  	_ =	shalt  }
0x7f: {  	_ =	shalt  }
0x80: {  	_ =	shalt  }
0x81: {  	_ =	shalt  }
0x82: {  	_ =	shalt  }
0x83: {  	_ =	shalt  }
0x84: {  	_ =	shalt  }
0x85: {  	_ =	shalt  }
0x86: {  	_ =	shalt  }
0x87: {  	_ =	shalt  }
.Lfunc_end0:
.L_simem_size_0:
called_computation.1_lowered:
.L_overlay_start_0:
0x88: {  	s2 =	sld [smem:$0x3FD9]  }
0x89: {  	s3 =	sld [smem:$0x3FFE];
	_ =	sdelay $0x1  }
0x8a: {  	s1 =	srdreg.scid  }
0x8b: {  	s0 =	sand.u32 $0x1, s1  }
0x8c: {  	s17 =	sshll.u32 s0, $0xA;
	s2 =	sadd.s32 s3, s2  }
0x8d: {  	s2 =	sadd.s32 s2, s17  }
0x8e: {  	[smem:$0x3FC0] =	sst s2  }
0x8f: {  	_ = 	snop  }
0x90: {  	s2 =	sld [smem:$0x3FD0];
	(tm) =	ssettm $0x1  }
0x91: {  	s18 =	sld [smem:$0x3FFB];
	_ =	sdelay $0x3  }
0x92: {  	_ =	strace s18  }
0x93: {  	s3 =	sld [smem:$0x3FFC];
	_ =	sdelay $0x3  }
0x94: {  	_ =	strace s3  }
0x95: {  	s3 =	sld [smem:$0x3FFD];
	_ =	sdelay $0x3  }
0x96: {  	_ =	strace s3  }
0x97: {  	_ =	strace $0x8FFFFFFF  }
0x98: {  	s19 =	sld [smem:$0x3FDB];
	_ =	sdelay $0x1  }
0x99: {  	s4 =	simm.s32 $_scs_section_size  }
0x9a: {  	s5 =	simm.s32 $_size__tile_overlayer_lowered;
	s6 =	simm.s32 $_tile_overlayer_lowered  }
0x9b: {  	s22 =	simm.s32 $0x1BFF;
	s21 =	sshll.u32 s6, $0x1;
	s3 =	sadd.s32 s4, s19  }
0x9c: {  	s7 =	simm.s32 $0x0;
	s20 =	sshll.u32 s5, $0x1;
	s5 =	sadd.s32 s21, s3  }
0x9d: {  	[timem:s7], [sflag:s22] =	dma.local [hbm:s5], s20  }
0x9e: {  	_ =	swait.ge [sflag:s22], s20  }
0x9f: {  	s4 =	ssub.s32 $0x0, s20;
	[sflag:s22] =	ssyncset.done $0x0  }
0xa0: {  	[sflag:s22] =	ssyncadd.s32 s4;
	_ =	sdelay $0x1  }
0xa1: {  	s23 =	simm.s32 $0x1B8B  }
0xa2: {  	_ =	swait.ge [sflag:s23], $0x1  }
0xa3: {  	[sflag:s23] =	ssyncset.done $0x0  }
0xa4: {  	s25 =	simm.s32 $0x1B8E;
	s24 =	sld [smem:$0x3FFE];
	[sflag:s23] =	ssyncadd.s32 $0xFFFFFFFF  }
0xa5: {  	s26 =	simm.s32 $execute0_lowered;
	[smem:$0x3FD2] =	sst s25  }
0xa6: {  	s5 =	sshll.u32 s26, $0x1;
	_ =	strace $0x80000049;
	[dreg:$0x1] =	wrdreg $0xFFFFFFFF  }
0xa7: {  	s28 =	simm.s32 $_size_execute0_lowered;
	s3 =	sadd.s32 s3, s5;
	[dreg:$0x0] =	wrdreg $0x0  }
0xa8: {  	s5 =	sshll.u32 s28, $0x1;
	[dreg:$0x2] =	wrdreg s3  }
0xa9: {  	[dreg:$0x3] =	wrdreg s5  }
0xaa: {  	[dreg:$0x4] =	wrdreg $0xC0  }
0xab: {  	_ =	task [dreg:s7], $0x5FFFF  }
0xac: {  	[dreg:$0x1] =	wrdreg $0xFFFFFFFF  }
0xad: {  	[dreg:$0x0] =	wrdreg $0x60  }
0xae: {  	[dreg:$0x2] =	wrdreg s2  }
0xaf: {  	[dreg:$0x3] =	wrdreg s24  }
0xb0: {  	[dreg:$0x4] =	wrdreg $0xD2200  }
0xb1: {  	[dreg:$0x5] =	wrdreg $0x9  }
0xb2: {  	_ =	task.clear_ibuf [dreg:s7], $0x6FFFF;
	_ =	strace $0x90000049  }
0xb3: {  	s29 =	simm.s32 $0x9;
	_ =	strace $0x8000004B  }
0xb4: {  	_ =	swait.ge [sflag:s29], $0x1  }
0xb5: {  	[sflag:s29] =	ssyncadd.s32 $0xFFFFFFFF  }
0xb6: {  	_ =	strace $0x9000004B  }
0xb7: {  	_ =	sfence  }
0xb8: {  	s30 =	sld [smem:$0x0];
	_ =	sdelay $0x2  }
0xb9: {  	s31 =	sshll.u32 s1, $0xD;
	s1 =	sshrl.u32 s1, $0x2  }
0xba: {  	s3 =	sand.u32 $0x4000, s31;
	s1 =	sadd.s32 s1, s30  }
0xbb: {  	s0 =	sor.u32 s3, s0;
	s1 =	sshll.u32 s1, $0x11  }
0xbc: {  	s0 =	sor.u32 s1, s0  }
0xbd: {  	s0 =	sadd.s32 $0x8F2B, s0  }
0xbe: {  	[sflag:s0] =	ssyncadd.remote.s32 $0x1  }
0xbf: {  	_ =	sfence.sel $0xFFFF  }
0xc0: {  	[dreg:$0x0] =	wrdreg $0xFFFFFFFF;
	(pc) =	sbr.abs _section_cstart, $3  }
0xc1: {  	[dreg:$0x1] =	wrdreg $0xFFFFFFFF  }
0xc2: {  	_ =	task.clear_ibuf [dreg:s7], $0x2FFFF;
	_ =	strace $0x9FFFFFFF  }
0xc3: {  	(tm) =	ssettm $0x7FFFFFFF  }
tec
execute0_lowered:
.L_overlay_start_1:
0x0: {  	(tag) =	ssettag $0x1  }
0x1: {  	s2 =	rddreg [dreg:$0x0]  }
0x2: {  	s0 =	srdreg.scid;
	s5 =	rddreg [dreg:$0x1]  }
0x3: {  	s8 =	stileid.u32;
	s3 =	rddreg [dreg:$0x2];
	s4 =	simm.s32 $0x0  }
0x4: {  	s14 =	simm.s32 $0xB220;
	s15 =	simm.s32 $0xB;
	s16 =	simm.s32 $0x2710  }
0x5: {  	s17 =	simm.s32 $0x50;
	s18 =	simm.s32 $0x4E20;
	s19 =	simm.s32 $0x6220  }
0x6: {  	s28 =	simm.s32 $0x2;
	s29 =	simm.s32 $0x6;
	s30 =	simm.s32 $0x8  }
0x7: {  	s31 =	simm.s32 $0x9;
	s0 =	sand.u32 $0x1, s0;
	s6 =	smul.u32 $0x1400, s8  }
0x8: {  	s20 =	simm.s32 $0xA;
	s1 =	sshll.u32 s0, $0x4;
	s7 =	smul.u32 $0x14000, s0  }
0x9: {  	[smem:$0x7FF] =	sst s4;
	s1 =	sor.u32 s8, s1;
	s8 =	smul.u32 $0x28000, s8  }
0xa: {  	_ =	strace $0x8000004A;
	s0 =	ssub.s32 $0x2, s0;
	s1 =	smul.u32 $0x4E2, s1  }
0xb: {  	s22 =	sshrl.u32 s0, $0x1;
	s6 =	sadd.s32 s6, s7;
	s21 =	sshrl.u32 s8, $0x2  }
0xc: {  	s6 =	sadd.s32 s6, s5;
	s1 =	sadd.s32 s1, s5;
	s5 =	sadd.s32 s21, s3  }
0xd: {  	s0 =	ssub.s32 s0, s22;
	s22 =	simm.s32 $0x5;
	s7 =	sadd.s32 $0x2000, s5  }
0xe: {  	s13 =	smax.u32 s0, $0x1;
	s23 =	sadd.s32 $0x4000, s5;
	[dreg:$0x4] =	wrdreg s7  }
0xf: {  	s0 =	simm.s32 $0x7;
	s24 =	sadd.s32 $0x6000, s5;
	[dreg:$0x5] =	wrdreg s23  }
.Ltmp0:
0x10: {  	s25 =	sadd.s32 $0x8000, s5;
	[dreg:$0x6] =	wrdreg s24;
	(pc) =	sbr.rel .LBB2_1-.Ltmp0, $4  }
0x11: {  	s12 =	sadd.s32 $0x14E00, s6;
	s26 =	sadd.s32 $0xB000, s1;
	[dreg:$0x7] =	wrdreg s25  }
0x12: {  	s21 =	simm.s32 $0x7620;
	s1 =	sadd.s32 $0x1200, s1;
	[dreg:$0x8] =	wrdreg s26  }
0x13: {  	[dreg:$0x9] =	wrdreg s1;
	s23 =	simm.s32 $0x8A20;
	s24 =	simm.s32 $0x1  }
0x14: {  	v0 =	vimm.f32 $0.0e+00;
	s26 =	simm.s32 $0x9E20;
	s1 =	simm.s32 $0x3;
	s25 =	simm.s32 $0x4  }
.LBB2_6:
0x15: {  	[spmem:s3] =	stream.indirect.scatter.add.f32 [tilespmem:s23], [sflag:$0x9], $0x40, s8, s17, $0xb8;
	[tilespmem:$0x17220] =	vst v63  }
0x16: {  	_ =	swait.ge [sflag:s22], $0x1400  }
0x17: {  	[sflag:s22] =	ssyncset.done $0x0  }
0x18: {  	[sflag:s22] =	ssyncadd.s32 $0xFFFFEC00  }
0x19: {  	_ =	swait.ge [sflag:s31], $0x1400  }
0x1a: {  	[sflag:s31] =	ssyncset.done $0x0  }
0x1b: {  	s6 =	sadd.s32 $0x29E0, s7;
	[sflag:s31] =	ssyncadd.s32 $0xFFFFEC00  }
0x1c: {  	[spmem:s3] =	stream.indirect.scatter.add.f32 [tilespmem:s26], [sflag:$0xA], $0x40, s6, s17, $0xb8;
	[tilespmem:$0x17220] =	vst v63  }
0x1d: {  	s10 =	stileid.u32;
	_ =	swait.ge [sflag:s20], $0x1400  }
0x1e: {  	s11 =	sshrl.u32 s5, $0x3;
	s4 =	sadd.s32 $0x1, s4;
	[sflag:s20] =	ssyncset.done $0x0  }
0x1f: {  	p0 =	sne.s32 s4, s13;
	s6 =	sshll.u32 s10, $0x6;
	[sflag:s20] =	ssyncadd.s32 $0xFFFFEC00  }
.Ltmp1:
0x20: {  	s6 =	sor.u32 $0x1C0B, s6;
	[bflag:$0x0] =	sbarrier.arrive $0xFFFF;
	(pc) =	sbr.rel @!p0 .LBB2_7-.Ltmp1, $4  }
0x21: {  	[hbm:s12], [sflag:s6] =	dma.local [spmem:s11], $0x1400  }
0x22: {  	_ =	swait.ge [sflag:s15], $0x1400  }
0x23: {  	[sflag:s15] =	ssyncset.done $0x0  }
0x24: {  	[sflag:s15] =	ssyncadd.s32 $0xFFFFEC00  }
.LBB2_1:
0x25: {  	s7 =	simm.s32 $0x100;
	s6 =	simm.s32 $0x0  }
.LBB2_2:
0x26: {  	p0 =	sne.s32 s7, $0x7F00;
	[tilespmem:s6+$0xB250] =	vst v0;
	s8 =	smov.u32 s7;
	s7 =	sadd.s32 $0x100, s7  }
.Ltmp2:
0x27: {  	[tilespmem:s6+$0xB240] =	vst v0;
	(pc) =	sbr.rel @p0 .LBB2_2-.Ltmp2, $3  }
0x28: {  	[tilespmem:s6+$0xB220] =	vst v0  }
0x29: {  	[tilespmem:s6+$0xB230] =	vst v0;
	_ =	sdelay $0x1  }
0x2a: {  	s6 =	sshra.s32 s8, $0x2  }
0x2b: {  	[tilespmem:s6+$0xB250] =	vst v0  }
0x2c: {  	[tilespmem:s6+$0xB240] =	vst v0  }
0x2d: {  	[tilespmem:s6+$0xB220] =	vst v0  }
0x2e: {  	[tilespmem:s6+$0xB230] =	vst v0  }
0x2f: {  	[spmem:s5] =	stream.linear.scatter [tilespmem:s14], [sflag:$0xB], $0x2000, $0x38;
	[tilespmem:$0x17220] =	vst v63  }
0x30: {  	_ =	swait.ge [sflag:s15], $0x2000  }
0x31: {  	[sflag:s15] =	ssyncset.done $0x0  }
0x32: {  	s9 =	rddreg [dreg:$0x4];
	[sflag:s15] =	ssyncadd.s32 $0xFFFFE000  }
0x33: {  	[spmem:s9] =	stream.linear.scatter [tilespmem:s14], [sflag:$0xB], $0x2000, $0x38;
	[tilespmem:$0x17220] =	vst v63  }
0x34: {  	_ =	swait.ge [sflag:s15], $0x2000  }
0x35: {  	[sflag:s15] =	ssyncset.done $0x0  }
0x36: {  	s10 =	rddreg [dreg:$0x5];
	[sflag:s15] =	ssyncadd.s32 $0xFFFFE000  }
0x37: {  	[spmem:s10] =	stream.linear.scatter [tilespmem:s14], [sflag:$0xB], $0x2000, $0x38;
	[tilespmem:$0x17220] =	vst v63  }
0x38: {  	_ =	swait.ge [sflag:s15], $0x2000  }
0x39: {  	[sflag:s15] =	ssyncset.done $0x0  }
0x3a: {  	s11 =	rddreg [dreg:$0x6];
	[sflag:s15] =	ssyncadd.s32 $0xFFFFE000  }
0x3b: {  	[spmem:s11] =	stream.linear.scatter [tilespmem:s14], [sflag:$0xB], $0x2000, $0x38;
	[tilespmem:$0x17220] =	vst v63  }
0x3c: {  	_ =	swait.ge [sflag:s15], $0x2000  }
0x3d: {  	[sflag:s15] =	ssyncset.done $0x0  }
0x3e: {  	s7 =	rddreg [dreg:$0x7];
	[sflag:s15] =	ssyncadd.s32 $0xFFFFE000  }
0x3f: {  	[spmem:s7] =	stream.linear.scatter [tilespmem:s14], [sflag:$0xB], $0x2000, $0x38;
	[tilespmem:$0x17220] =	vst v63  }
0x40: {  	_ =	swait.ge [sflag:s15], $0x2000  }
0x41: {  	[sflag:s15] =	ssyncset.done $0x0  }
0x42: {  	s6 =	simm.s32 $0x0;
	s7 =	rddreg [dreg:$0x8];
	[sflag:s15] =	ssyncadd.s32 $0xFFFFE000  }
0x43: {  	[tilespmem:s6], [sflag:$0xB] =	stream.linear.gather [hbm4b:s7+s6], $0x2710, $0x38;
	[tilespmem:$0x17220] =	vst v63  }
0x44: {  	_ =	swait.ge [sflag:s15], $0x2710  }
0x45: {  	[sflag:s15] =	ssyncset.done $0x0  }
0x46: {  	s8 =	rddreg [dreg:$0x9];
	[sflag:s15] =	ssyncadd.s32 $0xFFFFD8F0  }
0x47: {  	[tilespmem:s16], [sflag:$0xB] =	stream.linear.gather [hbm4b:s8+s6], $0x2710, $0x38;
	[tilespmem:$0x17220] =	vst v63  }
0x48: {  	_ =	swait.ge [sflag:s15], $0x2710  }
0x49: {  	[sflag:s15] =	ssyncset.done $0x0  }
0x4a: {  	[sflag:s15] =	ssyncadd.s32 $0xFFFFD8F0  }
0x4b: {  	[tilespmem:s18], [sflag:$0x1] =	stream.indirect.gather [hbm4b:s2+s17], $0x40, s6, s17, $0xb8;
	[tilespmem:$0x17220] =	vst v63  }
0x4c: {  	_ = 	snop  }
0x4d: {  	[tilespmem:s19], [sflag:$0x2] =	stream.indirect.gather [hbm4b:s2+s17], $0x40, s17, s17, $0xb8;
	[tilespmem:$0x17220] =	vst v63  }
0x4e: {  	s9 =	simm.s32 $0xA0  }
0x4f: {  	[tilespmem:s21], [sflag:$0x3] =	stream.indirect.gather [hbm4b:s2+s17], $0x40, s9, s17, $0xb8;
	[tilespmem:$0x17220] =	vst v63  }
0x50: {  	s10 =	simm.s32 $0xF0  }
0x51: {  	[tilespmem:s23], [sflag:$0x4] =	stream.indirect.gather [hbm4b:s2+s17], $0x40, s10, s17, $0xb8;
	[tilespmem:$0x17220] =	vst v63  }
0x52: {  	[bflag:$0x0] =	sbarrier.arrive $0xFFFF  }
0x53: {  	_ =	swait.ge [sflag:s24], $0x1400  }
0x54: {  	[sflag:s24] =	ssyncset.done $0x0  }
0x55: {  	s11 =	simm.s32 $0x140;
	[sflag:s24] =	ssyncadd.s32 $0xFFFFEC00  }
0x56: {  	[tilespmem:s26], [sflag:$0x5] =	stream.indirect.gather [hbm4b:s2+s17], $0x40, s11, s17, $0xb8;
	[tilespmem:$0x17220] =	vst v63  }
0x57: {  	_ = 	snop  }
0x58: {  	[spmem:s3] =	stream.indirect.scatter.add.f32 [tilespmem:s18], [sflag:$0x6], $0x40, s16, s17, $0xb8;
	[tilespmem:$0x17220] =	vst v63  }
0x59: {  	_ =	swait.ge [sflag:s28], $0x1400  }
0x5a: {  	[sflag:s28] =	ssyncset.done $0x0  }
0x5b: {  	[sflag:s28] =	ssyncadd.s32 $0xFFFFEC00  }
0x5c: {  	_ =	swait.ge [sflag:s29], $0x1400  }
0x5d: {  	[sflag:s29] =	ssyncset.done $0x0  }
0x5e: {  	s8 =	simm.s32 $0x190;
	[sflag:s29] =	ssyncadd.s32 $0xFFFFEC00  }
0x5f: {  	[tilespmem:s18], [sflag:$0x1] =	stream.indirect.gather [hbm4b:s2+s17], $0x40, s8, s17, $0xb8;
	[tilespmem:$0x17220] =	vst v63  }
0x60: {  	s9 =	simm.s32 $0x2760  }
0x61: {  	[spmem:s3] =	stream.indirect.scatter.add.f32 [tilespmem:s19], [sflag:$0x7], $0x40, s9, s17, $0xb8;
	[tilespmem:$0x17220] =	vst v63  }
0x62: {  	_ =	swait.ge [sflag:s1], $0x1400  }
0x63: {  	[sflag:s1] =	ssyncset.done $0x0  }
0x64: {  	[sflag:s1] =	ssyncadd.s32 $0xFFFFEC00  }
0x65: {  	_ =	swait.ge [sflag:s0], $0x1400  }
0x66: {  	[sflag:s0] =	ssyncset.done $0x0  }
0x67: {  	s10 =	simm.s32 $0x1E0;
	[sflag:s0] =	ssyncadd.s32 $0xFFFFEC00  }
0x68: {  	[tilespmem:s19], [sflag:$0x2] =	stream.indirect.gather [hbm4b:s2+s17], $0x40, s10, s17, $0xb8;
	[tilespmem:$0x17220] =	vst v63  }
0x69: {  	s11 =	simm.s32 $0x27B0  }
0x6a: {  	[spmem:s3] =	stream.indirect.scatter.add.f32 [tilespmem:s21], [sflag:$0x8], $0x40, s11, s17, $0xb8;
	[tilespmem:$0x17220] =	vst v63  }
0x6b: {  	_ =	swait.ge [sflag:s25], $0x1400  }
0x6c: {  	[sflag:s25] =	ssyncset.done $0x0  }
0x6d: {  	[sflag:s25] =	ssyncadd.s32 $0xFFFFEC00  }
0x6e: {  	_ =	swait.ge [sflag:s30], $0x1400  }
0x6f: {  	[sflag:s30] =	ssyncset.done $0x0  }
0x70: {  	s8 =	simm.s32 $0x230;
	[sflag:s30] =	ssyncadd.s32 $0xFFFFEC00  }
0x71: {  	[tilespmem:s21], [sflag:$0x3] =	stream.indirect.gather [hbm4b:s2+s17], $0x40, s8, s17, $0xb8;
	[tilespmem:$0x17220] =	vst v63  }
0x72: {  	s9 =	simm.s32 $0x2800  }
0x73: {  	[spmem:s3] =	stream.indirect.scatter.add.f32 [tilespmem:s23], [sflag:$0x9], $0x40, s9, s17, $0xb8;
	[tilespmem:$0x17220] =	vst v63  }
0x74: {  	_ =	swait.ge [sflag:s22], $0x1400  }
0x75: {  	[sflag:s22] =	ssyncset.done $0x0  }
0x76: {  	[sflag:s22] =	ssyncadd.s32 $0xFFFFEC00  }
0x77: {  	_ =	swait.ge [sflag:s31], $0x1400  }
0x78: {  	[sflag:s31] =	ssyncset.done $0x0  }
0x79: {  	s10 =	simm.s32 $0x280;
	[sflag:s31] =	ssyncadd.s32 $0xFFFFEC00  }
0x7a: {  	[tilespmem:s23], [sflag:$0x4] =	stream.indirect.gather [hbm4b:s2+s17], $0x40, s10, s17, $0xb8;
	[tilespmem:$0x17220] =	vst v63  }
0x7b: {  	s11 =	simm.s32 $0x2850  }
0x7c: {  	[spmem:s3] =	stream.indirect.scatter.add.f32 [tilespmem:s26], [sflag:$0xA], $0x40, s11, s17, $0xb8;
	[tilespmem:$0x17220] =	vst v63  }
.LBB2_4:
0x7d: {  	_ =	swait.ge [sflag:s24], $0x1400  }
0x7e: {  	[sflag:s24] =	ssyncset.done $0x0  }
0x7f: {  	[sflag:s24] =	ssyncadd.s32 $0xFFFFEC00  }
0x80: {  	_ =	swait.ge [sflag:s20], $0x1400  }
0x81: {  	s7 =	sshra.s32 s6, $0x2;
	[sflag:s20] =	ssyncset.done $0x0  }
0x82: {  	s8 =	sadd.s32 $0x2D0, s7;
	[sflag:s20] =	ssyncadd.s32 $0xFFFFEC00  }
0x83: {  	[tilespmem:s26], [sflag:$0x5] =	stream.indirect.gather [hbm4b:s2+s17], $0x40, s8, s17, $0xb8;
	[tilespmem:$0x17220] =	vst v63  }
0x84: {  	s10 =	sadd.s32 $0x28A0, s7  }
0x85: {  	[spmem:s3] =	stream.indirect.scatter.add.f32 [tilespmem:s18], [sflag:$0x6], $0x40, s10, s17, $0xb8;
	[tilespmem:$0x17220] =	vst v63  }
0x86: {  	_ =	swait.ge [sflag:s28], $0x1400  }
0x87: {  	[sflag:s28] =	ssyncset.done $0x0  }
0x88: {  	[sflag:s28] =	ssyncadd.s32 $0xFFFFEC00  }
0x89: {  	p0 =	seq.s32 s6, $0x8FC0;
	_ =	swait.ge [sflag:s29], $0x1400  }
0x8a: {  	s9 =	simm.s32 @p0 $0x50;
	s8 =	sshra.s32 @p0 s6, $0x2;
	[sflag:s29] =	ssyncset.done $0x0  }
0x8b: {  	s8 =	sadd.s32 @p0 $0x28F0, s8;
	s10 =	simm.s32 @p0 $0x6220;
	[sflag:s29] =	ssyncadd.s32 $0xFFFFEC00  }
0x8c: {  	[spmem:s3] =	stream.indirect.scatter.add.f32 @p0 [tilespmem:s10], [sflag:$0x7], $0x40, s8, s9, $0xb8;
	[tilespmem:$0x17220] =	vst v63  }
0x8d: {  	s8 =	simm.s32 @p0 $0x3  }
0x8e: {  	_ =	swait.ge @p0 [sflag:s8], $0x1400  }
0x8f: {  	[sflag:s8] =	ssyncset.done @p0 $0x0  }
0x90: {  	[sflag:s8] =	ssyncadd.s32 @p0 $0xFFFFEC00;
	s8 =	simm.s32 @p0 $0x7  }
0x91: {  	_ =	swait.ge @p0 [sflag:s8], $0x1400  }
0x92: {  	[sflag:s8] =	ssyncset.done @p0 $0x0  }
0x93: {  	[sflag:s8] =	ssyncadd.s32 @p0 $0xFFFFEC00;
	s8 =	sshra.s32 @!p0 s6, $0x2  }
0x94: {  	s11 =	simm.s32 @!p0 $0x4E20;
	s10 =	simm.s32 @!p0 $0x50;
	s9 =	sadd.s32 @!p0 $0x320, s8  }
0x95: {  	[tilespmem:s11], [sflag:$0x1] =	stream.indirect.gather @!p0 [hbm4b:s2+s10], $0x40, s9, s10, $0xb8;
	[tilespmem:$0x17220] =	vst v63  }
0x96: {  	s9 =	sadd.s32 @!p0 $0x28F0, s8;
	s11 =	simm.s32 @!p0 $0x6220  }
0x97: {  	[spmem:s3] =	stream.indirect.scatter.add.f32 @!p0 [tilespmem:s11], [sflag:$0x7], $0x40, s9, s10, $0xb8;
	[tilespmem:$0x17220] =	vst v63  }
0x98: {  	s9 =	simm.s32 @!p0 $0x3  }
0x99: {  	_ =	swait.ge @!p0 [sflag:s9], $0x1400  }
0x9a: {  	[sflag:s9] =	ssyncset.done @!p0 $0x0  }
0x9b: {  	[sflag:s9] =	ssyncadd.s32 @!p0 $0xFFFFEC00;
	s9 =	simm.s32 @!p0 $0x7  }
0x9c: {  	_ =	swait.ge @!p0 [sflag:s9], $0x1400  }
0x9d: {  	[sflag:s9] =	ssyncset.done @!p0 $0x0  }
0x9e: {  	s8 =	sadd.s32 @!p0 $0x370, s8;
	[sflag:s9] =	ssyncadd.s32 @!p0 $0xFFFFEC00  }
0x9f: {  	[tilespmem:s11], [sflag:$0x2] =	stream.indirect.gather @!p0 [hbm4b:s2+s10], $0x40, s8, s10, $0xb8;
	[tilespmem:$0x17220] =	vst v63  }
0xa0: {  	s11 =	sadd.s32 $0x2940, s7  }
0xa1: {  	[spmem:s3] =	stream.indirect.scatter.add.f32 [tilespmem:s21], [sflag:$0x8], $0x40, s11, s17, $0xb8;
	[tilespmem:$0x17220] =	vst v63  }
0xa2: {  	_ =	swait.ge [sflag:s25], $0x1400  }
.Ltmp3:
0xa3: {  	[sflag:s25] =	ssyncset.done $0x0;
	(pc) =	sbr.rel @p0 .LBB2_6-.Ltmp3, $4  }
0xa4: {  	[sflag:s25] =	ssyncadd.s32 $0xFFFFEC00  }
0xa5: {  	_ =	swait.ge [sflag:s30], $0x1400  }
0xa6: {  	[sflag:s30] =	ssyncset.done $0x0  }
0xa7: {  	s8 =	sadd.s32 $0x2990, s7;
	[sflag:s30] =	ssyncadd.s32 $0xFFFFEC00  }
0xa8: {  	s9 =	sadd.s32 $0x3C0, s7  }
0xa9: {  	[tilespmem:s21], [sflag:$0x3] =	stream.indirect.gather [hbm4b:s2+s17], $0x40, s9, s17, $0xb8;
	[tilespmem:$0x17220] =	vst v63  }
0xaa: {  	_ = 	snop  }
0xab: {  	[spmem:s3] =	stream.indirect.scatter.add.f32 [tilespmem:s23], [sflag:$0x9], $0x40, s8, s17, $0xb8;
	[tilespmem:$0x17220] =	vst v63  }
0xac: {  	_ =	swait.ge [sflag:s22], $0x1400  }
0xad: {  	[sflag:s22] =	ssyncset.done $0x0  }
0xae: {  	[sflag:s22] =	ssyncadd.s32 $0xFFFFEC00  }
0xaf: {  	_ =	swait.ge [sflag:s31], $0x1400  }
.Ltmp4:
0xb0: {  	[sflag:s31] =	ssyncset.done $0x0;
	(pc) =	sbr.rel .LBB2_4-.Ltmp4, $4  }
0xb1: {  	s10 =	sadd.s32 $0x410, s7;
	[sflag:s31] =	ssyncadd.s32 $0xFFFFEC00  }
0xb2: {  	[tilespmem:s23], [sflag:$0x4] =	stream.indirect.gather [hbm4b:s2+s17], $0x40, s10, s17, $0xb8;
	[tilespmem:$0x17220] =	vst v63  }
0xb3: {  	s11 =	sadd.s32 $0x29E0, s7;
	s6 =	sadd.s32 $0x640, s6  }
0xb4: {  	[spmem:s3] =	stream.indirect.scatter.add.f32 [tilespmem:s26], [sflag:$0xA], $0x40, s11, s17, $0xb8;
	[tilespmem:$0x17220] =	vst v63  }
.LBB2_7:
0xb5: {  	_ =	sfence.sel $0x180000  }
0xb6: {  	[bflag:$0x0] =	sbarrier.arrive $0xFFFF  }
0xb7: {  	_ =	strace $0x9000004A  }
0xb8: {  	s0 =	stileid.u32;
	[bflag:$0x2] =	sbarrier.arrive $0xFFFF  }
0xb9: {  	p0 =	sne.s32 s0, $0x0;
	s0 =	rddreg [dreg:$0x3]  }
0xba: {  	s0 =	sadd.s32 @!p0 $0x100000, s0  }
0xbb: {  	[sflag:s0] =	ssyncadd.tile.s32 @!p0 $0x1;
	_ =	shalt  }
.Lfunc_end2:
_tile_overlayer_lowered:
.L_overlay_start_2:
0xbc: {  	(tag) =	ssettag $0x2  }
0xbd: {  	s0 =	rddreg [dreg:$0x0];
	s2 =	stileid.u32  }
0xbe: {  	s1 =	rddreg [dreg:$0x1];
	p0 =	sne.s32 s2, $0x0  }
0xbf: {  	s3 =	rddreg [dreg:$0x2];
	[bflag:$0x3] =	sbarrier.arrive $0xFFFF;
	s2 =	simm.s32 @!p0 $0x1C0B  }
0xc0: {  	[timem:s3], [sflag:s2] =	dma.local @!p0 [hbm:s0], s1  }
0xc1: {  	s0 =	simm.s32 @!p0 $0xB  }
0xc2: {  	_ =	swait.ge @!p0 [sflag:s0], s1  }
0xc3: {  	s1 =	ssub.s32 @!p0 $0x0, s1;
	[sflag:s0] =	ssyncset.done @!p0 $0x0  }
0xc4: {  	[sflag:s0] =	ssyncadd.s32 @!p0 s1  }
0xc5: {  	[bflag:$0x3] =	sbarrier.arrive $0xFFFF  }
0xc6: {  	_ =	shalt  }

// kernel: kernel.7.cloned.1.call-start
scs
__scs_entry_jumppad:
0x0: {  	(pc) =	sbr.rel $0x88, $3  }
0x1: {  	(tag) =	ssettag $0x0;
	lr =	simm.s32 $0x1  }
0x2: {  	[smem:$0x3F99] =	sst lr;
	_ =	strace $0xD0000000  }
0x3: {  	_ = 	snop  }
0x4: {  	_ = 	snop  }
0x5: {  	_ = 	snop  }
0x6: {  	_ = 	snop  }
0x7: {  	_ = 	snop  }
__scs_overlays_trampoline_lowered:
0x8: {  	[smem:$0x3FA8] =	sst s0  }
0x9: {  	[smem:$0x3FA9] =	sst s1  }
0xa: {  	[smem:$0x3FAA] =	sst s2  }
0xb: {  	[smem:$0x3FAB] =	sst s3  }
0xc: {  	[smem:$0x3FAC] =	sst s4  }
0xd: {  	[smem:$0x3FAD] =	sst s5  }
0xe: {  	[smem:$0x3FAE] =	sst s6  }
0xf: {  	[smem:$0x3FAF] =	sst s7  }
0x10: {  	[smem:$0x3FB0] =	sst s8  }
0x11: {  	[smem:$0x3FB1] =	sst s9;
	s0 =	simm.s32 @!p0 $0x0  }
0x12: {  	s1 =	sld [smem:$0x3F97];
	s0 =	simm.s32 @p0 $0x1  }
0x13: {  	[smem:$0x3FB2] =	sst s0;
	s0 =	simm.s32 @!p1 $0x0  }
0x14: {  	s2 =	sld [smem:$0x3F96];
	s0 =	simm.s32 @p1 $0x1  }
0x15: {  	[smem:$0x3FB3] =	sst s0;
	s0 =	simm.s32 @!p2 $0x0  }
0x16: {  	s3 =	sld [smem:$0x3FDB];
	s0 =	simm.s32 @p2 $0x1  }
0x17: {  	s4 =	simm.s32 $0x1BF5;
	[smem:$0x3FB5] =	sst s0  }
0x18: {  	s0 =	sld [smem:$0x3F98];
	_ =	swait.ge [sflag:s4], $0x0  }
0x19: {  	s7 =	sld [smem:$0x3F99]  }
0x1a: {  	s8 =	sadd.s32 $0xFFFFE003, lr  }
0x1b: {  	s9 =	sadd.s32 $0xFFFFFEF7, lr;
	s5 =	simm.s32 $0xFFFFFFFF;
	p2 =	slt.u32 s8, $0xFFFFF086  }
0x1c: {  	p1 =	slt.u32 s9, $0xF7A;
	s5 =	simm.s32 @!p2 $0x0  }
0x1d: {  	s5 =	simm.s32 @p1 $0x1;
	p0 =	seq.s32 s7, s2  }
0x1e: {  	s7 =	smul.u32 @!p0 $0xF7A, s2;
	p2 =	seq.s32 @!p0 s5, $0x0  }
0x1f: {  	s9 =	smul.u32 $0xF7A, s1;
	s8 =	simm.s32 @!p0 $0x1BF5;
	p2 =	por !p2, p0  }
0x20: {  	[sflag:s8] =	ssyncset.s32 @!p0 $0xFFFFF086;
	s6 =	sadd.s32 @!p0 s3, s7;
	s7 =	simm.s32 @!p0 $0x108  }
0x21: {  	s3 =	sadd.s32 s3, s9;
	s6 =	sadd.s32 @!p0 $0x88, s6;
	s7 =	simm.s32 @p2 $0x1082  }
0x22: {  	[simem:s7], [sflag:s8] =	dma.local @!p0 [hbm:s6], $0xF7A  }
0x23: {  	s9 =	sor.u32 $0xD0000000, s2;
	s6 =	simm.s32 $0x108;
	_ =	swait.ge @!p0 [sflag:s8], $0x0  }
0x24: {  	s3 =	sadd.s32 $0x88, s3;
	s6 =	simm.s32 @!p1 $0x1082;
	[sflag:s4] =	ssyncset.s32 $0xFFFFF086  }
0x25: {  	[simem:s6], [sflag:s4] =	dma.local [hbm:s3], $0xF7A  }
0x26: {  	[smem:$0x3F99] =	sst s1;
	(tag) =	ssettag s2;
	_ =	strace s9  }
0x27: {  	s1 =	sld [smem:$0x3FA9]  }
0x28: {  	s2 =	sld [smem:$0x3FAA]  }
0x29: {  	s4 =	sld [smem:$0x3FAC]  }
0x2a: {  	p0 =	seq.s32 s5, $0x0;
	s5 =	sld [smem:$0x3FAD]  }
0x2b: {  	s6 =	sld [smem:$0x3FAE]  }
0x2c: {  	s7 =	sld [smem:$0x3FAF]  }
0x2d: {  	s3 =	simm.s32 $0x108;
	s8 =	sld [smem:$0x3FB0]  }
0x2e: {  	s3 =	simm.s32 @!p0 $0x1082;
	s9 =	sld [smem:$0x3FB1]  }
0x2f: {  	lr =	sadd.s32 s0, s3;
	s0 =	sld [smem:$0x3FA8]  }
0x30: {  	s3 =	sld [smem:$0x3FAB]  }
0x31: {  	[smem:$0x3FB4] =	sst s10  }
0x32: {  	s10 =	sld [smem:$0x3FB2];
	_ =	sdelay $0x3  }
0x33: {  	p0 =	seq.s32 s10, $0x1;
	s10 =	sld [smem:$0x3FB4];
	_ =	sdelay $0x3  }
0x34: {  	[smem:$0x3FB4] =	sst s10  }
0x35: {  	s10 =	sld [smem:$0x3FB3];
	_ =	sdelay $0x3  }
0x36: {  	p1 =	seq.s32 s10, $0x1;
	s10 =	sld [smem:$0x3FB4];
	_ =	sdelay $0x3  }
0x37: {  	[smem:$0x3FB4] =	sst s10  }
0x38: {  	s10 =	sld [smem:$0x3FB5]  }
0x39: {  	_ = 	snop;
	(pc) =	sbr.ind lr, $3  }
0x3a: {  	_ = 	snop  }
0x3b: {  	_ = 	snop  }
0x3c: {  	p2 =	seq.s32 s10, $0x1;
	s10 =	sld [smem:$0x3FB4]  }
0x3d: {  	_ =	shalt  }
0x3e: {  	_ =	shalt  }
0x3f: {  	_ =	shalt  }
0x40: {  	_ =	shalt  }
0x41: {  	_ =	shalt  }
0x42: {  	_ =	shalt  }
0x43: {  	_ =	shalt  }
0x44: {  	_ =	shalt  }
0x45: {  	_ =	shalt  }
0x46: {  	_ =	shalt  }
0x47: {  	_ =	shalt  }
0x48: {  	_ =	shalt  }
0x49: {  	_ =	shalt  }
0x4a: {  	_ =	shalt  }
0x4b: {  	_ =	shalt  }
0x4c: {  	_ =	shalt  }
0x4d: {  	_ =	shalt  }
0x4e: {  	_ =	shalt  }
0x4f: {  	_ =	shalt  }
0x50: {  	_ =	shalt  }
0x51: {  	_ =	shalt  }
0x52: {  	_ =	shalt  }
0x53: {  	_ =	shalt  }
0x54: {  	_ =	shalt  }
0x55: {  	_ =	shalt  }
0x56: {  	_ =	shalt  }
0x57: {  	_ =	shalt  }
0x58: {  	_ =	shalt  }
0x59: {  	_ =	shalt  }
0x5a: {  	_ =	shalt  }
0x5b: {  	_ =	shalt  }
0x5c: {  	_ =	shalt  }
0x5d: {  	_ =	shalt  }
0x5e: {  	_ =	shalt  }
0x5f: {  	_ =	shalt  }
0x60: {  	_ =	shalt  }
0x61: {  	_ =	shalt  }
0x62: {  	_ =	shalt  }
0x63: {  	_ =	shalt  }
0x64: {  	_ =	shalt  }
0x65: {  	_ =	shalt  }
0x66: {  	_ =	shalt  }
0x67: {  	_ =	shalt  }
0x68: {  	_ =	shalt  }
0x69: {  	_ =	shalt  }
0x6a: {  	_ =	shalt  }
0x6b: {  	_ =	shalt  }
0x6c: {  	_ =	shalt  }
0x6d: {  	_ =	shalt  }
0x6e: {  	_ =	shalt  }
0x6f: {  	_ =	shalt  }
0x70: {  	_ =	shalt  }
0x71: {  	_ =	shalt  }
0x72: {  	_ =	shalt  }
0x73: {  	_ =	shalt  }
0x74: {  	_ =	shalt  }
0x75: {  	_ =	shalt  }
0x76: {  	_ =	shalt  }
0x77: {  	_ =	shalt  }
0x78: {  	_ =	shalt  }
0x79: {  	_ =	shalt  }
0x7a: {  	_ =	shalt  }
0x7b: {  	_ =	shalt  }
0x7c: {  	_ =	shalt  }
0x7d: {  	_ =	shalt  }
0x7e: {  	_ =	shalt  }
0x7f: {  	_ =	shalt  }
0x80: {  	_ =	shalt  }
0x81: {  	_ =	shalt  }
0x82: {  	_ =	shalt  }
0x83: {  	_ =	shalt  }
0x84: {  	_ =	shalt  }
0x85: {  	_ =	shalt  }
0x86: {  	_ =	shalt  }
0x87: {  	_ =	shalt  }
.Lfunc_end0:
.L_simem_size_0:
called_computation_lowered:
.L_overlay_start_0:
0x88: {  	s2 =	sld [smem:$0x3FD9]  }
0x89: {  	s3 =	sld [smem:$0x3FFE];
	_ =	sdelay $0x1  }
0x8a: {  	s1 =	srdreg.scid  }
0x8b: {  	s0 =	sand.u32 $0x1, s1  }
0x8c: {  	s17 =	sshll.u32 s0, $0xA;
	s2 =	sadd.s32 s3, s2  }
0x8d: {  	s2 =	sadd.s32 s2, s17  }
0x8e: {  	[smem:$0x3FC0] =	sst s2  }
0x8f: {  	_ = 	snop  }
0x90: {  	s2 =	sld [smem:$0x3FD0];
	(tm) =	ssettm $0x1  }
0x91: {  	s18 =	sld [smem:$0x3FFB];
	_ =	sdelay $0x3  }
0x92: {  	_ =	strace s18  }
0x93: {  	s3 =	sld [smem:$0x3FFC];
	_ =	sdelay $0x3  }
0x94: {  	_ =	strace s3  }
0x95: {  	s3 =	sld [smem:$0x3FFD];
	_ =	sdelay $0x3  }
0x96: {  	_ =	strace s3  }
0x97: {  	_ =	strace $0x8FFFFFFF  }
0x98: {  	s19 =	sld [smem:$0x3FDB];
	_ =	sdelay $0x1  }
0x99: {  	s4 =	simm.s32 $_scs_section_size  }
0x9a: {  	s5 =	simm.s32 $_size__tile_overlayer_lowered;
	s6 =	simm.s32 $_tile_overlayer_lowered  }
0x9b: {  	s22 =	simm.s32 $0x1BFF;
	s21 =	sshll.u32 s6, $0x1;
	s3 =	sadd.s32 s4, s19  }
0x9c: {  	s7 =	simm.s32 $0x0;
	s20 =	sshll.u32 s5, $0x1;
	s5 =	sadd.s32 s21, s3  }
0x9d: {  	[timem:s7], [sflag:s22] =	dma.local [hbm:s5], s20  }
0x9e: {  	_ =	swait.ge [sflag:s22], s20  }
0x9f: {  	s4 =	ssub.s32 $0x0, s20;
	[sflag:s22] =	ssyncset.done $0x0  }
0xa0: {  	[sflag:s22] =	ssyncadd.s32 s4;
	_ =	sdelay $0x1  }
0xa1: {  	s23 =	simm.s32 $0x1B8B  }
0xa2: {  	_ =	swait.ge [sflag:s23], $0x1  }
0xa3: {  	[sflag:s23] =	ssyncset.done $0x0  }
0xa4: {  	s25 =	simm.s32 $0x1B8E;
	s24 =	sld [smem:$0x3FFE];
	[sflag:s23] =	ssyncadd.s32 $0xFFFFFFFF  }
0xa5: {  	s26 =	simm.s32 $execute0_lowered;
	[smem:$0x3FD2] =	sst s25  }
0xa6: {  	s5 =	sshll.u32 s26, $0x1;
	_ =	strace $0x80000046;
	[dreg:$0x1] =	wrdreg $0xFFFFFFFF  }
0xa7: {  	s28 =	simm.s32 $_size_execute0_lowered;
	s3 =	sadd.s32 s3, s5;
	[dreg:$0x0] =	wrdreg $0x0  }
0xa8: {  	s5 =	sshll.u32 s28, $0x1;
	[dreg:$0x2] =	wrdreg s3  }
0xa9: {  	[dreg:$0x3] =	wrdreg s5  }
0xaa: {  	[dreg:$0x4] =	wrdreg $0xC0  }
0xab: {  	_ =	task [dreg:s7], $0x5FFFF  }
0xac: {  	[dreg:$0x1] =	wrdreg $0xFFFFFFFF  }
0xad: {  	[dreg:$0x0] =	wrdreg $0x60  }
0xae: {  	[dreg:$0x2] =	wrdreg s2  }
0xaf: {  	[dreg:$0x3] =	wrdreg s24  }
0xb0: {  	[dreg:$0x4] =	wrdreg $0xD4A00  }
0xb1: {  	[dreg:$0x5] =	wrdreg $0x174A00  }
0xb2: {  	[dreg:$0x6] =	wrdreg $0x9  }
0xb3: {  	_ =	task.clear_ibuf [dreg:s7], $0x7FFFF;
	_ =	strace $0x90000046  }
0xb4: {  	s29 =	simm.s32 $0x9;
	_ =	strace $0x80000048  }
0xb5: {  	_ =	swait.ge [sflag:s29], $0x1  }
0xb6: {  	[sflag:s29] =	ssyncadd.s32 $0xFFFFFFFF  }
0xb7: {  	_ =	strace $0x90000048  }
0xb8: {  	_ =	sfence  }
0xb9: {  	s30 =	sld [smem:$0x0];
	_ =	sdelay $0x2  }
0xba: {  	s31 =	sshll.u32 s1, $0xD;
	s1 =	sshrl.u32 s1, $0x2  }
0xbb: {  	s3 =	sand.u32 $0x4000, s31;
	s1 =	sadd.s32 s1, s30  }
0xbc: {  	s0 =	sor.u32 s3, s0;
	s1 =	sshll.u32 s1, $0x11  }
0xbd: {  	s0 =	sor.u32 s1, s0  }
0xbe: {  	s0 =	sadd.s32 $0x8F2B, s0  }
0xbf: {  	[sflag:s0] =	ssyncadd.remote.s32 $0x1  }
0xc0: {  	_ =	sfence.sel $0xFFFF  }
0xc1: {  	[dreg:$0x0] =	wrdreg $0xFFFFFFFF;
	(pc) =	sbr.abs _section_cstart, $3  }
0xc2: {  	[dreg:$0x1] =	wrdreg $0xFFFFFFFF  }
0xc3: {  	_ =	task.clear_ibuf [dreg:s7], $0x2FFFF;
	_ =	strace $0x9FFFFFFF  }
0xc4: {  	(tm) =	ssettm $0x7FFFFFFF  }
0xc5: {  	_ =	shalt  }
tec
execute0_lowered:
.L_overlay_start_1:
0x0: {  	(tag) =	ssettag $0x1  }
0x1: {  	s1 =	rddreg [dreg:$0x0]  }
0x2: {  	s0 =	rddreg [dreg:$0x1]  }
0x3: {  	s2 =	srdreg.scid;
	s3 =	rddreg [dreg:$0x2]  }
0x4: {  	s10 =	stileid.u32;
	s4 =	rddreg [dreg:$0x3]  }
0x5: {  	s5 =	simm.s32 $0x0;
	s28 =	simm.s32 $0x8A20;
	s29 =	simm.s32 $0x1  }
0x6: {  	s31 =	simm.s32 $0x9E20;
	s13 =	simm.s32 $0x5;
	s14 =	simm.s32 $0x9  }
0x7: {  	s16 =	simm.s32 $0xA;
	s2 =	sand.u32 $0x1, s2;
	s7 =	smul.u32 $0x280, s10  }
0x8: {  	[smem:$0x7FF] =	sst s5;
	s6 =	sshll.u32 s2, $0x4;
	s8 =	smul.u32 $0x2800, s2  }
0x9: {  	_ =	strace $0x80000047;
	s2 =	ssub.s32 $0x2, s2;
	s6 =	sor.u32 s10, s6  }
0xa: {  	s10 =	smul.u32 $0x28000, s10;
	s18 =	sshrl.u32 s2, $0x1;
	s15 =	sadd.s32 s7, s4  }
0xb: {  	s6 =	smul.u32 $0x4E2, s6;
	s8 =	sadd.s32 s7, s8;
	s2 =	ssub.s32 s2, s18  }
0xc: {  	s18 =	simm.s32 $0xC;
	s7 =	simm.s32 $0x7;
	s10 =	sshrl.u32 s10, $0x2  }
0xd: {  	s9 =	sshll.u32 s8, $0x3;
	s30 =	smax.u32 s2, $0x1;
	s20 =	sadd.s32 s10, s3  }
0xe: {  	s17 =	sshrl.u32 s8, $0x3;
	[dreg:$0xd] =	wrdreg s30;
	s19 =	sadd.s32 $0x2000, s20  }
0xf: {  	s2 =	simm.s32 $0x2;
	s21 =	sadd.s32 $0x4000, s20;
	[dreg:$0x5] =	wrdreg s19  }
0x10: {  	s12 =	sadd.s32 s6, s0;
	s22 =	sadd.s32 $0x6000, s20;
	[dreg:$0x6] =	wrdreg s21  }
0x11: {  	s9 =	sadd.s32 s9, s0;
	s23 =	sadd.s32 $0x8000, s20;
	[dreg:$0x7] =	wrdreg s22  }
0x12: {  	s0 =	sadd.s32 s17, s0;
	s24 =	sadd.s32 $0xB000, s12;
	[dreg:$0x8] =	wrdreg s23  }
0x13: {  	s10 =	simm.s32 $0x8;
	s25 =	sadd.s32 $0x1200, s12;
	[dreg:$0x9] =	wrdreg s24  }
.Ltmp0:
0x14: {  	s26 =	sadd.s32 $0x15800, s9;
	[dreg:$0xa] =	wrdreg s25;
	(pc) =	sbr.rel .LBB2_1-.Ltmp0, $4  }
0x15: {  	s0 =	sadd.s32 $0x14E00, s0;
	s9 =	simm.s32 $0x4;
	[dreg:$0xb] =	wrdreg s26  }
0x16: {  	[dreg:$0xc] =	wrdreg s0;
	s19 =	simm.s32 $0xD220;
	s21 =	simm.s32 $0x50  }
0x17: {  	s22 =	simm.s32 $0x4E20;
	s23 =	simm.s32 $0x6220;
	s25 =	simm.s32 $0x7620  }
0x18: {  	v0 =	vimm.f32 $0.0e+00;
	v1 =	vimm.f32 $1.000000000e+00;
	s0 =	simm.s32 $0x6;
	s24 =	simm.s32 $0xB;
	s26 =	simm.s32 $0x3  }
.LBB2_6:
0x19: {  	[spmem:s3] =	stream.indirect.scatter.add.f32 [tilespmem:s31], [sflag:$0xA], $0x40, s12, s21, $0xb8;
	[tilespmem:$0x17720] =	vst v63  }
0x1a: {  	_ = 	snop  }
0x1b: {  	[spmem:s4] =	stream.indirect.scatter.add.f32 [tilespmem:s19], [sflag:$0xB], $0x1, s12, s21, $0xb8;
	[tilespmem:$0x17720] =	vst v63  }
0x1c: {  	_ =	swait.ge [sflag:s16], $0x1400  }
0x1d: {  	[sflag:s16] =	ssyncset.done $0x0  }
0x1e: {  	[sflag:s16] =	ssyncadd.s32 $0xFFFFEC00  }
0x1f: {  	_ =	swait.ge [sflag:s24], $0x50  }
0x20: {  	[sflag:s24] =	ssyncset.done $0x0  }
0x21: {  	s8 =	stileid.u32;
	[sflag:s24] =	ssyncadd.s32 $0xFFFFFFB0  }
0x22: {  	s8 =	sshll.u32 s8, $0x6;
	[bflag:$0x0] =	sbarrier.arrive $0xFFFF  }
0x23: {  	s11 =	sshrl.u32 s17, $0x3;
	s8 =	sor.u32 $0x1C0C, s8;
	s30 =	rddreg [dreg:$0xb]  }
0x24: {  	[hbm:s30], [sflag:s8] =	dma.local [spmem:s11], $0x1400  }
0x25: {  	_ =	swait.ge [sflag:s18], $0x1400  }
0x26: {  	s20 =	smov.u32 s17;
	[sflag:s18] =	ssyncset.done $0x0  }
0x27: {  	s12 =	sshrl.u32 s6, $0x3;
	s17 =	rddreg [dreg:$0xc];
	[sflag:s18] =	ssyncadd.s32 $0xFFFFEC00  }
0x28: {  	[hbm:s17], [sflag:s8] =	dma.local [spmem:s12], $0x50  }
0x29: {  	_ =	swait.ge [sflag:s18], $0x50  }
0x2a: {  	s5 =	sadd.s32 $0x1, s5;
	s30 =	rddreg [dreg:$0xd]  }
0x2b: {  	p0 =	sne.s32 s5, s30  }
.Ltmp1:
0x2c: {  	_ = 	snop;
	(pc) =	sbr.rel @!p0 .LBB2_7-.Ltmp1, $3  }
0x2d: {  	_ =	sdelay $0x1  }
0x2e: {  	[sflag:s18] =	ssyncset.done $0x0  }
0x2f: {  	s15 =	smov.u32 s6;
	[sflag:s18] =	ssyncadd.s32 $0xFFFFFFB0  }
.LBB2_1:
0x30: {  	s30 =	simm.s32 $0x100;
	s8 =	simm.s32 $0x0  }
.LBB2_2:
0x31: {  	p0 =	sne.s32 s30, $0x7F00;
	[tilespmem:s8+$0xB250] =	vst v0;
	s12 =	smov.u32 s30;
	s30 =	sadd.s32 $0x100, s30  }
.Ltmp2:
0x32: {  	[tilespmem:s8+$0xB240] =	vst v0;
	(pc) =	sbr.rel @p0 .LBB2_2-.Ltmp2, $3  }
0x33: {  	[tilespmem:s8+$0xB220] =	vst v0  }
0x34: {  	[tilespmem:s8+$0xB230] =	vst v0;
	_ =	sdelay $0x1  }
0x35: {  	s8 =	sshra.s32 s12, $0x2  }
0x36: {  	[tilespmem:s8+$0xB250] =	vst v0  }
0x37: {  	[tilespmem:s8+$0xB240] =	vst v0  }
0x38: {  	[tilespmem:s8+$0xB220] =	vst v0  }
0x39: {  	[tilespmem:s8+$0xB230] =	vst v0;
	s6 =	simm.s32 $0xB220  }
0x3a: {  	[spmem:s20] =	stream.linear.scatter [tilespmem:s6], [sflag:$0xC], $0x2000, $0x38;
	[tilespmem:$0x17720] =	vst v63  }
0x3b: {  	_ =	swait.ge [sflag:s18], $0x2000  }
0x3c: {  	[sflag:s18] =	ssyncset.done $0x0  }
0x3d: {  	s12 =	rddreg [dreg:$0x5];
	[sflag:s18] =	ssyncadd.s32 $0xFFFFE000  }
0x3e: {  	[spmem:s12] =	stream.linear.scatter [tilespmem:s6], [sflag:$0xC], $0x2000, $0x38;
	[tilespmem:$0x17720] =	vst v63  }
0x3f: {  	_ =	swait.ge [sflag:s18], $0x2000  }
0x40: {  	[sflag:s18] =	ssyncset.done $0x0  }
0x41: {  	s17 =	smov.u32 s20;
	s20 =	rddreg [dreg:$0x6];
	[sflag:s18] =	ssyncadd.s32 $0xFFFFE000  }
0x42: {  	[spmem:s20] =	stream.linear.scatter [tilespmem:s6], [sflag:$0xC], $0x2000, $0x38;
	[tilespmem:$0x17720] =	vst v63  }
0x43: {  	_ =	swait.ge [sflag:s18], $0x2000  }
0x44: {  	[sflag:s18] =	ssyncset.done $0x0  }
0x45: {  	s11 =	rddreg [dreg:$0x7];
	[sflag:s18] =	ssyncadd.s32 $0xFFFFE000  }
0x46: {  	[spmem:s11] =	stream.linear.scatter [tilespmem:s6], [sflag:$0xC], $0x2000, $0x38;
	[tilespmem:$0x17720] =	vst v63  }
0x47: {  	_ =	swait.ge [sflag:s18], $0x2000  }
0x48: {  	[sflag:s18] =	ssyncset.done $0x0  }
0x49: {  	s12 =	rddreg [dreg:$0x8];
	[sflag:s18] =	ssyncadd.s32 $0xFFFFE000  }
0x4a: {  	[spmem:s12] =	stream.linear.scatter [tilespmem:s6], [sflag:$0xC], $0x2000, $0x38;
	[tilespmem:$0x17720] =	vst v63  }
0x4b: {  	_ =	swait.ge [sflag:s18], $0x2000  }
0x4c: {  	[sflag:s18] =	ssyncset.done $0x0  }
0x4d: {  	[sflag:s18] =	ssyncadd.s32 $0xFFFFE000  }
0x4e: {  	[tilespmem:$0xD220] =	vst v0  }
0x4f: {  	[tilespmem:$0xD230] =	vst v0  }
0x50: {  	[tilespmem:$0xD240] =	vst v0  }
0x51: {  	[tilespmem:$0xD250] =	vst v0  }
0x52: {  	[tilespmem:$0xD260] =	vst v0  }
0x53: {  	[tilespmem:$0xD270] =	vst v0  }
0x54: {  	[tilespmem:$0xD280] =	vst v0  }
0x55: {  	[tilespmem:$0xD290] =	vst v0  }
0x56: {  	[tilespmem:$0xD2A0] =	vst v0  }
0x57: {  	[tilespmem:$0xD2B0] =	vst v0  }
0x58: {  	[tilespmem:$0xD2C0] =	vst v0  }
0x59: {  	[tilespmem:$0xD2D0] =	vst v0  }
0x5a: {  	[tilespmem:$0xD2E0] =	vst v0  }
0x5b: {  	[tilespmem:$0xD2F0] =	vst v0  }
0x5c: {  	[tilespmem:$0xD300] =	vst v0  }
0x5d: {  	[tilespmem:$0xD310] =	vst v0  }
0x5e: {  	[tilespmem:$0xD320] =	vst v0  }
0x5f: {  	[tilespmem:$0xD330] =	vst v0  }
0x60: {  	[tilespmem:$0xD340] =	vst v0  }
0x61: {  	[tilespmem:$0xD350] =	vst v0  }
0x62: {  	[tilespmem:$0xD360] =	vst v0  }
0x63: {  	[tilespmem:$0xD370] =	vst v0  }
0x64: {  	[tilespmem:$0xD380] =	vst v0  }
0x65: {  	[tilespmem:$0xD390] =	vst v0  }
0x66: {  	[tilespmem:$0xD3A0] =	vst v0  }
0x67: {  	[tilespmem:$0xD3B0] =	vst v0  }
0x68: {  	[tilespmem:$0xD3C0] =	vst v0  }
0x69: {  	[tilespmem:$0xD3D0] =	vst v0  }
0x6a: {  	[tilespmem:$0xD3E0] =	vst v0  }
0x6b: {  	[tilespmem:$0xD3F0] =	vst v0  }
0x6c: {  	[tilespmem:$0xD400] =	vst v0  }
0x6d: {  	[tilespmem:$0xD410] =	vst v0  }
0x6e: {  	[tilespmem:$0xD420] =	vst v0  }
0x6f: {  	[tilespmem:$0xD430] =	vst v0  }
0x70: {  	[tilespmem:$0xD440] =	vst v0  }
0x71: {  	[tilespmem:$0xD450] =	vst v0  }
0x72: {  	[tilespmem:$0xD460] =	vst v0  }
0x73: {  	[tilespmem:$0xD470] =	vst v0  }
0x74: {  	[tilespmem:$0xD480] =	vst v0  }
0x75: {  	[tilespmem:$0xD490] =	vst v0  }
0x76: {  	[spmem:s15] =	stream.linear.scatter [tilespmem:s19], [sflag:$0xC], $0x280, $0x38;
	[tilespmem:$0x17720] =	vst v63  }
0x77: {  	_ =	swait.ge [sflag:s18], $0x280  }
0x78: {  	[sflag:s18] =	ssyncset.done $0x0  }
0x79: {  	[sflag:s18] =	ssyncadd.s32 $0xFFFFFD80  }
0x7a: {  	[tilespmem:$0xD220] =	vst v1  }
0x7b: {  	[tilespmem:$0xD230] =	vst v1  }
0x7c: {  	[tilespmem:$0xD240] =	vst v1  }
0x7d: {  	[tilespmem:$0xD250] =	vst v1  }
0x7e: {  	s30 =	simm.s32 $0x0;
	s6 =	smov.u32 s15;
	s15 =	rddreg [dreg:$0x9];
	[tilespmem:$0xD260] =	vst v1  }
0x7f: {  	[tilespmem:s30], [sflag:$0xC] =	stream.linear.gather [hbm4b:s15+s30], $0x2710, $0x38;
	[tilespmem:$0x17720] =	vst v63  }
0x80: {  	_ =	swait.ge [sflag:s18], $0x2710  }
0x81: {  	[sflag:s18] =	ssyncset.done $0x0  }
0x82: {  	s11 =	simm.s32 $0x2710;
	s20 =	rddreg [dreg:$0xa];
	[sflag:s18] =	ssyncadd.s32 $0xFFFFD8F0  }
0x83: {  	[tilespmem:s11], [sflag:$0xC] =	stream.linear.gather [hbm4b:s20+s30], $0x2710, $0x38;
	[tilespmem:$0x17720] =	vst v63  }
0x84: {  	_ =	swait.ge [sflag:s18], $0x2710  }
0x85: {  	[sflag:s18] =	ssyncset.done $0x0  }
0x86: {  	[sflag:s18] =	ssyncadd.s32 $0xFFFFD8F0  }
0x87: {  	[tilespmem:s22], [sflag:$0x1] =	stream.indirect.gather [hbm4b:s1+s21], $0x40, s30, s21, $0xb8;
	[tilespmem:$0x17720] =	vst v63  }
0x88: {  	_ = 	snop  }
0x89: {  	[tilespmem:s23], [sflag:$0x2] =	stream.indirect.gather [hbm4b:s1+s21], $0x40, s21, s21, $0xb8;
	[tilespmem:$0x17720] =	vst v63  }
0x8a: {  	s12 =	simm.s32 $0xA0  }
0x8b: {  	[tilespmem:s25], [sflag:$0x3] =	stream.indirect.gather [hbm4b:s1+s21], $0x40, s12, s21, $0xb8;
	[tilespmem:$0x17720] =	vst v63  }
0x8c: {  	s15 =	simm.s32 $0xF0  }
0x8d: {  	[tilespmem:s28], [sflag:$0x4] =	stream.indirect.gather [hbm4b:s1+s21], $0x40, s15, s21, $0xb8;
	[tilespmem:$0x17720] =	vst v63  }
0x8e: {  	[bflag:$0x0] =	sbarrier.arrive $0xFFFF  }
0x8f: {  	_ =	swait.ge [sflag:s29], $0x1400  }
0x90: {  	[sflag:s29] =	ssyncset.done $0x0  }
0x91: {  	s20 =	simm.s32 $0x140;
	[sflag:s29] =	ssyncadd.s32 $0xFFFFEC00  }
0x92: {  	[tilespmem:s31], [sflag:$0x5] =	stream.indirect.gather [hbm4b:s1+s21], $0x40, s20, s21, $0xb8;
	[tilespmem:$0x17720] =	vst v63  }
0x93: {  	_ = 	snop  }
0x94: {  	[spmem:s3] =	stream.indirect.scatter.add.f32 [tilespmem:s22], [sflag:$0x6], $0x40, s11, s21, $0xb8;
	[tilespmem:$0x17720] =	vst v63  }
0x95: {  	_ = 	snop  }
0x96: {  	[spmem:s4] =	stream.indirect.scatter.add.f32 [tilespmem:s19], [sflag:$0xB], $0x1, s11, s21, $0xb8;
	[tilespmem:$0x17720] =	vst v63  }
0x97: {  	_ =	swait.ge [sflag:s2], $0x1400  }
0x98: {  	[sflag:s2] =	ssyncset.done $0x0  }
0x99: {  	[sflag:s2] =	ssyncadd.s32 $0xFFFFEC00  }
0x9a: {  	_ =	swait.ge [sflag:s0], $0x1400  }
0x9b: {  	[sflag:s0] =	ssyncset.done $0x0  }
0x9c: {  	[sflag:s0] =	ssyncadd.s32 $0xFFFFEC00  }
0x9d: {  	_ =	swait.ge [sflag:s24], $0x50  }
0x9e: {  	[sflag:s24] =	ssyncset.done $0x0  }
0x9f: {  	s11 =	simm.s32 $0x190;
	[sflag:s24] =	ssyncadd.s32 $0xFFFFFFB0  }
0xa0: {  	[tilespmem:s22], [sflag:$0x1] =	stream.indirect.gather [hbm4b:s1+s21], $0x40, s11, s21, $0xb8;
	[tilespmem:$0x17720] =	vst v63  }
0xa1: {  	s12 =	simm.s32 $0x2760  }
0xa2: {  	[spmem:s3] =	stream.indirect.scatter.add.f32 [tilespmem:s23], [sflag:$0x7], $0x40, s12, s21, $0xb8;
	[tilespmem:$0x17720] =	vst v63  }
0xa3: {  	_ = 	snop  }
0xa4: {  	[spmem:s4] =	stream.indirect.scatter.add.f32 [tilespmem:s19], [sflag:$0xB], $0x1, s12, s21, $0xb8;
	[tilespmem:$0x17720] =	vst v63  }
0xa5: {  	_ =	swait.ge [sflag:s26], $0x1400  }
0xa6: {  	[sflag:s26] =	ssyncset.done $0x0  }
0xa7: {  	[sflag:s26] =	ssyncadd.s32 $0xFFFFEC00  }
0xa8: {  	_ =	swait.ge [sflag:s7], $0x1400  }
0xa9: {  	[sflag:s7] =	ssyncset.done $0x0  }
0xaa: {  	[sflag:s7] =	ssyncadd.s32 $0xFFFFEC00  }
0xab: {  	_ =	swait.ge [sflag:s24], $0x50  }
0xac: {  	[sflag:s24] =	ssyncset.done $0x0  }
0xad: {  	s15 =	simm.s32 $0x1E0;
	[sflag:s24] =	ssyncadd.s32 $0xFFFFFFB0  }
0xae: {  	[tilespmem:s23], [sflag:$0x2] =	stream.indirect.gather [hbm4b:s1+s21], $0x40, s15, s21, $0xb8;
	[tilespmem:$0x17720] =	vst v63  }
0xaf: {  	s20 =	simm.s32 $0x27B0  }
0xb0: {  	[spmem:s3] =	stream.indirect.scatter.add.f32 [tilespmem:s25], [sflag:$0x8], $0x40, s20, s21, $0xb8;
	[tilespmem:$0x17720] =	vst v63  }
0xb1: {  	_ = 	snop  }
0xb2: {  	[spmem:s4] =	stream.indirect.scatter.add.f32 [tilespmem:s19], [sflag:$0xB], $0x1, s20, s21, $0xb8;
	[tilespmem:$0x17720] =	vst v63  }
0xb3: {  	_ =	swait.ge [sflag:s9], $0x1400  }
0xb4: {  	[sflag:s9] =	ssyncset.done $0x0  }
0xb5: {  	[sflag:s9] =	ssyncadd.s32 $0xFFFFEC00  }
0xb6: {  	_ =	swait.ge [sflag:s10], $0x1400  }
0xb7: {  	[sflag:s10] =	ssyncset.done $0x0  }
0xb8: {  	[sflag:s10] =	ssyncadd.s32 $0xFFFFEC00  }
0xb9: {  	_ =	swait.ge [sflag:s24], $0x50  }
0xba: {  	[sflag:s24] =	ssyncset.done $0x0  }
0xbb: {  	s11 =	simm.s32 $0x230;
	[sflag:s24] =	ssyncadd.s32 $0xFFFFFFB0  }
0xbc: {  	[tilespmem:s25], [sflag:$0x3] =	stream.indirect.gather [hbm4b:s1+s21], $0x40, s11, s21, $0xb8;
	[tilespmem:$0x17720] =	vst v63  }
0xbd: {  	s12 =	simm.s32 $0x2800  }
0xbe: {  	[spmem:s3] =	stream.indirect.scatter.add.f32 [tilespmem:s28], [sflag:$0x9], $0x40, s12, s21, $0xb8;
	[tilespmem:$0x17720] =	vst v63  }
0xbf: {  	_ = 	snop  }
0xc0: {  	[spmem:s4] =	stream.indirect.scatter.add.f32 [tilespmem:s19], [sflag:$0xB], $0x1, s12, s21, $0xb8;
	[tilespmem:$0x17720] =	vst v63  }
0xc1: {  	_ =	swait.ge [sflag:s13], $0x1400  }
0xc2: {  	[sflag:s13] =	ssyncset.done $0x0  }
0xc3: {  	[sflag:s13] =	ssyncadd.s32 $0xFFFFEC00  }
0xc4: {  	_ =	swait.ge [sflag:s14], $0x1400  }
0xc5: {  	[sflag:s14] =	ssyncset.done $0x0  }
0xc6: {  	[sflag:s14] =	ssyncadd.s32 $0xFFFFEC00  }
0xc7: {  	_ =	swait.ge [sflag:s24], $0x50  }
0xc8: {  	[sflag:s24] =	ssyncset.done $0x0  }
0xc9: {  	s15 =	simm.s32 $0x280;
	[sflag:s24] =	ssyncadd.s32 $0xFFFFFFB0  }
0xca: {  	[tilespmem:s28], [sflag:$0x4] =	stream.indirect.gather [hbm4b:s1+s21], $0x40, s15, s21, $0xb8;
	[tilespmem:$0x17720] =	vst v63  }
0xcb: {  	s20 =	simm.s32 $0x2850  }
0xcc: {  	[spmem:s3] =	stream.indirect.scatter.add.f32 [tilespmem:s31], [sflag:$0xA], $0x40, s20, s21, $0xb8;
	[tilespmem:$0x17720] =	vst v63  }
0xcd: {  	_ = 	snop  }
0xce: {  	[spmem:s4] =	stream.indirect.scatter.add.f32 [tilespmem:s19], [sflag:$0xB], $0x1, s20, s21, $0xb8;
	[tilespmem:$0x17720] =	vst v63  }
.LBB2_4:
0xcf: {  	_ =	swait.ge [sflag:s29], $0x1400  }
0xd0: {  	[sflag:s29] =	ssyncset.done $0x0  }
0xd1: {  	[sflag:s29] =	ssyncadd.s32 $0xFFFFEC00  }
0xd2: {  	_ =	swait.ge [sflag:s16], $0x1400  }
0xd3: {  	[sflag:s16] =	ssyncset.done $0x0  }
0xd4: {  	[sflag:s16] =	ssyncadd.s32 $0xFFFFEC00  }
0xd5: {  	_ =	swait.ge [sflag:s24], $0x50  }
0xd6: {  	s8 =	sshra.s32 s30, $0x2;
	[sflag:s24] =	ssyncset.done $0x0  }
0xd7: {  	s12 =	sadd.s32 $0x2D0, s8;
	[sflag:s24] =	ssyncadd.s32 $0xFFFFFFB0  }
0xd8: {  	[tilespmem:s31], [sflag:$0x5] =	stream.indirect.gather [hbm4b:s1+s21], $0x40, s12, s21, $0xb8;
	[tilespmem:$0x17720] =	vst v63  }
0xd9: {  	s11 =	sadd.s32 $0x28A0, s8  }
0xda: {  	[spmem:s3] =	stream.indirect.scatter.add.f32 [tilespmem:s22], [sflag:$0x6], $0x40, s11, s21, $0xb8;
	[tilespmem:$0x17720] =	vst v63  }
0xdb: {  	_ = 	snop  }
0xdc: {  	[spmem:s4] =	stream.indirect.scatter.add.f32 [tilespmem:s19], [sflag:$0xB], $0x1, s11, s21, $0xb8;
	[tilespmem:$0x17720] =	vst v63  }
0xdd: {  	_ =	swait.ge [sflag:s2], $0x1400  }
0xde: {  	[sflag:s2] =	ssyncset.done $0x0  }
0xdf: {  	[sflag:s2] =	ssyncadd.s32 $0xFFFFEC00  }
0xe0: {  	_ =	swait.ge [sflag:s0], $0x1400  }
0xe1: {  	[sflag:s0] =	ssyncset.done $0x0  }
0xe2: {  	[sflag:s0] =	ssyncadd.s32 $0xFFFFEC00  }
0xe3: {  	p0 =	seq.s32 s30, $0x8FC0;
	_ =	swait.ge [sflag:s24], $0x50  }
0xe4: {  	s20 =	simm.s32 @!p0 $0x50;
	s12 =	sshra.s32 @!p0 s30, $0x2;
	[sflag:s24] =	ssyncset.done $0x0  }
0xe5: {  	s15 =	sadd.s32 @!p0 $0x320, s12;
	s11 =	simm.s32 @!p0 $0x4E20;
	[sflag:s24] =	ssyncadd.s32 $0xFFFFFFB0  }
0xe6: {  	[tilespmem:s11], [sflag:$0x1] =	stream.indirect.gather @!p0 [hbm4b:s1+s20], $0x40, s15, s20, $0xb8;
	[tilespmem:$0x17720] =	vst v63  }
0xe7: {  	s15 =	sadd.s32 $0x28F0, s8  }
0xe8: {  	[spmem:s3] =	stream.indirect.scatter.add.f32 [tilespmem:s23], [sflag:$0x7], $0x40, s15, s21, $0xb8;
	[tilespmem:$0x17720] =	vst v63  }
0xe9: {  	_ = 	snop  }
0xea: {  	[spmem:s4] =	stream.indirect.scatter.add.f32 [tilespmem:s19], [sflag:$0xB], $0x1, s15, s21, $0xb8;
	[tilespmem:$0x17720] =	vst v63  }
0xeb: {  	_ =	swait.ge [sflag:s26], $0x1400  }
0xec: {  	[sflag:s26] =	ssyncset.done $0x0  }
0xed: {  	[sflag:s26] =	ssyncadd.s32 $0xFFFFEC00  }
0xee: {  	_ =	swait.ge [sflag:s7], $0x1400  }
0xef: {  	[sflag:s7] =	ssyncset.done $0x0  }
0xf0: {  	[sflag:s7] =	ssyncadd.s32 $0xFFFFEC00  }
0xf1: {  	_ =	swait.ge [sflag:s24], $0x50  }
0xf2: {  	[sflag:s24] =	ssyncset.done $0x0  }
0xf3: {  	s11 =	sadd.s32 @!p0 $0x370, s12;
	s15 =	simm.s32 @!p0 $0x6220;
	[sflag:s24] =	ssyncadd.s32 $0xFFFFFFB0  }
0xf4: {  	[tilespmem:s15], [sflag:$0x2] =	stream.indirect.gather @!p0 [hbm4b:s1+s20], $0x40, s11, s20, $0xb8;
	[tilespmem:$0x17720] =	vst v63  }
0xf5: {  	s15 =	sadd.s32 $0x2940, s8  }
0xf6: {  	[spmem:s3] =	stream.indirect.scatter.add.f32 [tilespmem:s25], [sflag:$0x8], $0x40, s15, s21, $0xb8;
	[tilespmem:$0x17720] =	vst v63  }
0xf7: {  	_ = 	snop  }
0xf8: {  	[spmem:s4] =	stream.indirect.scatter.add.f32 [tilespmem:s19], [sflag:$0xB], $0x1, s15, s21, $0xb8;
	[tilespmem:$0x17720] =	vst v63  }
0xf9: {  	_ =	swait.ge [sflag:s9], $0x1400  }
0xfa: {  	[sflag:s9] =	ssyncset.done $0x0  }
0xfb: {  	[sflag:s9] =	ssyncadd.s32 $0xFFFFEC00  }
0xfc: {  	_ =	swait.ge [sflag:s10], $0x1400  }
0xfd: {  	[sflag:s10] =	ssyncset.done $0x0  }
0xfe: {  	[sflag:s10] =	ssyncadd.s32 $0xFFFFEC00  }
0xff: {  	_ =	swait.ge [sflag:s24], $0x50  }
0x100: {  	[sflag:s24] =	ssyncset.done $0x0  }
0x101: {  	s11 =	sadd.s32 @!p0 $0x3C0, s12;
	s12 =	simm.s32 @!p0 $0x7620;
	[sflag:s24] =	ssyncadd.s32 $0xFFFFFFB0  }
0x102: {  	[tilespmem:s12], [sflag:$0x3] =	stream.indirect.gather @!p0 [hbm4b:s1+s20], $0x40, s11, s20, $0xb8;
	[tilespmem:$0x17720] =	vst v63  }
0x103: {  	s20 =	sadd.s32 $0x2990, s8  }
0x104: {  	[spmem:s3] =	stream.indirect.scatter.add.f32 [tilespmem:s28], [sflag:$0x9], $0x40, s20, s21, $0xb8;
	[tilespmem:$0x17720] =	vst v63  }
0x105: {  	_ = 	snop  }
0x106: {  	[spmem:s4] =	stream.indirect.scatter.add.f32 [tilespmem:s19], [sflag:$0xB], $0x1, s20, s21, $0xb8;
	[tilespmem:$0x17720] =	vst v63  }
0x107: {  	_ =	swait.ge [sflag:s13], $0x1400  }
0x108: {  	[sflag:s13] =	ssyncset.done $0x0  }
0x109: {  	[sflag:s13] =	ssyncadd.s32 $0xFFFFEC00  }
0x10a: {  	_ =	swait.ge [sflag:s14], $0x1400  }
.Ltmp3:
0x10b: {  	[sflag:s14] =	ssyncset.done $0x0;
	(pc) =	sbr.rel @p0 .LBB2_6-.Ltmp3, $4  }
0x10c: {  	[sflag:s14] =	ssyncadd.s32 $0xFFFFEC00  }
0x10d: {  	_ =	swait.ge [sflag:s24], $0x50  }
0x10e: {  	[sflag:s24] =	ssyncset.done $0x0  }
0x10f: {  	s12 =	sadd.s32 $0x29E0, s8;
	[sflag:s24] =	ssyncadd.s32 $0xFFFFFFB0  }
0x110: {  	s8 =	sadd.s32 $0x410, s8  }
0x111: {  	[tilespmem:s28], [sflag:$0x4] =	stream.indirect.gather [hbm4b:s1+s21], $0x40, s8, s21, $0xb8;
	[tilespmem:$0x17720] =	vst v63  }
.Ltmp4:
0x112: {  	_ = 	snop;
	(pc) =	sbr.rel .LBB2_4-.Ltmp4, $4  }
0x113: {  	_ = 	snop  }
0x114: {  	[spmem:s3] =	stream.indirect.scatter.add.f32 [tilespmem:s31], [sflag:$0xA], $0x40, s12, s21, $0xb8;
	[tilespmem:$0x17720] =	vst v63  }
0x115: {  	s30 =	sadd.s32 $0x640, s30  }
0x116: {  	[spmem:s4] =	stream.indirect.scatter.add.f32 [tilespmem:s19], [sflag:$0xB], $0x1, s12, s21, $0xb8;
	[tilespmem:$0x17720] =	vst v63  }
.LBB2_7:
0x117: {  	_ =	sfence.sel $0x180000  }
0x118: {  	[bflag:$0x0] =	sbarrier.arrive $0xFFFF  }
0x119: {  	_ =	strace $0x90000047  }
0x11a: {  	s0 =	stileid.u32;
	[bflag:$0x2] =	sbarrier.arrive $0xFFFF  }
0x11b: {  	p0 =	sne.s32 s0, $0x0;
	s0 =	rddreg [dreg:$0x4]  }
0x11c: {  	s0 =	sadd.s32 @!p0 $0x100000, s0  }
0x11d: {  	[sflag:s0] =	ssyncadd.tile.s32 @!p0 $0x1;
	_ =	shalt  }
.Lfunc_end2:
_tile_overlayer_lowered:
.L_overlay_start_2:
0x11e: {  	(tag) =	ssettag $0x2  }
0x11f: {  	s0 =	rddreg [dreg:$0x0];
	s2 =	stileid.u32  }
0x120: {  	s1 =	rddreg [dreg:$0x1];
	p0 =	sne.s32 s2, $0x0  }
0x121: {  	s3 =	rddreg [dreg:$0x2];
	[bflag:$0x3] =	sbarrier.arrive $0xFFFF;
	s2 =	simm.s32 @!p0 $0x1C0C  }
0x122: {  	[timem:s3], [sflag:s2] =	dma.local @!p0 [hbm:s0], s1  }
0x123: {  	s0 =	simm.s32 @!p0 $0xC  }
0x124: {  	_ =	swait.ge @!p0 [sflag:s0], s1  }
0x125: {  	s1 =	ssub.s32 @!p0 $0x0, s1;
	[sflag:s0] =	ssyncset.done @!p0 $0x0  }
0x126: {  	[sflag:s0] =	ssyncadd.s32 @!p0 s1  }
0x127: {  	[bflag:$0x3] =	sbarrier.arrive $0xFFFF  }
0x128: {  	_ =	shalt  }

</sc_bundles>
